<compile_context>
chip_gen: v7x
topology: tpu7x:2x2x1
jax: 0.10.2.dev20260603
libtpu: 0.0.44.dev20260713+nightly
codegen_flags: <defaults>
</compile_context>

<pallas_src>
import functools

import jax
import jax.numpy as jnp
from jax import lax
from jax.experimental import pallas as pl
from jax.experimental.pallas import tpu as pltpu
from jax.experimental.pallas import tpu_sc as plsc

_VOCAB = 1000000
_HIDDEN = 64
_EMBED = 64
_B = 16384
_L = 200

_ROWS_PER_BLOCK = 32
_U = 4096
_NBLK = -(-_VOCAB // (2 * _U))


def _tc_pack_transpose(tableT):

    def body(x_ref, o_ref):
        x = x_ref[...]
        o_ref[:, 0:_HIDDEN] = x[:, : _U].T
        o_ref[:, _HIDDEN:] = x[:, _U:].T

    return pl.pallas_call(
        body,
        grid=(_NBLK,),
        in_specs=[pl.BlockSpec((_HIDDEN, 2 * _U), lambda i: (0, i))],
        out_specs=pl.BlockSpec((_U, 2 * _HIDDEN), lambda i: (i, 0)),
        out_shape=jax.ShapeDtypeStruct((_NBLK * _U, 2 * _HIDDEN),
                                       jnp.float32),
    )(tableT)


def _sc_pool(tokens2d, table_lin):
    info = plsc.get_sparse_core_info()
    nc, ns = info.num_cores, info.num_subcores
    nw = nc * ns
    rows_per_w = _B // nw
    npairs = rows_per_w // 2
    idx_per_block = _ROWS_PER_BLOCK * _L
    nchunks = idx_per_block // 16
    inv_l = jnp.float32(1.0 / _L)

    mesh = plsc.VectorSubcoreMesh(core_axis_name="c", subcore_axis_name="s")

    @functools.partial(
        pl.kernel,
        mesh=mesh,
        out_type=jax.ShapeDtypeStruct((_B, _HIDDEN), jnp.float32),
        scratch_types=[
            pltpu.VMEM((2, _ROWS_PER_BLOCK, _L), jnp.int32),
            pltpu.VMEM((_L, _HIDDEN), jnp.float32),
            pltpu.VMEM((_L, _HIDDEN), jnp.float32),
            pltpu.VMEM((_L, _HIDDEN), jnp.float32),
            pltpu.VMEM((_L, _HIDDEN), jnp.float32),
            pltpu.VMEM((_ROWS_PER_BLOCK, _HIDDEN), jnp.float32),
            pltpu.SemaphoreType.DMA,
            pltpu.SemaphoreType.DMA,
            pltpu.SemaphoreType.DMA,
            pltpu.SemaphoreType.DMA,
        ],
        compiler_params=pltpu.CompilerParams(use_tc_tiling_on_sc=False),
    )
    def pool(tokens_hbm, table_hbm, out_hbm, idx_v, buf0, buf1, buf2, buf3,
             pooled_v, sem0, sem1, sem2, sem3):
        wid = lax.axis_index("s") * nc + lax.axis_index("c")
        row0 = wid * rows_per_w

        def stage(blk):
            pltpu.sync_copy(
                tokens_hbm.at[pl.ds(row0 + blk * _ROWS_PER_BLOCK,
                                    _ROWS_PER_BLOCK)],
                idx_v.at[blk % 2])

        def _desc(r, buf, sem):
            blk = r // _ROWS_PER_BLOCK
            j = r % _ROWS_PER_BLOCK
            return pltpu.make_async_copy(
                table_hbm.at[idx_v.at[blk % 2, j]], buf, sem)

        def fire(r, buf, sem):
            _desc(r, buf, sem).start()

        def drain_acc(r, buf, sem):
            _desc(r, buf, sem).wait()

            def acc_body(l, accs):
                a0, a1, a2, a3 = accs
                a0 = a0 + buf[l, pl.ds(0, 16)]
                a1 = a1 + buf[l, pl.ds(16, 16)]
                a2 = a2 + buf[l, pl.ds(32, 16)]
                a3 = a3 + buf[l, pl.ds(48, 16)]
                return (a0, a1, a2, a3)

            z = jnp.zeros((16,), jnp.float32)
            a0, a1, a2, a3 = lax.fori_loop(0, _L, acc_body, (z, z, z, z),
                                           unroll=10)
            j = r % _ROWS_PER_BLOCK
            pooled_v[j, pl.ds(0, 16)] = a0 * inv_l
            pooled_v[j, pl.ds(16, 16)] = a1 * inv_l
            pooled_v[j, pl.ds(32, 16)] = a2 * inv_l
            pooled_v[j, pl.ds(48, 16)] = a3 * inv_l

        bufs = (buf0, buf1, buf2, buf3)
        sems = (sem0, sem1, sem2, sem3)

        stage(0)
        fire(0, buf0, sem0)
        fire(1, buf1, sem1)
        fire(2, buf2, sem2)

        def quad_body(i, carry):
            r = 4 * i
            fire(r + 3, buf3, sem3)

            for k in range(4):
                drain_acc(r + k, bufs[k], sems[k])

                @pl.when(jnp.logical_and(
                    (r + k + 4) % _ROWS_PER_BLOCK == 0,
                    r + k + 4 < rows_per_w))
                def _(k=k):
                    stage((r + k + 4) // _ROWS_PER_BLOCK)

                if k < 3:
                    @pl.when(r + k + 4 < rows_per_w)
                    def _(k=k):
                        fire(r + k + 4, bufs[k], sems[k])

            @pl.when((r + 3) % _ROWS_PER_BLOCK == _ROWS_PER_BLOCK - 1)
            def _():
                blk = (r + 3) // _ROWS_PER_BLOCK
                pltpu.sync_copy(
                    pooled_v,
                    out_hbm.at[pl.ds(row0 + blk * _ROWS_PER_BLOCK,
                                     _ROWS_PER_BLOCK)])

            return carry

        lax.fori_loop(0, rows_per_w // 4, quad_body, 0)

    return pool(tokens2d, table_lin)


def _tc_proj(pooled, W, b2):
    blk = 512

    def body(x_ref, w_ref, b_ref, o_ref):
        x = x_ref[...]
        w = w_ref[...]
        y = lax.dot_general(x, w, (((1,), (1,)), ((), ())),
                            preferred_element_type=jnp.float32)
        y = y + b_ref[...]
        n = jnp.sqrt(jnp.sum(y * y, axis=-1, keepdims=True))
        o_ref[...] = y / jnp.maximum(n, 1e-12)

    return pl.pallas_call(
        body,
        grid=(_B // blk,),
        in_specs=[
            pl.BlockSpec((blk, _HIDDEN), lambda i: (i, 0)),
            pl.BlockSpec((_EMBED, _HIDDEN), lambda i: (0, 0)),
            pl.BlockSpec((1, _EMBED), lambda i: (0, 0)),
        ],
        out_specs=pl.BlockSpec((blk, _EMBED), lambda i: (i, 0)),
        out_shape=jax.ShapeDtypeStruct((_B, _EMBED), jnp.float32),
    )(pooled, W, b2)


def kernel(token_ids, table, W, b):
    tableT = jnp.swapaxes(table, 0, 1)
    packed = _tc_pack_transpose(tableT)
    table_lin = packed.reshape(2 * _NBLK * _U, _HIDDEN)
    v = token_ids.astype(jnp.int32)
    q = jnp.bitwise_and(v, 2 * _U - 1)
    two = q + q
    remapped = v - q + jnp.where(q < _U, two, two - (2 * _U - 1))
    pooled = _sc_pool(remapped, table_lin)
    return _tc_proj(pooled, W, b.reshape(1, _EMBED))

# --- scband reference (transcript-rebuilt; emitter-appended) ---
"""Pipeline reference for scband-tiny-text-encoder-5282809774410 (READ-ONLY COPY).

The authoritative reference and input builder live on the scoring server;
editing this copy changes nothing except your own understanding.
"""

import jax, jax.numpy as jnp
import numpy as np

VOCAB = 1000000
HIDDEN = 64
EMBED = 64
B = 16384
L = 200

def setup_inputs(seed: int = 0) -> dict:
    key = jax.random.key(seed)
    k1, k2, k3, k4 = jax.random.split(key, 4)
    token_ids = jax.random.randint(k1, (B, L), 0, VOCAB)
    table = jax.random.normal(k2, (VOCAB, HIDDEN), dtype=jnp.float32) * 0.02
    W = jax.random.normal(k3, (EMBED, HIDDEN), dtype=jnp.float32) * 0.05
    b = jax.random.normal(k4, (EMBED,), dtype=jnp.float32) * 0.01
    return {"token_ids": token_ids, "table": table, "W": W, "b": b}

def reference(token_ids, table, W, b):
    # nn.Embedding lookup -> gather
    x = jnp.take(table, token_ids, axis=0)          # [B, L, HIDDEN]
    # mean over sequence dim
    x = x.mean(axis=1)                               # [B, HIDDEN]
    # nn.Linear: x @ W.T + b
    x = x @ W.T + b                                  # [B, EMBED]
    # F.normalize(x, dim=-1) with default p=2, eps=1e-12
    norm = jnp.linalg.norm(x, axis=-1, keepdims=True)
    return x / jnp.maximum(norm, 1e-12)

if __name__ == "__main__":
    import jax
    _d = setup_inputs()
    print(jax.jit(kernel)(*tuple(_d.values())))

</pallas_src>

<mosaic_0001>
#map = affine_map<(d0, d1) -> (0, 0)>
#map1 = affine_map<(d0, d1) -> (0)>
module attributes {stable_mosaic.version = 14 : i64} {
  func.func @_rewritten_body(%arg0: i32, %arg1: i32, %arg2: memref<16384x200xi32, #tpu.memory_space<hbm>>, %arg3: memref<1007616x64xf32, #tpu.memory_space<hbm>>, %arg4: memref<1xf32, #tpu.memory_space<hbm>>, %arg5: memref<16384x64xf32, #tpu.memory_space<hbm>>, %arg6: memref<2x32x200xi32, #tpu.memory_space<vmem>>, %arg7: memref<200x64xf32, #tpu.memory_space<vmem>>, %arg8: memref<200x64xf32, #tpu.memory_space<vmem>>, %arg9: memref<200x64xf32, #tpu.memory_space<vmem>>, %arg10: memref<200x64xf32, #tpu.memory_space<vmem>>, %arg11: memref<32x64xf32, #tpu.memory_space<vmem>>, %arg12: memref<!tpu.dma_semaphore, #tpu.memory_space<semaphore_mem>>, %arg13: memref<!tpu.dma_semaphore, #tpu.memory_space<semaphore_mem>>, %arg14: memref<!tpu.dma_semaphore, #tpu.memory_space<semaphore_mem>>, %arg15: memref<!tpu.dma_semaphore, #tpu.memory_space<semaphore_mem>>) attributes {dimension_semantics = [#tpu.dimension_semantics<core_parallel>, #tpu.dimension_semantics<subcore_parallel>], iteration_bounds = array<i64: 2, 16>, scalar_prefetch = 0 : i64, scratch_operands = 10 : i64, tpu.core_type = #tpu.core_type<sc_vector_subcore>, window_params = [{transform_indices = #map}, {transform_indices = #map}, {transform_indices = #map1}, {transform_indices = #map}]} {
    %empty_ref3A = memref.alloca() : memref<16xf32, #tpu.memory_space<vmem>>
    "tpu.region"() ({
      %run_scoped3A_35 = tpu.sem_alloc : memref<!tpu.dma_semaphore, #tpu.memory_space<semaphore_mem>>
      %dma_start3A_36 = arith.constant 0 : i32
      %dma_start3A_37 = tpu.memref_slice %empty_ref3A[%dma_start3A_36] : memref<16xf32, #tpu.memory_space<vmem>> -> memref<1xf32, #tpu.memory_space<vmem>>
      %dma_start3A_38 = arith.constant 0 : i32
      %dma_start3A_39 = tpu.memref_slice %empty_ref3A[%dma_start3A_38] : memref<16xf32, #tpu.memory_space<vmem>> -> memref<1xf32, #tpu.memory_space<vmem>>
      tpu.enqueue_dma source(%arg4 : memref<1xf32, #tpu.memory_space<hbm>>) target(%dma_start3A_39 : memref<1xf32, #tpu.memory_space<vmem>>) target_semaphore(%run_scoped3A_35 : memref<!tpu.dma_semaphore, #tpu.memory_space<semaphore_mem>>)
      %dma_wait3A = arith.constant 0 : i32
      %dma_wait3A_40 = tpu.memref_slice %empty_ref3A[%dma_wait3A] : memref<16xf32, #tpu.memory_space<vmem>> -> memref<1xf32, #tpu.memory_space<vmem>>
      %dma_wait3A_41 = arith.constant 0 : i32
      %dma_wait3A_42 = tpu.memref_slice %empty_ref3A[%dma_wait3A_41] : memref<16xf32, #tpu.memory_space<vmem>> -> memref<1xf32, #tpu.memory_space<vmem>>
      tpu.wait_dma2 semaphore(%run_scoped3A_35 : memref<!tpu.dma_semaphore, #tpu.memory_space<semaphore_mem>>) src(%arg4 : memref<1xf32, #tpu.memory_space<hbm>>) dst(%dma_wait3A_42 : memref<1xf32, #tpu.memory_space<vmem>>)
      tpu.yield
    }) : () -> ()
    %get3A = arith.constant 0 : index
    %get3A_0 = tpu.vector_load %empty_ref3A[%get3A] {strides = array<i32>} : memref<16xf32, #tpu.memory_space<vmem>>, vector<16xf32>,
    %get3A_1 = vector.shape_cast %get3A_0 : vector<16xf32> to vector<16xf32>
    %slice3A = vector.extract_strided_slice %get3A_1 {offsets = [0], sizes = [1], strides = [1]} : vector<16xf32> to vector<1xf32>
    %squeeze3A = vector.extract %slice3A[0] : f32 from vector<1xf32>
    %mul3A = arith.constant 2 : i32
    %mul3A_2 = arith.muli %arg1, %mul3A : i32
    %add3A = arith.addi %mul3A_2, %arg0 : i32
    %mul3A_3 = arith.constant 512 : i32
    %mul3A_4 = arith.muli %add3A, %mul3A_3 : i32
    %add3A_5 = arith.constant 0 : i32
    %add3A_6 = arith.addi %mul3A_4, %add3A_5 : i32
    %run_scoped3A = arith.constant 0 : i32
    "tpu.region"() ({
      %run_scoped3A_35 = tpu.sem_alloc : memref<!tpu.dma_semaphore, #tpu.memory_space<semaphore_mem>>
      %dma_start3A_36 = arith.constant 0 : i32
      %dma_start3A_37 = arith.constant 0 : i32
      %dma_start3A_38 = tpu.memref_slice %arg6[%run_scoped3A, %dma_start3A_36, %dma_start3A_37] : memref<2x32x200xi32, #tpu.memory_space<vmem>> -> memref<1x32x200xi32, #tpu.memory_space<vmem>>
      %dma_start3A_39 = tpu.memref_squeeze %dma_start3A_38 : memref<1x32x200xi32, #tpu.memory_space<vmem>> -> memref<32x200xi32, #tpu.memory_space<vmem>>
      %dma_start3A_40 = arith.constant 0 : i32
      %dma_start3A_41 = tpu.memref_slice %arg2[%add3A_6, %dma_start3A_40] : memref<16384x200xi32, #tpu.memory_space<hbm>> -> memref<32x200xi32, #tpu.memory_space<hbm>>
      %dma_start3A_42 = arith.constant 0 : i32
      %dma_start3A_43 = arith.constant 0 : i32
      %dma_start3A_44 = tpu.memref_slice %arg6[%run_scoped3A, %dma_start3A_42, %dma_start3A_43] : memref<2x32x200xi32, #tpu.memory_space<vmem>> -> memref<1x32x200xi32, #tpu.memory_space<vmem>>
      %dma_start3A_45 = tpu.memref_squeeze %dma_start3A_44 : memref<1x32x200xi32, #tpu.memory_space<vmem>> -> memref<32x200xi32, #tpu.memory_space<vmem>>
      %dma_start3A_46 = arith.constant 0 : i32
      %dma_start3A_47 = tpu.memref_slice %arg2[%add3A_6, %dma_start3A_46] : memref<16384x200xi32, #tpu.memory_space<hbm>> -> memref<32x200xi32, #tpu.memory_space<hbm>>
      tpu.enqueue_dma source(%dma_start3A_47 : memref<32x200xi32, #tpu.memory_space<hbm>>) target(%dma_start3A_45 : memref<32x200xi32, #tpu.memory_space<vmem>>) target_semaphore(%run_scoped3A_35 : memref<!tpu.dma_semaphore, #tpu.memory_space<semaphore_mem>>)
      %dma_wait3A = arith.constant 0 : i32
      %dma_wait3A_48 = arith.constant 0 : i32
      %dma_wait3A_49 = tpu.memref_slice %arg6[%run_scoped3A, %dma_wait3A, %dma_wait3A_48] : memref<2x32x200xi32, #tpu.memory_space<vmem>> -> memref<1x32x200xi32, #tpu.memory_space<vmem>>
      %dma_wait3A_50 = tpu.memref_squeeze %dma_wait3A_49 : memref<1x32x200xi32, #tpu.memory_space<vmem>> -> memref<32x200xi32, #tpu.memory_space<vmem>>
      %dma_wait3A_51 = arith.constant 0 : i32
      %dma_wait3A_52 = tpu.memref_slice %arg2[%add3A_6, %dma_wait3A_51] : memref<16384x200xi32, #tpu.memory_space<hbm>> -> memref<32x200xi32, #tpu.memory_space<hbm>>
      %dma_wait3A_53 = arith.constant 0 : i32
      %dma_wait3A_54 = arith.constant 0 : i32
      %dma_wait3A_55 = tpu.memref_slice %arg6[%run_scoped3A, %dma_wait3A_53, %dma_wait3A_54] : memref<2x32x200xi32, #tpu.memory_space<vmem>> -> memref<1x32x200xi32, #tpu.memory_space<vmem>>
      %dma_wait3A_56 = tpu.memref_squeeze %dma_wait3A_55 : memref<1x32x200xi32, #tpu.memory_space<vmem>> -> memref<32x200xi32, #tpu.memory_space<vmem>>
      %dma_wait3A_57 = arith.constant 0 : i32
      %dma_wait3A_58 = tpu.memref_slice %arg2[%add3A_6, %dma_wait3A_57] : memref<16384x200xi32, #tpu.memory_space<hbm>> -> memref<32x200xi32, #tpu.memory_space<hbm>>
      tpu.wait_dma2 semaphore(%run_scoped3A_35 : memref<!tpu.dma_semaphore, #tpu.memory_space<semaphore_mem>>) src(%dma_wait3A_58 : memref<32x200xi32, #tpu.memory_space<hbm>>) dst(%dma_wait3A_56 : memref<32x200xi32, #tpu.memory_space<vmem>>)
      tpu.yield
    }) : () -> ()
    %dma_start3A = arith.constant 0 : i32
    %dma_start3A_7 = arith.constant 0 : i32
    %dma_start3A_8 = arith.constant 0 : i32
    %dma_start3A_9 = tpu.memref_slice %arg6[%dma_start3A, %dma_start3A_7, %dma_start3A_8] : memref<2x32x200xi32, #tpu.memory_space<vmem>> -> memref<1x1x200xi32, #tpu.memory_space<vmem>>
    %dma_start3A_10 = tpu.memref_squeeze %dma_start3A_9 : memref<1x1x200xi32, #tpu.memory_space<vmem>> -> memref<200xi32, #tpu.memory_space<vmem>>
    %dma_start3A_11 = arith.constant 0 : i32
    %dma_start3A_12 = arith.constant 0 : i32
    %dma_start3A_13 = tpu.memref_slice %arg3[%dma_start3A_11, %dma_start3A_12] : memref<1007616x64xf32, #tpu.memory_space<hbm>> -> memref<1007616x64xf32, #tpu.memory_space<hbm>>
    tpu.enqueue_indirect_dma source(%dma_start3A_13 : memref<1007616x64xf32, #tpu.memory_space<hbm>>) target(%arg7 : memref<200x64xf32, #tpu.memory_space<vmem>>) offsets(%dma_start3A_10 : memref<200xi32, #tpu.memory_space<vmem>>) semaphore(%arg12 : memref<!tpu.dma_semaphore, #tpu.memory_space<semaphore_mem>>)
    %dma_start3A_14 = arith.constant 0 : i32
    %dma_start3A_15 = arith.constant 1 : i32
    %dma_start3A_16 = arith.constant 0 : i32
    %dma_start3A_17 = tpu.memref_slice %arg6[%dma_start3A_14, %dma_start3A_15, %dma_start3A_16] : memref<2x32x200xi32, #tpu.memory_space<vmem>> -> memref<1x1x200xi32, #tpu.memory_space<vmem>>
    %dma_start3A_18 = tpu.memref_squeeze %dma_start3A_17 : memref<1x1x200xi32, #tpu.memory_space<vmem>> -> memref<200xi32, #tpu.memory_space<vmem>>
    %dma_start3A_19 = arith.constant 0 : i32
    %dma_start3A_20 = arith.constant 0 : i32
    %dma_start3A_21 = tpu.memref_slice %arg3[%dma_start3A_19, %dma_start3A_20] : memref<1007616x64xf32, #tpu.memory_space<hbm>> -> memref<1007616x64xf32, #tpu.memory_space<hbm>>
    tpu.enqueue_indirect_dma source(%dma_start3A_21 : memref<1007616x64xf32, #tpu.memory_space<hbm>>) target(%arg8 : memref<200x64xf32, #tpu.memory_space<vmem>>) offsets(%dma_start3A_18 : memref<200xi32, #tpu.memory_space<vmem>>) semaphore(%arg13 : memref<!tpu.dma_semaphore, #tpu.memory_space<semaphore_mem>>)
    %dma_start3A_22 = arith.constant 0 : i32
    %dma_start3A_23 = arith.constant 2 : i32
    %dma_start3A_24 = arith.constant 0 : i32
    %dma_start3A_25 = tpu.memref_slice %arg6[%dma_start3A_22, %dma_start3A_23, %dma_start3A_24] : memref<2x32x200xi32, #tpu.memory_space<vmem>> -> memref<1x1x200xi32, #tpu.memory_space<vmem>>
    %dma_start3A_26 = tpu.memref_squeeze %dma_start3A_25 : memref<1x1x200xi32, #tpu.memory_space<vmem>> -> memref<200xi32, #tpu.memory_space<vmem>>
    %dma_start3A_27 = arith.constant 0 : i32
    %dma_start3A_28 = arith.constant 0 : i32
    %dma_start3A_29 = tpu.memref_slice %arg3[%dma_start3A_27, %dma_start3A_28] : memref<1007616x64xf32, #tpu.memory_space<hbm>> -> memref<1007616x64xf32, #tpu.memory_space<hbm>>
    tpu.enqueue_indirect_dma source(%dma_start3A_29 : memref<1007616x64xf32, #tpu.memory_space<hbm>>) target(%arg9 : memref<200x64xf32, #tpu.memory_space<vmem>>) offsets(%dma_start3A_26 : memref<200xi32, #tpu.memory_space<vmem>>) semaphore(%arg14 : memref<!tpu.dma_semaphore, #tpu.memory_space<semaphore_mem>>)
    %scan3A = arith.constant 0 : i32
    %scan3A_30 = arith.constant 0 : i32
    %scan3A_31 = arith.constant 128 : i32
    %scan3A_32 = arith.addi %scan3A_30, %scan3A_31 : i32
    %scan3A_33 = arith.constant 1 : i32
    scf.for %scan3A_35 = %scan3A_30 to %scan3A_32 step %scan3A_33  : i32 {
      %mul3A_36 = arith.constant 4 : i32
      %mul3A_37 = arith.muli %mul3A_36, %scan3A_35 : i32
      %add3A_38 = arith.constant 3 : i32
      %add3A_39 = arith.addi %mul3A_37, %add3A_38 : i32
      %jit3A = arith.constant 32 : i32
      %div3A = arith.divsi %add3A_39, %jit3A : i32
      %sign3A = arith.constant 0 : i32
      %sign3A_40 = arith.cmpi sgt, %add3A_39, %sign3A : i32
      %sign3A_41 = arith.extui %sign3A_40 : i1 to i32
      %sign3A_42 = arith.constant 0 : i32
      %sign3A_43 = arith.cmpi slt, %add3A_39, %sign3A_42 : i32
      %sign3A_44 = arith.extui %sign3A_43 : i1 to i32
      %sign3A_45 = arith.subi %sign3A_41, %sign3A_44 : i32
      %sign3A_46 = arith.constant 0 : i32
      %sign3A_47 = arith.cmpi sgt, %jit3A, %sign3A_46 : i32
      %sign3A_48 = arith.extui %sign3A_47 : i1 to i32
      %sign3A_49 = arith.constant 0 : i32
      %sign3A_50 = arith.cmpi slt, %jit3A, %sign3A_49 : i32
      %sign3A_51 = arith.extui %sign3A_50 : i1 to i32
      %sign3A_52 = arith.subi %sign3A_48, %sign3A_51 : i32
      %ne3A = arith.cmpi ne, %sign3A_45, %sign3A_52 : i32
      %rem3A = arith.remsi %add3A_39, %jit3A : i32
      %ne3A_53 = arith.constant 0 : i32
      %ne3A_54 = arith.cmpi ne, %rem3A, %ne3A_53 : i32
      %and3A = arith.andi %ne3A, %ne3A_54 : i1
      %sub3A = arith.constant 1 : i32
      %sub3A_55 = arith.subi %div3A, %sub3A : i32
      %select_n3A = arith.select %and3A, %sub3A_55, %div3A : i32
      %jit3A_56 = arith.constant 32 : i32
      %eq3A = arith.constant 0 : i32
      %eq3A_57 = arith.cmpi eq, %jit3A_56, %eq3A : i32
      %jit3A_58 = arith.constant 1 : i32
      %select_n3A_59 = arith.select %eq3A_57, %jit3A_58, %jit3A_56 : i32
      %rem3A_60 = arith.remsi %add3A_39, %select_n3A_59 : i32
      %ne3A_61 = arith.constant 0 : i32
      %ne3A_62 = arith.cmpi ne, %rem3A_60, %ne3A_61 : i32
      %lt3A = arith.constant 0 : i32
      %lt3A_63 = arith.cmpi slt, %rem3A_60, %lt3A : i32
      %lt3A_64 = arith.constant 0 : i32
      %lt3A_65 = arith.cmpi slt, %select_n3A_59, %lt3A_64 : i32
      %ne3A_66 = arith.xori %lt3A_63, %lt3A_65 : i1
      %and3A_67 = arith.andi %ne3A_66, %ne3A_62 : i1
      %add3A_68 = arith.addi %rem3A_60, %select_n3A_59 : i32
      %select_n3A_69 = arith.select %and3A_67, %add3A_68, %rem3A_60 : i32
      %jit3A_70 = arith.constant 2 : i32
      %eq3A_71 = arith.constant 0 : i32
      %eq3A_72 = arith.cmpi eq, %jit3A_70, %eq3A_71 : i32
      %jit3A_73 = arith.constant 1 : i32
      %select_n3A_74 = arith.select %eq3A_72, %jit3A_73, %jit3A_70 : i32
      %rem3A_75 = arith.remsi %select_n3A, %select_n3A_74 : i32
      %ne3A_76 = arith.constant 0 : i32
      %ne3A_77 = arith.cmpi ne, %rem3A_75, %ne3A_76 : i32
      %lt3A_78 = arith.constant 0 : i32
      %lt3A_79 = arith.cmpi slt, %rem3A_75, %lt3A_78 : i32
      %lt3A_80 = arith.constant 0 : i32
      %lt3A_81 = arith.cmpi slt, %select_n3A_74, %lt3A_80 : i32
      %ne3A_82 = arith.xori %lt3A_79, %lt3A_81 : i1
      %and3A_83 = arith.andi %ne3A_82, %ne3A_77 : i1
      %add3A_84 = arith.addi %rem3A_75, %select_n3A_74 : i32
      %select_n3A_85 = arith.select %and3A_83, %add3A_84, %rem3A_75 : i32
      %dma_start3A_86 = arith.constant 0 : i32
      %dma_start3A_87 = tpu.memref_slice %arg6[%select_n3A_85, %select_n3A_69, %dma_start3A_86] : memref<2x32x200xi32, #tpu.memory_space<vmem>> -> memref<1x1x200xi32, #tpu.memory_space<vmem>>
      %dma_start3A_88 = tpu.memref_squeeze %dma_start3A_87 : memref<1x1x200xi32, #tpu.memory_space<vmem>> -> memref<200xi32, #tpu.memory_space<vmem>>
      %dma_start3A_89 = arith.constant 0 : i32
      %dma_start3A_90 = arith.constant 0 : i32
      %dma_start3A_91 = tpu.memref_slice %arg3[%dma_start3A_89, %dma_start3A_90] : memref<1007616x64xf32, #tpu.memory_space<hbm>> -> memref<1007616x64xf32, #tpu.memory_space<hbm>>
      tpu.enqueue_indirect_dma source(%dma_start3A_91 : memref<1007616x64xf32, #tpu.memory_space<hbm>>) target(%arg10 : memref<200x64xf32, #tpu.memory_space<vmem>>) offsets(%dma_start3A_88 : memref<200xi32, #tpu.memory_space<vmem>>) semaphore(%arg15 : memref<!tpu.dma_semaphore, #tpu.memory_space<semaphore_mem>>)
      %add3A_92 = arith.constant 0 : i32
      %add3A_93 = arith.addi %mul3A_37, %add3A_92 : i32
      %jit3A_94 = arith.constant 32 : i32
      %div3A_95 = arith.divsi %add3A_93, %jit3A_94 : i32
      %sign3A_96 = arith.constant 0 : i32
      %sign3A_97 = arith.cmpi sgt, %add3A_93, %sign3A_96 : i32
      %sign3A_98 = arith.extui %sign3A_97 : i1 to i32
      %sign3A_99 = arith.constant 0 : i32
      %sign3A_100 = arith.cmpi slt, %add3A_93, %sign3A_99 : i32
      %sign3A_101 = arith.extui %sign3A_100 : i1 to i32
      %sign3A_102 = arith.subi %sign3A_98, %sign3A_101 : i32
      %sign3A_103 = arith.constant 0 : i32
      %sign3A_104 = arith.cmpi sgt, %jit3A_94, %sign3A_103 : i32
      %sign3A_105 = arith.extui %sign3A_104 : i1 to i32
      %sign3A_106 = arith.constant 0 : i32
      %sign3A_107 = arith.cmpi slt, %jit3A_94, %sign3A_106 : i32
      %sign3A_108 = arith.extui %sign3A_107 : i1 to i32
      %sign3A_109 = arith.subi %sign3A_105, %sign3A_108 : i32
      %ne3A_110 = arith.cmpi ne, %sign3A_102, %sign3A_109 : i32
      %rem3A_111 = arith.remsi %add3A_93, %jit3A_94 : i32
      %ne3A_112 = arith.constant 0 : i32
      %ne3A_113 = arith.cmpi ne, %rem3A_111, %ne3A_112 : i32
      %and3A_114 = arith.andi %ne3A_110, %ne3A_113 : i1
      %sub3A_115 = arith.constant 1 : i32
      %sub3A_116 = arith.subi %div3A_95, %sub3A_115 : i32
      %select_n3A_117 = arith.select %and3A_114, %sub3A_116, %div3A_95 : i32
      %jit3A_118 = arith.constant 32 : i32
      %eq3A_119 = arith.constant 0 : i32
      %eq3A_120 = arith.cmpi eq, %jit3A_118, %eq3A_119 : i32
      %jit3A_121 = arith.constant 1 : i32
      %select_n3A_122 = arith.select %eq3A_120, %jit3A_121, %jit3A_118 : i32
      %rem3A_123 = arith.remsi %add3A_93, %select_n3A_122 : i32
      %ne3A_124 = arith.constant 0 : i32
      %ne3A_125 = arith.cmpi ne, %rem3A_123, %ne3A_124 : i32
      %lt3A_126 = arith.constant 0 : i32
      %lt3A_127 = arith.cmpi slt, %rem3A_123, %lt3A_126 : i32
      %lt3A_128 = arith.constant 0 : i32
      %lt3A_129 = arith.cmpi slt, %select_n3A_122, %lt3A_128 : i32
      %ne3A_130 = arith.xori %lt3A_127, %lt3A_129 : i1
      %and3A_131 = arith.andi %ne3A_130, %ne3A_125 : i1
      %add3A_132 = arith.addi %rem3A_123, %select_n3A_122 : i32
      %select_n3A_133 = arith.select %and3A_131, %add3A_132, %rem3A_123 : i32
      %jit3A_134 = arith.constant 2 : i32
      %eq3A_135 = arith.constant 0 : i32
      %eq3A_136 = arith.cmpi eq, %jit3A_134, %eq3A_135 : i32
      %jit3A_137 = arith.constant 1 : i32
      %select_n3A_138 = arith.select %eq3A_136, %jit3A_137, %jit3A_134 : i32
      %rem3A_139 = arith.remsi %select_n3A_117, %select_n3A_138 : i32
      %ne3A_140 = arith.constant 0 : i32
      %ne3A_141 = arith.cmpi ne, %rem3A_139, %ne3A_140 : i32
      %lt3A_142 = arith.constant 0 : i32
      %lt3A_143 = arith.cmpi slt, %rem3A_139, %lt3A_142 : i32
      %lt3A_144 = arith.constant 0 : i32
      %lt3A_145 = arith.cmpi slt, %select_n3A_138, %lt3A_144 : i32
      %ne3A_146 = arith.xori %lt3A_143, %lt3A_145 : i1
      %and3A_147 = arith.andi %ne3A_146, %ne3A_141 : i1
      %add3A_148 = arith.addi %rem3A_139, %select_n3A_138 : i32
      %select_n3A_149 = arith.select %and3A_147, %add3A_148, %rem3A_139 : i32
      %dma_wait3A = arith.constant 0 : i32
      %dma_wait3A_150 = tpu.memref_slice %arg6[%select_n3A_149, %select_n3A_133, %dma_wait3A] : memref<2x32x200xi32, #tpu.memory_space<vmem>> -> memref<1x1x200xi32, #tpu.memory_space<vmem>>
      %dma_wait3A_151 = tpu.memref_squeeze %dma_wait3A_150 : memref<1x1x200xi32, #tpu.memory_space<vmem>> -> memref<200xi32, #tpu.memory_space<vmem>>
      %dma_wait3A_152 = arith.constant 0 : i32
      %dma_wait3A_153 = arith.constant 0 : i32
      %dma_wait3A_154 = tpu.memref_slice %arg3[%dma_wait3A_152, %dma_wait3A_153] : memref<1007616x64xf32, #tpu.memory_space<hbm>> -> memref<1007616x64xf32, #tpu.memory_space<hbm>>
      tpu.wait_indirect_dma semaphore(%arg12 : memref<!tpu.dma_semaphore, #tpu.memory_space<semaphore_mem>>) src(%dma_wait3A_154 : memref<1007616x64xf32, #tpu.memory_space<hbm>>) dst(%arg7 : memref<200x64xf32, #tpu.memory_space<vmem>>)
      %broadcast_in_dim3A = arith.constant 0.000000e+00 : f32
      %broadcast_in_dim3A_155 = vector.broadcast %broadcast_in_dim3A : f32 to vector<16xf32>
      %scan3A_156 = arith.constant 0 : i32
      %scan3A_157 = arith.constant 200 : i32
      %scan3A_158 = arith.addi %scan3A_156, %scan3A_157 : i32
      %scan3A_159 = arith.constant 10 : i32
      %scan3A_160:4 = scf.for %scan3A_729 = %scan3A_156 to %scan3A_158 step %scan3A_159 iter_args(%scan3A_730 = %broadcast_in_dim3A_155, %scan3A_731 = %broadcast_in_dim3A_155, %scan3A_732 = %broadcast_in_dim3A_155, %scan3A_733 = %broadcast_in_dim3A_155) -> (vector<16xf32>, vector<16xf32>, vector<16xf32>, vector<16xf32>)  : i32 {
        %get3A_734 = arith.index_cast %scan3A_729 : i32 to index
        %get3A_735 = arith.constant 0 : index
        %get3A_736 = tpu.vector_load %arg7[%get3A_734, %get3A_735] {strides = array<i32>} : memref<200x64xf32, #tpu.memory_space<vmem>>, vector<1x16xf32>,
        %get3A_737 = vector.shape_cast %get3A_736 : vector<1x16xf32> to vector<16xf32>
        %add3A_738 = arith.addf %scan3A_730, %get3A_737 : vector<16xf32>
        %get3A_739 = arith.index_cast %scan3A_729 : i32 to index
        %get3A_740 = arith.constant 16 : index
        %get3A_741 = tpu.vector_load %arg7[%get3A_739, %get3A_740] {strides = array<i32>} : memref<200x64xf32, #tpu.memory_space<vmem>>, vector<1x16xf32>,
        %get3A_742 = vector.shape_cast %get3A_741 : vector<1x16xf32> to vector<16xf32>
        %add3A_743 = arith.addf %scan3A_731, %get3A_742 : vector<16xf32>
        %get3A_744 = arith.index_cast %scan3A_729 : i32 to index
        %get3A_745 = arith.constant 32 : index
        %get3A_746 = tpu.vector_load %arg7[%get3A_744, %get3A_745] {strides = array<i32>} : memref<200x64xf32, #tpu.memory_space<vmem>>, vector<1x16xf32>,
        %get3A_747 = vector.shape_cast %get3A_746 : vector<1x16xf32> to vector<16xf32>
        %add3A_748 = arith.addf %scan3A_732, %get3A_747 : vector<16xf32>
        %get3A_749 = arith.index_cast %scan3A_729 : i32 to index
        %get3A_750 = arith.constant 48 : index
        %get3A_751 = tpu.vector_load %arg7[%get3A_749, %get3A_750] {strides = array<i32>} : memref<200x64xf32, #tpu.memory_space<vmem>>, vector<1x16xf32>,
        %get3A_752 = vector.shape_cast %get3A_751 : vector<1x16xf32> to vector<16xf32>
        %add3A_753 = arith.addf %scan3A_733, %get3A_752 : vector<16xf32>
        %scan3A_754 = arith.constant 1 : i32
        %scan3A_755 = arith.addi %scan3A_729, %scan3A_754 : i32
        %get3A_756 = arith.index_cast %scan3A_755 : i32 to index
        %get3A_757 = arith.constant 0 : index
        %get3A_758 = tpu.vector_load %arg7[%get3A_756, %get3A_757] {strides = array<i32>} : memref<200x64xf32, #tpu.memory_space<vmem>>, vector<1x16xf32>,
        %get3A_759 = vector.shape_cast %get3A_758 : vector<1x16xf32> to vector<16xf32>
        %add3A_760 = arith.addf %add3A_738, %get3A_759 : vector<16xf32>
        %get3A_761 = arith.index_cast %scan3A_755 : i32 to index
        %get3A_762 = arith.constant 16 : index
        %get3A_763 = tpu.vector_load %arg7[%get3A_761, %get3A_762] {strides = array<i32>} : memref<200x64xf32, #tpu.memory_space<vmem>>, vector<1x16xf32>,
        %get3A_764 = vector.shape_cast %get3A_763 : vector<1x16xf32> to vector<16xf32>
        %add3A_765 = arith.addf %add3A_743, %get3A_764 : vector<16xf32>
        %get3A_766 = arith.index_cast %scan3A_755 : i32 to index
        %get3A_767 = arith.constant 32 : index
        %get3A_768 = tpu.vector_load %arg7[%get3A_766, %get3A_767] {strides = array<i32>} : memref<200x64xf32, #tpu.memory_space<vmem>>, vector<1x16xf32>,
        %get3A_769 = vector.shape_cast %get3A_768 : vector<1x16xf32> to vector<16xf32>
        %add3A_770 = arith.addf %add3A_748, %get3A_769 : vector<16xf32>
        %get3A_771 = arith.index_cast %scan3A_755 : i32 to index
        %get3A_772 = arith.constant 48 : index
        %get3A_773 = tpu.vector_load %arg7[%get3A_771, %get3A_772] {strides = array<i32>} : memref<200x64xf32, #tpu.memory_space<vmem>>, vector<1x16xf32>,
        %get3A_774 = vector.shape_cast %get3A_773 : vector<1x16xf32> to vector<16xf32>
        %add3A_775 = arith.addf %add3A_753, %get3A_774 : vector<16xf32>
        %scan3A_776 = arith.constant 2 : i32
        %scan3A_777 = arith.addi %scan3A_729, %scan3A_776 : i32
        %get3A_778 = arith.index_cast %scan3A_777 : i32 to index
        %get3A_779 = arith.constant 0 : index
        %get3A_780 = tpu.vector_load %arg7[%get3A_778, %get3A_779] {strides = array<i32>} : memref<200x64xf32, #tpu.memory_space<vmem>>, vector<1x16xf32>,
        %get3A_781 = vector.shape_cast %get3A_780 : vector<1x16xf32> to vector<16xf32>
        %add3A_782 = arith.addf %add3A_760, %get3A_781 : vector<16xf32>
        %get3A_783 = arith.index_cast %scan3A_777 : i32 to index
        %get3A_784 = arith.constant 16 : index
        %get3A_785 = tpu.vector_load %arg7[%get3A_783, %get3A_784] {strides = array<i32>} : memref<200x64xf32, #tpu.memory_space<vmem>>, vector<1x16xf32>,
        %get3A_786 = vector.shape_cast %get3A_785 : vector<1x16xf32> to vector<16xf32>
        %add3A_787 = arith.addf %add3A_765, %get3A_786 : vector<16xf32>
        %get3A_788 = arith.index_cast %scan3A_777 : i32 to index
        %get3A_789 = arith.constant 32 : index
        %get3A_790 = tpu.vector_load %arg7[%get3A_788, %get3A_789] {strides = array<i32>} : memref<200x64xf32, #tpu.memory_space<vmem>>, vector<1x16xf32>,
        %get3A_791 = vector.shape_cast %get3A_790 : vector<1x16xf32> to vector<16xf32>
        %add3A_792 = arith.addf %add3A_770, %get3A_791 : vector<16xf32>
        %get3A_793 = arith.index_cast %scan3A_777 : i32 to index
        %get3A_794 = arith.constant 48 : index
        %get3A_795 = tpu.vector_load %arg7[%get3A_793, %get3A_794] {strides = array<i32>} : memref<200x64xf32, #tpu.memory_space<vmem>>, vector<1x16xf32>,
        %get3A_796 = vector.shape_cast %get3A_795 : vector<1x16xf32> to vector<16xf32>
        %add3A_797 = arith.addf %add3A_775, %get3A_796 : vector<16xf32>
        %scan3A_798 = arith.constant 3 : i32
        %scan3A_799 = arith.addi %scan3A_729, %scan3A_798 : i32
        %get3A_800 = arith.index_cast %scan3A_799 : i32 to index
        %get3A_801 = arith.constant 0 : index
        %get3A_802 = tpu.vector_load %arg7[%get3A_800, %get3A_801] {strides = array<i32>} : memref<200x64xf32, #tpu.memory_space<vmem>>, vector<1x16xf32>,
        %get3A_803 = vector.shape_cast %get3A_802 : vector<1x16xf32> to vector<16xf32>
        %add3A_804 = arith.addf %add3A_782, %get3A_803 : vector<16xf32>
        %get3A_805 = arith.index_cast %scan3A_799 : i32 to index
        %get3A_806 = arith.constant 16 : index
        %get3A_807 = tpu.vector_load %arg7[%get3A_805, %get3A_806] {strides = array<i32>} : memref<200x64xf32, #tpu.memory_space<vmem>>, vector<1x16xf32>,
        %get3A_808 = vector.shape_cast %get3A_807 : vector<1x16xf32> to vector<16xf32>
        %add3A_809 = arith.addf %add3A_787, %get3A_808 : vector<16xf32>
        %get3A_810 = arith.index_cast %scan3A_799 : i32 to index
        %get3A_811 = arith.constant 32 : index
        %get3A_812 = tpu.vector_load %arg7[%get3A_810, %get3A_811] {strides = array<i32>} : memref<200x64xf32, #tpu.memory_space<vmem>>, vector<1x16xf32>,
        %get3A_813 = vector.shape_cast %get3A_812 : vector<1x16xf32> to vector<16xf32>
        %add3A_814 = arith.addf %add3A_792, %get3A_813 : vector<16xf32>
        %get3A_815 = arith.index_cast %scan3A_799 : i32 to index
        %get3A_816 = arith.constant 48 : index
        %get3A_817 = tpu.vector_load %arg7[%get3A_815, %get3A_816] {strides = array<i32>} : memref<200x64xf32, #tpu.memory_space<vmem>>, vector<1x16xf32>,
        %get3A_818 = vector.shape_cast %get3A_817 : vector<1x16xf32> to vector<16xf32>
        %add3A_819 = arith.addf %add3A_797, %get3A_818 : vector<16xf32>
        %scan3A_820 = arith.constant 4 : i32
        %scan3A_821 = arith.addi %scan3A_729, %scan3A_820 : i32
        %get3A_822 = arith.index_cast %scan3A_821 : i32 to index
        %get3A_823 = arith.constant 0 : index
        %get3A_824 = tpu.vector_load %arg7[%get3A_822, %get3A_823] {strides = array<i32>} : memref<200x64xf32, #tpu.memory_space<vmem>>, vector<1x16xf32>,
        %get3A_825 = vector.shape_cast %get3A_824 : vector<1x16xf32> to vector<16xf32>
        %add3A_826 = arith.addf %add3A_804, %get3A_825 : vector<16xf32>
        %get3A_827 = arith.index_cast %scan3A_821 : i32 to index
        %get3A_828 = arith.constant 16 : index
        %get3A_829 = tpu.vector_load %arg7[%get3A_827, %get3A_828] {strides = array<i32>} : memref<200x64xf32, #tpu.memory_space<vmem>>, vector<1x16xf32>,
        %get3A_830 = vector.shape_cast %get3A_829 : vector<1x16xf32> to vector<16xf32>
        %add3A_831 = arith.addf %add3A_809, %get3A_830 : vector<16xf32>
        %get3A_832 = arith.index_cast %scan3A_821 : i32 to index
        %get3A_833 = arith.constant 32 : index
        %get3A_834 = tpu.vector_load %arg7[%get3A_832, %get3A_833] {strides = array<i32>} : memref<200x64xf32, #tpu.memory_space<vmem>>, vector<1x16xf32>,
        %get3A_835 = vector.shape_cast %get3A_834 : vector<1x16xf32> to vector<16xf32>
        %add3A_836 = arith.addf %add3A_814, %get3A_835 : vector<16xf32>
        %get3A_837 = arith.index_cast %scan3A_821 : i32 to index
        %get3A_838 = arith.constant 48 : index
        %get3A_839 = tpu.vector_load %arg7[%get3A_837, %get3A_838] {strides = array<i32>} : memref<200x64xf32, #tpu.memory_space<vmem>>, vector<1x16xf32>,
        %get3A_840 = vector.shape_cast %get3A_839 : vector<1x16xf32> to vector<16xf32>
        %add3A_841 = arith.addf %add3A_819, %get3A_840 : vector<16xf32>
        %scan3A_842 = arith.constant 5 : i32
        %scan3A_843 = arith.addi %scan3A_729, %scan3A_842 : i32
        %get3A_844 = arith.index_cast %scan3A_843 : i32 to index
        %get3A_845 = arith.constant 0 : index
        %get3A_846 = tpu.vector_load %arg7[%get3A_844, %get3A_845] {strides = array<i32>} : memref<200x64xf32, #tpu.memory_space<vmem>>, vector<1x16xf32>,
        %get3A_847 = vector.shape_cast %get3A_846 : vector<1x16xf32> to vector<16xf32>
        %add3A_848 = arith.addf %add3A_826, %get3A_847 : vector<16xf32>
        %get3A_849 = arith.index_cast %scan3A_843 : i32 to index
        %get3A_850 = arith.constant 16 : index
        %get3A_851 = tpu.vector_load %arg7[%get3A_849, %get3A_850] {strides = array<i32>} : memref<200x64xf32, #tpu.memory_space<vmem>>, vector<1x16xf32>,
        %get3A_852 = vector.shape_cast %get3A_851 : vector<1x16xf32> to vector<16xf32>
        %add3A_853 = arith.addf %add3A_831, %get3A_852 : vector<16xf32>
        %get3A_854 = arith.index_cast %scan3A_843 : i32 to index
        %get3A_855 = arith.constant 32 : index
        %get3A_856 = tpu.vector_load %arg7[%get3A_854, %get3A_855] {strides = array<i32>} : memref<200x64xf32, #tpu.memory_space<vmem>>, vector<1x16xf32>,
        %get3A_857 = vector.shape_cast %get3A_856 : vector<1x16xf32> to vector<16xf32>
        %add3A_858 = arith.addf %add3A_836, %get3A_857 : vector<16xf32>
        %get3A_859 = arith.index_cast %scan3A_843 : i32 to index
        %get3A_860 = arith.constant 48 : index
        %get3A_861 = tpu.vector_load %arg7[%get3A_859, %get3A_860] {strides = array<i32>} : memref<200x64xf32, #tpu.memory_space<vmem>>, vector<1x16xf32>,
        %get3A_862 = vector.shape_cast %get3A_861 : vector<1x16xf32> to vector<16xf32>
        %add3A_863 = arith.addf %add3A_841, %get3A_862 : vector<16xf32>
        %scan3A_864 = arith.constant 6 : i32
        %scan3A_865 = arith.addi %scan3A_729, %scan3A_864 : i32
        %get3A_866 = arith.index_cast %scan3A_865 : i32 to index
        %get3A_867 = arith.constant 0 : index
        %get3A_868 = tpu.vector_load %arg7[%get3A_866, %get3A_867] {strides = array<i32>} : memref<200x64xf32, #tpu.memory_space<vmem>>, vector<1x16xf32>,
        %get3A_869 = vector.shape_cast %get3A_868 : vector<1x16xf32> to vector<16xf32>
        %add3A_870 = arith.addf %add3A_848, %get3A_869 : vector<16xf32>
        %get3A_871 = arith.index_cast %scan3A_865 : i32 to index
        %get3A_872 = arith.constant 16 : index
        %get3A_873 = tpu.vector_load %arg7[%get3A_871, %get3A_872] {strides = array<i32>} : memref<200x64xf32, #tpu.memory_space<vmem>>, vector<1x16xf32>,
        %get3A_874 = vector.shape_cast %get3A_873 : vector<1x16xf32> to vector<16xf32>
        %add3A_875 = arith.addf %add3A_853, %get3A_874 : vector<16xf32>
        %get3A_876 = arith.index_cast %scan3A_865 : i32 to index
        %get3A_877 = arith.constant 32 : index
        %get3A_878 = tpu.vector_load %arg7[%get3A_876, %get3A_877] {strides = array<i32>} : memref<200x64xf32, #tpu.memory_space<vmem>>, vector<1x16xf32>,
        %get3A_879 = vector.shape_cast %get3A_878 : vector<1x16xf32> to vector<16xf32>
        %add3A_880 = arith.addf %add3A_858, %get3A_879 : vector<16xf32>
        %get3A_881 = arith.index_cast %scan3A_865 : i32 to index
        %get3A_882 = arith.constant 48 : index
        %get3A_883 = tpu.vector_load %arg7[%get3A_881, %get3A_882] {strides = array<i32>} : memref<200x64xf32, #tpu.memory_space<vmem>>, vector<1x16xf32>,
        %get3A_884 = vector.shape_cast %get3A_883 : vector<1x16xf32> to vector<16xf32>
        %add3A_885 = arith.addf %add3A_863, %get3A_884 : vector<16xf32>
        %scan3A_886 = arith.constant 7 : i32
        %scan3A_887 = arith.addi %scan3A_729, %scan3A_886 : i32
        %get3A_888 = arith.index_cast %scan3A_887 : i32 to index
        %get3A_889 = arith.constant 0 : index
        %get3A_890 = tpu.vector_load %arg7[%get3A_888, %get3A_889] {strides = array<i32>} : memref<200x64xf32, #tpu.memory_space<vmem>>, vector<1x16xf32>,
        %get3A_891 = vector.shape_cast %get3A_890 : vector<1x16xf32> to vector<16xf32>
        %add3A_892 = arith.addf %add3A_870, %get3A_891 : vector<16xf32>
        %get3A_893 = arith.index_cast %scan3A_887 : i32 to index
        %get3A_894 = arith.constant 16 : index
        %get3A_895 = tpu.vector_load %arg7[%get3A_893, %get3A_894] {strides = array<i32>} : memref<200x64xf32, #tpu.memory_space<vmem>>, vector<1x16xf32>,
        %get3A_896 = vector.shape_cast %get3A_895 : vector<1x16xf32> to vector<16xf32>
        %add3A_897 = arith.addf %add3A_875, %get3A_896 : vector<16xf32>
        %get3A_898 = arith.index_cast %scan3A_887 : i32 to index
        %get3A_899 = arith.constant 32 : index
        %get3A_900 = tpu.vector_load %arg7[%get3A_898, %get3A_899] {strides = array<i32>} : memref<200x64xf32, #tpu.memory_space<vmem>>, vector<1x16xf32>,
        %get3A_901 = vector.shape_cast %get3A_900 : vector<1x16xf32> to vector<16xf32>
        %add3A_902 = arith.addf %add3A_880, %get3A_901 : vector<16xf32>
        %get3A_903 = arith.index_cast %scan3A_887 : i32 to index
        %get3A_904 = arith.constant 48 : index
        %get3A_905 = tpu.vector_load %arg7[%get3A_903, %get3A_904] {strides = array<i32>} : memref<200x64xf32, #tpu.memory_space<vmem>>, vector<1x16xf32>,
        %get3A_906 = vector.shape_cast %get3A_905 : vector<1x16xf32> to vector<16xf32>
        %add3A_907 = arith.addf %add3A_885, %get3A_906 : vector<16xf32>
        %scan3A_908 = arith.constant 8 : i32
        %scan3A_909 = arith.addi %scan3A_729, %scan3A_908 : i32
        %get3A_910 = arith.index_cast %scan3A_909 : i32 to index
        %get3A_911 = arith.constant 0 : index
        %get3A_912 = tpu.vector_load %arg7[%get3A_910, %get3A_911] {strides = array<i32>} : memref<200x64xf32, #tpu.memory_space<vmem>>, vector<1x16xf32>,
        %get3A_913 = vector.shape_cast %get3A_912 : vector<1x16xf32> to vector<16xf32>
        %add3A_914 = arith.addf %add3A_892, %get3A_913 : vector<16xf32>
        %get3A_915 = arith.index_cast %scan3A_909 : i32 to index
        %get3A_916 = arith.constant 16 : index
        %get3A_917 = tpu.vector_load %arg7[%get3A_915, %get3A_916] {strides = array<i32>} : memref<200x64xf32, #tpu.memory_space<vmem>>, vector<1x16xf32>,
        %get3A_918 = vector.shape_cast %get3A_917 : vector<1x16xf32> to vector<16xf32>
        %add3A_919 = arith.addf %add3A_897, %get3A_918 : vector<16xf32>
        %get3A_920 = arith.index_cast %scan3A_909 : i32 to index
        %get3A_921 = arith.constant 32 : index
        %get3A_922 = tpu.vector_load %arg7[%get3A_920, %get3A_921] {strides = array<i32>} : memref<200x64xf32, #tpu.memory_space<vmem>>, vector<1x16xf32>,
        %get3A_923 = vector.shape_cast %get3A_922 : vector<1x16xf32> to vector<16xf32>
        %add3A_924 = arith.addf %add3A_902, %get3A_923 : vector<16xf32>
        %get3A_925 = arith.index_cast %scan3A_909 : i32 to index
        %get3A_926 = arith.constant 48 : index
        %get3A_927 = tpu.vector_load %arg7[%get3A_925, %get3A_926] {strides = array<i32>} : memref<200x64xf32, #tpu.memory_space<vmem>>, vector<1x16xf32>,
        %get3A_928 = vector.shape_cast %get3A_927 : vector<1x16xf32> to vector<16xf32>
        %add3A_929 = arith.addf %add3A_907, %get3A_928 : vector<16xf32>
        %scan3A_930 = arith.constant 9 : i32
        %scan3A_931 = arith.addi %scan3A_729, %scan3A_930 : i32
        %get3A_932 = arith.index_cast %scan3A_931 : i32 to index
        %get3A_933 = arith.constant 0 : index
        %get3A_934 = tpu.vector_load %arg7[%get3A_932, %get3A_933] {strides = array<i32>} : memref<200x64xf32, #tpu.memory_space<vmem>>, vector<1x16xf32>,
        %get3A_935 = vector.shape_cast %get3A_934 : vector<1x16xf32> to vector<16xf32>
        %add3A_936 = arith.addf %add3A_914, %get3A_935 : vector<16xf32>
        %get3A_937 = arith.index_cast %scan3A_931 : i32 to index
        %get3A_938 = arith.constant 16 : index
        %get3A_939 = tpu.vector_load %arg7[%get3A_937, %get3A_938] {strides = array<i32>} : memref<200x64xf32, #tpu.memory_space<vmem>>, vector<1x16xf32>,
        %get3A_940 = vector.shape_cast %get3A_939 : vector<1x16xf32> to vector<16xf32>
        %add3A_941 = arith.addf %add3A_919, %get3A_940 : vector<16xf32>
        %get3A_942 = arith.index_cast %scan3A_931 : i32 to index
        %get3A_943 = arith.constant 32 : index
        %get3A_944 = tpu.vector_load %arg7[%get3A_942, %get3A_943] {strides = array<i32>} : memref<200x64xf32, #tpu.memory_space<vmem>>, vector<1x16xf32>,
        %get3A_945 = vector.shape_cast %get3A_944 : vector<1x16xf32> to vector<16xf32>
        %add3A_946 = arith.addf %add3A_924, %get3A_945 : vector<16xf32>
        %get3A_947 = arith.index_cast %scan3A_931 : i32 to index
        %get3A_948 = arith.constant 48 : index
        %get3A_949 = tpu.vector_load %arg7[%get3A_947, %get3A_948] {strides = array<i32>} : memref<200x64xf32, #tpu.memory_space<vmem>>, vector<1x16xf32>,
        %get3A_950 = vector.shape_cast %get3A_949 : vector<1x16xf32> to vector<16xf32>
        %add3A_951 = arith.addf %add3A_929, %get3A_950 : vector<16xf32>
        scf.yield %add3A_936, %add3A_941, %add3A_946, %add3A_951 : vector<16xf32>, vector<16xf32>, vector<16xf32>, vector<16xf32>
      }
      %scan3A_161 = arith.constant 200 : i32
      %jit3A_162 = arith.constant 32 : i32
      %eq3A_163 = arith.constant 0 : i32
      %eq3A_164 = arith.cmpi eq, %jit3A_162, %eq3A_163 : i32
      %jit3A_165 = arith.constant 1 : i32
      %select_n3A_166 = arith.select %eq3A_164, %jit3A_165, %jit3A_162 : i32
      %rem3A_167 = arith.remsi %add3A_93, %select_n3A_166 : i32
      %ne3A_168 = arith.constant 0 : i32
      %ne3A_169 = arith.cmpi ne, %rem3A_167, %ne3A_168 : i32
      %lt3A_170 = arith.constant 0 : i32
      %lt3A_171 = arith.cmpi slt, %rem3A_167, %lt3A_170 : i32
      %lt3A_172 = arith.constant 0 : i32
      %lt3A_173 = arith.cmpi slt, %select_n3A_166, %lt3A_172 : i32
      %ne3A_174 = arith.xori %lt3A_171, %lt3A_173 : i1
      %and3A_175 = arith.andi %ne3A_174, %ne3A_169 : i1
      %add3A_176 = arith.addi %rem3A_167, %select_n3A_166 : i32
      %select_n3A_177 = arith.select %and3A_175, %add3A_176, %rem3A_167 : i32
      %mul3A_178 = vector.broadcast %squeeze3A : f32 to vector<16xf32>
      %mul3A_179 = arith.mulf %scan3A_160#0, %mul3A_178 : vector<16xf32>
      %swap3A = arith.index_cast %select_n3A_177 : i32 to index
      %swap3A_180 = arith.constant 0 : index
      %swap3A_181 = tpu.vector_load %arg11[%swap3A, %swap3A_180] {strides = array<i32>} : memref<32x64xf32, #tpu.memory_space<vmem>>, vector<1x16xf32>,
      %swap3A_182 = vector.shape_cast %swap3A_181 : vector<1x16xf32> to vector<16xf32>
      %swap3A_183 = vector.shape_cast %mul3A_179 : vector<16xf32> to vector<1x16xf32>
      tpu.vector_store %arg11[%swap3A, %swap3A_180], %swap3A_183 {strides = array<i32>} : memref<32x64xf32, #tpu.memory_space<vmem>>, vector<1x16xf32>,
      %mul3A_184 = vector.broadcast %squeeze3A : f32 to vector<16xf32>
      %mul3A_185 = arith.mulf %scan3A_160#1, %mul3A_184 : vector<16xf32>
      %swap3A_186 = arith.index_cast %select_n3A_177 : i32 to index
      %swap3A_187 = arith.constant 16 : index
      %swap3A_188 = tpu.vector_load %arg11[%swap3A_186, %swap3A_187] {strides = array<i32>} : memref<32x64xf32, #tpu.memory_space<vmem>>, vector<1x16xf32>,
      %swap3A_189 = vector.shape_cast %swap3A_188 : vector<1x16xf32> to vector<16xf32>
      %swap3A_190 = vector.shape_cast %mul3A_185 : vector<16xf32> to vector<1x16xf32>
      tpu.vector_store %arg11[%swap3A_186, %swap3A_187], %swap3A_190 {strides = array<i32>} : memref<32x64xf32, #tpu.memory_space<vmem>>, vector<1x16xf32>,
      %mul3A_191 = vector.broadcast %squeeze3A : f32 to vector<16xf32>
      %mul3A_192 = arith.mulf %scan3A_160#2, %mul3A_191 : vector<16xf32>
      %swap3A_193 = arith.index_cast %select_n3A_177 : i32 to index
      %swap3A_194 = arith.constant 32 : index
      %swap3A_195 = tpu.vector_load %arg11[%swap3A_193, %swap3A_194] {strides = array<i32>} : memref<32x64xf32, #tpu.memory_space<vmem>>, vector<1x16xf32>,
      %swap3A_196 = vector.shape_cast %swap3A_195 : vector<1x16xf32> to vector<16xf32>
      %swap3A_197 = vector.shape_cast %mul3A_192 : vector<16xf32> to vector<1x16xf32>
      tpu.vector_store %arg11[%swap3A_193, %swap3A_194], %swap3A_197 {strides = array<i32>} : memref<32x64xf32, #tpu.memory_space<vmem>>, vector<1x16xf32>,
      %mul3A_198 = vector.broadcast %squeeze3A : f32 to vector<16xf32>
      %mul3A_199 = arith.mulf %scan3A_160#3, %mul3A_198 : vector<16xf32>
      %swap3A_200 = arith.index_cast %select_n3A_177 : i32 to index
      %swap3A_201 = arith.constant 48 : index
      %swap3A_202 = tpu.vector_load %arg11[%swap3A_200, %swap3A_201] {strides = array<i32>} : memref<32x64xf32, #tpu.memory_space<vmem>>, vector<1x16xf32>,
      %swap3A_203 = vector.shape_cast %swap3A_202 : vector<1x16xf32> to vector<16xf32>
      %swap3A_204 = vector.shape_cast %mul3A_199 : vector<16xf32> to vector<1x16xf32>
      tpu.vector_store %arg11[%swap3A_200, %swap3A_201], %swap3A_204 {strides = array<i32>} : memref<32x64xf32, #tpu.memory_space<vmem>>, vector<1x16xf32>,
      %add3A_205 = arith.constant 0 : i32
      %add3A_206 = arith.addi %mul3A_37, %add3A_205 : i32
      %add3A_207 = arith.constant 4 : i32
      %add3A_208 = arith.addi %add3A_206, %add3A_207 : i32
      %jit3A_209 = arith.constant 32 : i32
      %eq3A_210 = arith.constant 0 : i32
      %eq3A_211 = arith.cmpi eq, %jit3A_209, %eq3A_210 : i32
      %jit3A_212 = arith.constant 1 : i32
      %select_n3A_213 = arith.select %eq3A_211, %jit3A_212, %jit3A_209 : i32
      %rem3A_214 = arith.remsi %add3A_208, %select_n3A_213 : i32
      %ne3A_215 = arith.constant 0 : i32
      %ne3A_216 = arith.cmpi ne, %rem3A_214, %ne3A_215 : i32
      %lt3A_217 = arith.constant 0 : i32
      %lt3A_218 = arith.cmpi slt, %rem3A_214, %lt3A_217 : i32
      %lt3A_219 = arith.constant 0 : i32
      %lt3A_220 = arith.cmpi slt, %select_n3A_213, %lt3A_219 : i32
      %ne3A_221 = arith.xori %lt3A_218, %lt3A_220 : i1
      %and3A_222 = arith.andi %ne3A_221, %ne3A_216 : i1
      %add3A_223 = arith.addi %rem3A_214, %select_n3A_213 : i32
      %select_n3A_224 = arith.select %and3A_222, %add3A_223, %rem3A_214 : i32
      %eq3A_225 = arith.constant 0 : i32
      %eq3A_226 = arith.cmpi eq, %select_n3A_224, %eq3A_225 : i32
      %add3A_227 = arith.constant 0 : i32
      %add3A_228 = arith.addi %mul3A_37, %add3A_227 : i32
      %add3A_229 = arith.constant 4 : i32
      %add3A_230 = arith.addi %add3A_228, %add3A_229 : i32
      %lt3A_231 = arith.constant 512 : i32
      %lt3A_232 = arith.cmpi slt, %add3A_230, %lt3A_231 : i32
      %and3A_233 = arith.andi %eq3A_226, %lt3A_232 : i1
      %convert_element_type3A = arith.extui %and3A_233 : i1 to i32
      %cond3A = arith.constant 0 : i32
      %cond3A_234 = arith.cmpi ne, %convert_element_type3A, %cond3A : i32
      scf.if %cond3A_234 {
        %add3A_729 = arith.constant 0 : i32
        %add3A_730 = arith.addi %mul3A_37, %add3A_729 : i32
        %add3A_731 = arith.constant 4 : i32
        %add3A_732 = arith.addi %add3A_730, %add3A_731 : i32
        %jit3A_733 = arith.constant 32 : i32
        %div3A_734 = arith.divsi %add3A_732, %jit3A_733 : i32
        %sign3A_735 = arith.constant 0 : i32
        %sign3A_736 = arith.cmpi sgt, %add3A_732, %sign3A_735 : i32
        %sign3A_737 = arith.extui %sign3A_736 : i1 to i32
        %sign3A_738 = arith.constant 0 : i32
        %sign3A_739 = arith.cmpi slt, %add3A_732, %sign3A_738 : i32
        %sign3A_740 = arith.extui %sign3A_739 : i1 to i32
        %sign3A_741 = arith.subi %sign3A_737, %sign3A_740 : i32
        %sign3A_742 = arith.constant 0 : i32
        %sign3A_743 = arith.cmpi sgt, %jit3A_733, %sign3A_742 : i32
        %sign3A_744 = arith.extui %sign3A_743 : i1 to i32
        %sign3A_745 = arith.constant 0 : i32
        %sign3A_746 = arith.cmpi slt, %jit3A_733, %sign3A_745 : i32
        %sign3A_747 = arith.extui %sign3A_746 : i1 to i32
        %sign3A_748 = arith.subi %sign3A_744, %sign3A_747 : i32
        %ne3A_749 = arith.cmpi ne, %sign3A_741, %sign3A_748 : i32
        %rem3A_750 = arith.remsi %add3A_732, %jit3A_733 : i32
        %ne3A_751 = arith.constant 0 : i32
        %ne3A_752 = arith.cmpi ne, %rem3A_750, %ne3A_751 : i32
        %and3A_753 = arith.andi %ne3A_749, %ne3A_752 : i1
        %sub3A_754 = arith.constant 1 : i32
        %sub3A_755 = arith.subi %div3A_734, %sub3A_754 : i32
        %select_n3A_756 = arith.select %and3A_753, %sub3A_755, %div3A_734 : i32
        %mul3A_757 = arith.constant 32 : i32
        %mul3A_758 = arith.muli %select_n3A_756, %mul3A_757 : i32
        %add3A_759 = arith.addi %mul3A_4, %mul3A_758 : i32
        %jit3A_760 = arith.constant 2 : i32
        %eq3A_761 = arith.constant 0 : i32
        %eq3A_762 = arith.cmpi eq, %jit3A_760, %eq3A_761 : i32
        %jit3A_763 = arith.constant 1 : i32
        %select_n3A_764 = arith.select %eq3A_762, %jit3A_763, %jit3A_760 : i32
        %rem3A_765 = arith.remsi %select_n3A_756, %select_n3A_764 : i32
        %ne3A_766 = arith.constant 0 : i32
        %ne3A_767 = arith.cmpi ne, %rem3A_765, %ne3A_766 : i32
        %lt3A_768 = arith.constant 0 : i32
        %lt3A_769 = arith.cmpi slt, %rem3A_765, %lt3A_768 : i32
        %lt3A_770 = arith.constant 0 : i32
        %lt3A_771 = arith.cmpi slt, %select_n3A_764, %lt3A_770 : i32
        %ne3A_772 = arith.xori %lt3A_769, %lt3A_771 : i1
        %and3A_773 = arith.andi %ne3A_772, %ne3A_767 : i1
        %add3A_774 = arith.addi %rem3A_765, %select_n3A_764 : i32
        %select_n3A_775 = arith.select %and3A_773, %add3A_774, %rem3A_765 : i32
        "tpu.region"() ({
          %run_scoped3A_776 = tpu.sem_alloc : memref<!tpu.dma_semaphore, #tpu.memory_space<semaphore_mem>>
          %dma_start3A_777 = arith.constant 0 : i32
          %dma_start3A_778 = arith.constant 0 : i32
          %dma_start3A_779 = tpu.memref_slice %arg6[%select_n3A_775, %dma_start3A_777, %dma_start3A_778] : memref<2x32x200xi32, #tpu.memory_space<vmem>> -> memref<1x32x200xi32, #tpu.memory_space<vmem>>
          %dma_start3A_780 = tpu.memref_squeeze %dma_start3A_779 : memref<1x32x200xi32, #tpu.memory_space<vmem>> -> memref<32x200xi32, #tpu.memory_space<vmem>>
          %dma_start3A_781 = arith.constant 0 : i32
          %dma_start3A_782 = tpu.memref_slice %arg2[%add3A_759, %dma_start3A_781] : memref<16384x200xi32, #tpu.memory_space<hbm>> -> memref<32x200xi32, #tpu.memory_space<hbm>>
          %dma_start3A_783 = arith.constant 0 : i32
          %dma_start3A_784 = arith.constant 0 : i32
          %dma_start3A_785 = tpu.memref_slice %arg6[%select_n3A_775, %dma_start3A_783, %dma_start3A_784] : memref<2x32x200xi32, #tpu.memory_space<vmem>> -> memref<1x32x200xi32, #tpu.memory_space<vmem>>
          %dma_start3A_786 = tpu.memref_squeeze %dma_start3A_785 : memref<1x32x200xi32, #tpu.memory_space<vmem>> -> memref<32x200xi32, #tpu.memory_space<vmem>>
          %dma_start3A_787 = arith.constant 0 : i32
          %dma_start3A_788 = tpu.memref_slice %arg2[%add3A_759, %dma_start3A_787] : memref<16384x200xi32, #tpu.memory_space<hbm>> -> memref<32x200xi32, #tpu.memory_space<hbm>>
          tpu.enqueue_dma source(%dma_start3A_788 : memref<32x200xi32, #tpu.memory_space<hbm>>) target(%dma_start3A_786 : memref<32x200xi32, #tpu.memory_space<vmem>>) target_semaphore(%run_scoped3A_776 : memref<!tpu.dma_semaphore, #tpu.memory_space<semaphore_mem>>)
          %dma_wait3A_789 = arith.constant 0 : i32
          %dma_wait3A_790 = arith.constant 0 : i32
          %dma_wait3A_791 = tpu.memref_slice %arg6[%select_n3A_775, %dma_wait3A_789, %dma_wait3A_790] : memref<2x32x200xi32, #tpu.memory_space<vmem>> -> memref<1x32x200xi32, #tpu.memory_space<vmem>>
          %dma_wait3A_792 = tpu.memref_squeeze %dma_wait3A_791 : memref<1x32x200xi32, #tpu.memory_space<vmem>> -> memref<32x200xi32, #tpu.memory_space<vmem>>
          %dma_wait3A_793 = arith.constant 0 : i32
          %dma_wait3A_794 = tpu.memref_slice %arg2[%add3A_759, %dma_wait3A_793] : memref<16384x200xi32, #tpu.memory_space<hbm>> -> memref<32x200xi32, #tpu.memory_space<hbm>>
          %dma_wait3A_795 = arith.constant 0 : i32
          %dma_wait3A_796 = arith.constant 0 : i32
          %dma_wait3A_797 = tpu.memref_slice %arg6[%select_n3A_775, %dma_wait3A_795, %dma_wait3A_796] : memref<2x32x200xi32, #tpu.memory_space<vmem>> -> memref<1x32x200xi32, #tpu.memory_space<vmem>>
          %dma_wait3A_798 = tpu.memref_squeeze %dma_wait3A_797 : memref<1x32x200xi32, #tpu.memory_space<vmem>> -> memref<32x200xi32, #tpu.memory_space<vmem>>
          %dma_wait3A_799 = arith.constant 0 : i32
          %dma_wait3A_800 = tpu.memref_slice %arg2[%add3A_759, %dma_wait3A_799] : memref<16384x200xi32, #tpu.memory_space<hbm>> -> memref<32x200xi32, #tpu.memory_space<hbm>>
          tpu.wait_dma2 semaphore(%run_scoped3A_776 : memref<!tpu.dma_semaphore, #tpu.memory_space<semaphore_mem>>) src(%dma_wait3A_800 : memref<32x200xi32, #tpu.memory_space<hbm>>) dst(%dma_wait3A_798 : memref<32x200xi32, #tpu.memory_space<vmem>>)
          tpu.yield
        }) : () -> ()
      } else {
      }
      %add3A_235 = arith.constant 0 : i32
      %add3A_236 = arith.addi %mul3A_37, %add3A_235 : i32
      %add3A_237 = arith.constant 4 : i32
      %add3A_238 = arith.addi %add3A_236, %add3A_237 : i32
      %lt3A_239 = arith.constant 512 : i32
      %lt3A_240 = arith.cmpi slt, %add3A_238, %lt3A_239 : i32
      %convert_element_type3A_241 = arith.extui %lt3A_240 : i1 to i32
      %cond3A_242 = arith.constant 0 : i32
      %cond3A_243 = arith.cmpi ne, %convert_element_type3A_241, %cond3A_242 : i32
      scf.if %cond3A_243 {
        %add3A_729 = arith.constant 0 : i32
        %add3A_730 = arith.addi %mul3A_37, %add3A_729 : i32
        %add3A_731 = arith.constant 4 : i32
        %add3A_732 = arith.addi %add3A_730, %add3A_731 : i32
        %jit3A_733 = arith.constant 32 : i32
        %div3A_734 = arith.divsi %add3A_732, %jit3A_733 : i32
        %sign3A_735 = arith.constant 0 : i32
        %sign3A_736 = arith.cmpi sgt, %add3A_732, %sign3A_735 : i32
        %sign3A_737 = arith.extui %sign3A_736 : i1 to i32
        %sign3A_738 = arith.constant 0 : i32
        %sign3A_739 = arith.cmpi slt, %add3A_732, %sign3A_738 : i32
        %sign3A_740 = arith.extui %sign3A_739 : i1 to i32
        %sign3A_741 = arith.subi %sign3A_737, %sign3A_740 : i32
        %sign3A_742 = arith.constant 0 : i32
        %sign3A_743 = arith.cmpi sgt, %jit3A_733, %sign3A_742 : i32
        %sign3A_744 = arith.extui %sign3A_743 : i1 to i32
        %sign3A_745 = arith.constant 0 : i32
        %sign3A_746 = arith.cmpi slt, %jit3A_733, %sign3A_745 : i32
        %sign3A_747 = arith.extui %sign3A_746 : i1 to i32
        %sign3A_748 = arith.subi %sign3A_744, %sign3A_747 : i32
        %ne3A_749 = arith.cmpi ne, %sign3A_741, %sign3A_748 : i32
        %rem3A_750 = arith.remsi %add3A_732, %jit3A_733 : i32
        %ne3A_751 = arith.constant 0 : i32
        %ne3A_752 = arith.cmpi ne, %rem3A_750, %ne3A_751 : i32
        %and3A_753 = arith.andi %ne3A_749, %ne3A_752 : i1
        %sub3A_754 = arith.constant 1 : i32
        %sub3A_755 = arith.subi %div3A_734, %sub3A_754 : i32
        %select_n3A_756 = arith.select %and3A_753, %sub3A_755, %div3A_734 : i32
        %jit3A_757 = arith.constant 32 : i32
        %eq3A_758 = arith.constant 0 : i32
        %eq3A_759 = arith.cmpi eq, %jit3A_757, %eq3A_758 : i32
        %jit3A_760 = arith.constant 1 : i32
        %select_n3A_761 = arith.select %eq3A_759, %jit3A_760, %jit3A_757 : i32
        %rem3A_762 = arith.remsi %add3A_732, %select_n3A_761 : i32
        %ne3A_763 = arith.constant 0 : i32
        %ne3A_764 = arith.cmpi ne, %rem3A_762, %ne3A_763 : i32
        %lt3A_765 = arith.constant 0 : i32
        %lt3A_766 = arith.cmpi slt, %rem3A_762, %lt3A_765 : i32
        %lt3A_767 = arith.constant 0 : i32
        %lt3A_768 = arith.cmpi slt, %select_n3A_761, %lt3A_767 : i32
        %ne3A_769 = arith.xori %lt3A_766, %lt3A_768 : i1
        %and3A_770 = arith.andi %ne3A_769, %ne3A_764 : i1
        %add3A_771 = arith.addi %rem3A_762, %select_n3A_761 : i32
        %select_n3A_772 = arith.select %and3A_770, %add3A_771, %rem3A_762 : i32
        %jit3A_773 = arith.constant 2 : i32
        %eq3A_774 = arith.constant 0 : i32
        %eq3A_775 = arith.cmpi eq, %jit3A_773, %eq3A_774 : i32
        %jit3A_776 = arith.constant 1 : i32
        %select_n3A_777 = arith.select %eq3A_775, %jit3A_776, %jit3A_773 : i32
        %rem3A_778 = arith.remsi %select_n3A_756, %select_n3A_777 : i32
        %ne3A_779 = arith.constant 0 : i32
        %ne3A_780 = arith.cmpi ne, %rem3A_778, %ne3A_779 : i32
        %lt3A_781 = arith.constant 0 : i32
        %lt3A_782 = arith.cmpi slt, %rem3A_778, %lt3A_781 : i32
        %lt3A_783 = arith.constant 0 : i32
        %lt3A_784 = arith.cmpi slt, %select_n3A_777, %lt3A_783 : i32
        %ne3A_785 = arith.xori %lt3A_782, %lt3A_784 : i1
        %and3A_786 = arith.andi %ne3A_785, %ne3A_780 : i1
        %add3A_787 = arith.addi %rem3A_778, %select_n3A_777 : i32
        %select_n3A_788 = arith.select %and3A_786, %add3A_787, %rem3A_778 : i32
        %dma_start3A_789 = arith.constant 0 : i32
        %dma_start3A_790 = tpu.memref_slice %arg6[%select_n3A_788, %select_n3A_772, %dma_start3A_789] : memref<2x32x200xi32, #tpu.memory_space<vmem>> -> memref<1x1x200xi32, #tpu.memory_space<vmem>>
        %dma_start3A_791 = tpu.memref_squeeze %dma_start3A_790 : memref<1x1x200xi32, #tpu.memory_space<vmem>> -> memref<200xi32, #tpu.memory_space<vmem>>
        %dma_start3A_792 = arith.constant 0 : i32
        %dma_start3A_793 = arith.constant 0 : i32
        %dma_start3A_794 = tpu.memref_slice %arg3[%dma_start3A_792, %dma_start3A_793] : memref<1007616x64xf32, #tpu.memory_space<hbm>> -> memref<1007616x64xf32, #tpu.memory_space<hbm>>
        tpu.enqueue_indirect_dma source(%dma_start3A_794 : memref<1007616x64xf32, #tpu.memory_space<hbm>>) target(%arg7 : memref<200x64xf32, #tpu.memory_space<vmem>>) offsets(%dma_start3A_791 : memref<200xi32, #tpu.memory_space<vmem>>) semaphore(%arg12 : memref<!tpu.dma_semaphore, #tpu.memory_space<semaphore_mem>>)
      } else {
      }
      %add3A_244 = arith.constant 1 : i32
      %add3A_245 = arith.addi %mul3A_37, %add3A_244 : i32
      %jit3A_246 = arith.constant 32 : i32
      %div3A_247 = arith.divsi %add3A_245, %jit3A_246 : i32
      %sign3A_248 = arith.constant 0 : i32
      %sign3A_249 = arith.cmpi sgt, %add3A_245, %sign3A_248 : i32
      %sign3A_250 = arith.extui %sign3A_249 : i1 to i32
      %sign3A_251 = arith.constant 0 : i32
      %sign3A_252 = arith.cmpi slt, %add3A_245, %sign3A_251 : i32
      %sign3A_253 = arith.extui %sign3A_252 : i1 to i32
      %sign3A_254 = arith.subi %sign3A_250, %sign3A_253 : i32
      %sign3A_255 = arith.constant 0 : i32
      %sign3A_256 = arith.cmpi sgt, %jit3A_246, %sign3A_255 : i32
      %sign3A_257 = arith.extui %sign3A_256 : i1 to i32
      %sign3A_258 = arith.constant 0 : i32
      %sign3A_259 = arith.cmpi slt, %jit3A_246, %sign3A_258 : i32
      %sign3A_260 = arith.extui %sign3A_259 : i1 to i32
      %sign3A_261 = arith.subi %sign3A_257, %sign3A_260 : i32
      %ne3A_262 = arith.cmpi ne, %sign3A_254, %sign3A_261 : i32
      %rem3A_263 = arith.remsi %add3A_245, %jit3A_246 : i32
      %ne3A_264 = arith.constant 0 : i32
      %ne3A_265 = arith.cmpi ne, %rem3A_263, %ne3A_264 : i32
      %and3A_266 = arith.andi %ne3A_262, %ne3A_265 : i1
      %sub3A_267 = arith.constant 1 : i32
      %sub3A_268 = arith.subi %div3A_247, %sub3A_267 : i32
      %select_n3A_269 = arith.select %and3A_266, %sub3A_268, %div3A_247 : i32
      %jit3A_270 = arith.constant 32 : i32
      %eq3A_271 = arith.constant 0 : i32
      %eq3A_272 = arith.cmpi eq, %jit3A_270, %eq3A_271 : i32
      %jit3A_273 = arith.constant 1 : i32
      %select_n3A_274 = arith.select %eq3A_272, %jit3A_273, %jit3A_270 : i32
      %rem3A_275 = arith.remsi %add3A_245, %select_n3A_274 : i32
      %ne3A_276 = arith.constant 0 : i32
      %ne3A_277 = arith.cmpi ne, %rem3A_275, %ne3A_276 : i32
      %lt3A_278 = arith.constant 0 : i32
      %lt3A_279 = arith.cmpi slt, %rem3A_275, %lt3A_278 : i32
      %lt3A_280 = arith.constant 0 : i32
      %lt3A_281 = arith.cmpi slt, %select_n3A_274, %lt3A_280 : i32
      %ne3A_282 = arith.xori %lt3A_279, %lt3A_281 : i1
      %and3A_283 = arith.andi %ne3A_282, %ne3A_277 : i1
      %add3A_284 = arith.addi %rem3A_275, %select_n3A_274 : i32
      %select_n3A_285 = arith.select %and3A_283, %add3A_284, %rem3A_275 : i32
      %jit3A_286 = arith.constant 2 : i32
      %eq3A_287 = arith.constant 0 : i32
      %eq3A_288 = arith.cmpi eq, %jit3A_286, %eq3A_287 : i32
      %jit3A_289 = arith.constant 1 : i32
      %select_n3A_290 = arith.select %eq3A_288, %jit3A_289, %jit3A_286 : i32
      %rem3A_291 = arith.remsi %select_n3A_269, %select_n3A_290 : i32
      %ne3A_292 = arith.constant 0 : i32
      %ne3A_293 = arith.cmpi ne, %rem3A_291, %ne3A_292 : i32
      %lt3A_294 = arith.constant 0 : i32
      %lt3A_295 = arith.cmpi slt, %rem3A_291, %lt3A_294 : i32
      %lt3A_296 = arith.constant 0 : i32
      %lt3A_297 = arith.cmpi slt, %select_n3A_290, %lt3A_296 : i32
      %ne3A_298 = arith.xori %lt3A_295, %lt3A_297 : i1
      %and3A_299 = arith.andi %ne3A_298, %ne3A_293 : i1
      %add3A_300 = arith.addi %rem3A_291, %select_n3A_290 : i32
      %select_n3A_301 = arith.select %and3A_299, %add3A_300, %rem3A_291 : i32
      %dma_wait3A_302 = arith.constant 0 : i32
      %dma_wait3A_303 = tpu.memref_slice %arg6[%select_n3A_301, %select_n3A_285, %dma_wait3A_302] : memref<2x32x200xi32, #tpu.memory_space<vmem>> -> memref<1x1x200xi32, #tpu.memory_space<vmem>>
      %dma_wait3A_304 = tpu.memref_squeeze %dma_wait3A_303 : memref<1x1x200xi32, #tpu.memory_space<vmem>> -> memref<200xi32, #tpu.memory_space<vmem>>
      %dma_wait3A_305 = arith.constant 0 : i32
      %dma_wait3A_306 = arith.constant 0 : i32
      %dma_wait3A_307 = tpu.memref_slice %arg3[%dma_wait3A_305, %dma_wait3A_306] : memref<1007616x64xf32, #tpu.memory_space<hbm>> -> memref<1007616x64xf32, #tpu.memory_space<hbm>>
      tpu.wait_indirect_dma semaphore(%arg13 : memref<!tpu.dma_semaphore, #tpu.memory_space<semaphore_mem>>) src(%dma_wait3A_307 : memref<1007616x64xf32, #tpu.memory_space<hbm>>) dst(%arg8 : memref<200x64xf32, #tpu.memory_space<vmem>>)
      %broadcast_in_dim3A_308 = arith.constant 0.000000e+00 : f32
      %broadcast_in_dim3A_309 = vector.broadcast %broadcast_in_dim3A_308 : f32 to vector<16xf32>
      %scan3A_310 = arith.constant 0 : i32
      %scan3A_311 = arith.constant 200 : i32
      %scan3A_312 = arith.addi %scan3A_310, %scan3A_311 : i32
      %scan3A_313 = arith.constant 10 : i32
      %scan3A_314:4 = scf.for %scan3A_729 = %scan3A_310 to %scan3A_312 step %scan3A_313 iter_args(%scan3A_730 = %broadcast_in_dim3A_309, %scan3A_731 = %broadcast_in_dim3A_309, %scan3A_732 = %broadcast_in_dim3A_309, %scan3A_733 = %broadcast_in_dim3A_309) -> (vector<16xf32>, vector<16xf32>, vector<16xf32>, vector<16xf32>)  : i32 {
        %get3A_734 = arith.index_cast %scan3A_729 : i32 to index
        %get3A_735 = arith.constant 0 : index
        %get3A_736 = tpu.vector_load %arg8[%get3A_734, %get3A_735] {strides = array<i32>} : memref<200x64xf32, #tpu.memory_space<vmem>>, vector<1x16xf32>,
        %get3A_737 = vector.shape_cast %get3A_736 : vector<1x16xf32> to vector<16xf32>
        %add3A_738 = arith.addf %scan3A_730, %get3A_737 : vector<16xf32>
        %get3A_739 = arith.index_cast %scan3A_729 : i32 to index
        %get3A_740 = arith.constant 16 : index
        %get3A_741 = tpu.vector_load %arg8[%get3A_739, %get3A_740] {strides = array<i32>} : memref<200x64xf32, #tpu.memory_space<vmem>>, vector<1x16xf32>,
        %get3A_742 = vector.shape_cast %get3A_741 : vector<1x16xf32> to vector<16xf32>
        %add3A_743 = arith.addf %scan3A_731, %get3A_742 : vector<16xf32>
        %get3A_744 = arith.index_cast %scan3A_729 : i32 to index
        %get3A_745 = arith.constant 32 : index
        %get3A_746 = tpu.vector_load %arg8[%get3A_744, %get3A_745] {strides = array<i32>} : memref<200x64xf32, #tpu.memory_space<vmem>>, vector<1x16xf32>,
        %get3A_747 = vector.shape_cast %get3A_746 : vector<1x16xf32> to vector<16xf32>
        %add3A_748 = arith.addf %scan3A_732, %get3A_747 : vector<16xf32>
        %get3A_749 = arith.index_cast %scan3A_729 : i32 to index
        %get3A_750 = arith.constant 48 : index
        %get3A_751 = tpu.vector_load %arg8[%get3A_749, %get3A_750] {strides = array<i32>} : memref<200x64xf32, #tpu.memory_space<vmem>>, vector<1x16xf32>,
        %get3A_752 = vector.shape_cast %get3A_751 : vector<1x16xf32> to vector<16xf32>
        %add3A_753 = arith.addf %scan3A_733, %get3A_752 : vector<16xf32>
        %scan3A_754 = arith.constant 1 : i32
        %scan3A_755 = arith.addi %scan3A_729, %scan3A_754 : i32
        %get3A_756 = arith.index_cast %scan3A_755 : i32 to index
        %get3A_757 = arith.constant 0 : index
        %get3A_758 = tpu.vector_load %arg8[%get3A_756, %get3A_757] {strides = array<i32>} : memref<200x64xf32, #tpu.memory_space<vmem>>, vector<1x16xf32>,
        %get3A_759 = vector.shape_cast %get3A_758 : vector<1x16xf32> to vector<16xf32>
        %add3A_760 = arith.addf %add3A_738, %get3A_759 : vector<16xf32>
        %get3A_761 = arith.index_cast %scan3A_755 : i32 to index
        %get3A_762 = arith.constant 16 : index
        %get3A_763 = tpu.vector_load %arg8[%get3A_761, %get3A_762] {strides = array<i32>} : memref<200x64xf32, #tpu.memory_space<vmem>>, vector<1x16xf32>,
        %get3A_764 = vector.shape_cast %get3A_763 : vector<1x16xf32> to vector<16xf32>
        %add3A_765 = arith.addf %add3A_743, %get3A_764 : vector<16xf32>
        %get3A_766 = arith.index_cast %scan3A_755 : i32 to index
        %get3A_767 = arith.constant 32 : index
        %get3A_768 = tpu.vector_load %arg8[%get3A_766, %get3A_767] {strides = array<i32>} : memref<200x64xf32, #tpu.memory_space<vmem>>, vector<1x16xf32>,
        %get3A_769 = vector.shape_cast %get3A_768 : vector<1x16xf32> to vector<16xf32>
        %add3A_770 = arith.addf %add3A_748, %get3A_769 : vector<16xf32>
        %get3A_771 = arith.index_cast %scan3A_755 : i32 to index
        %get3A_772 = arith.constant 48 : index
        %get3A_773 = tpu.vector_load %arg8[%get3A_771, %get3A_772] {strides = array<i32>} : memref<200x64xf32, #tpu.memory_space<vmem>>, vector<1x16xf32>,
        %get3A_774 = vector.shape_cast %get3A_773 : vector<1x16xf32> to vector<16xf32>
        %add3A_775 = arith.addf %add3A_753, %get3A_774 : vector<16xf32>
        %scan3A_776 = arith.constant 2 : i32
        %scan3A_777 = arith.addi %scan3A_729, %scan3A_776 : i32
        %get3A_778 = arith.index_cast %scan3A_777 : i32 to index
        %get3A_779 = arith.constant 0 : index
        %get3A_780 = tpu.vector_load %arg8[%get3A_778, %get3A_779] {strides = array<i32>} : memref<200x64xf32, #tpu.memory_space<vmem>>, vector<1x16xf32>,
        %get3A_781 = vector.shape_cast %get3A_780 : vector<1x16xf32> to vector<16xf32>
        %add3A_782 = arith.addf %add3A_760, %get3A_781 : vector<16xf32>
        %get3A_783 = arith.index_cast %scan3A_777 : i32 to index
        %get3A_784 = arith.constant 16 : index
        %get3A_785 = tpu.vector_load %arg8[%get3A_783, %get3A_784] {strides = array<i32>} : memref<200x64xf32, #tpu.memory_space<vmem>>, vector<1x16xf32>,
        %get3A_786 = vector.shape_cast %get3A_785 : vector<1x16xf32> to vector<16xf32>
        %add3A_787 = arith.addf %add3A_765, %get3A_786 : vector<16xf32>
        %get3A_788 = arith.index_cast %scan3A_777 : i32 to index
        %get3A_789 = arith.constant 32 : index
        %get3A_790 = tpu.vector_load %arg8[%get3A_788, %get3A_789] {strides = array<i32>} : memref<200x64xf32, #tpu.memory_space<vmem>>, vector<1x16xf32>,
        %get3A_791 = vector.shape_cast %get3A_790 : vector<1x16xf32> to vector<16xf32>
        %add3A_792 = arith.addf %add3A_770, %get3A_791 : vector<16xf32>
        %get3A_793 = arith.index_cast %scan3A_777 : i32 to index
        %get3A_794 = arith.constant 48 : index
        %get3A_795 = tpu.vector_load %arg8[%get3A_793, %get3A_794] {strides = array<i32>} : memref<200x64xf32, #tpu.memory_space<vmem>>, vector<1x16xf32>,
        %get3A_796 = vector.shape_cast %get3A_795 : vector<1x16xf32> to vector<16xf32>
        %add3A_797 = arith.addf %add3A_775, %get3A_796 : vector<16xf32>
        %scan3A_798 = arith.constant 3 : i32
        %scan3A_799 = arith.addi %scan3A_729, %scan3A_798 : i32
        %get3A_800 = arith.index_cast %scan3A_799 : i32 to index
        %get3A_801 = arith.constant 0 : index
        %get3A_802 = tpu.vector_load %arg8[%get3A_800, %get3A_801] {strides = array<i32>} : memref<200x64xf32, #tpu.memory_space<vmem>>, vector<1x16xf32>,
        %get3A_803 = vector.shape_cast %get3A_802 : vector<1x16xf32> to vector<16xf32>
        %add3A_804 = arith.addf %add3A_782, %get3A_803 : vector<16xf32>
        %get3A_805 = arith.index_cast %scan3A_799 : i32 to index
        %get3A_806 = arith.constant 16 : index
        %get3A_807 = tpu.vector_load %arg8[%get3A_805, %get3A_806] {strides = array<i32>} : memref<200x64xf32, #tpu.memory_space<vmem>>, vector<1x16xf32>,
        %get3A_808 = vector.shape_cast %get3A_807 : vector<1x16xf32> to vector<16xf32>
        %add3A_809 = arith.addf %add3A_787, %get3A_808 : vector<16xf32>
        %get3A_810 = arith.index_cast %scan3A_799 : i32 to index
        %get3A_811 = arith.constant 32 : index
        %get3A_812 = tpu.vector_load %arg8[%get3A_810, %get3A_811] {strides = array<i32>} : memref<200x64xf32, #tpu.memory_space<vmem>>, vector<1x16xf32>,
        %get3A_813 = vector.shape_cast %get3A_812 : vector<1x16xf32> to vector<16xf32>
        %add3A_814 = arith.addf %add3A_792, %get3A_813 : vector<16xf32>
        %get3A_815 = arith.index_cast %scan3A_799 : i32 to index
        %get3A_816 = arith.constant 48 : index
        %get3A_817 = tpu.vector_load %arg8[%get3A_815, %get3A_816] {strides = array<i32>} : memref<200x64xf32, #tpu.memory_space<vmem>>, vector<1x16xf32>,
        %get3A_818 = vector.shape_cast %get3A_817 : vector<1x16xf32> to vector<16xf32>
        %add3A_819 = arith.addf %add3A_797, %get3A_818 : vector<16xf32>
        %scan3A_820 = arith.constant 4 : i32
        %scan3A_821 = arith.addi %scan3A_729, %scan3A_820 : i32
        %get3A_822 = arith.index_cast %scan3A_821 : i32 to index
        %get3A_823 = arith.constant 0 : index
        %get3A_824 = tpu.vector_load %arg8[%get3A_822, %get3A_823] {strides = array<i32>} : memref<200x64xf32, #tpu.memory_space<vmem>>, vector<1x16xf32>,
        %get3A_825 = vector.shape_cast %get3A_824 : vector<1x16xf32> to vector<16xf32>
        %add3A_826 = arith.addf %add3A_804, %get3A_825 : vector<16xf32>
        %get3A_827 = arith.index_cast %scan3A_821 : i32 to index
        %get3A_828 = arith.constant 16 : index
        %get3A_829 = tpu.vector_load %arg8[%get3A_827, %get3A_828] {strides = array<i32>} : memref<200x64xf32, #tpu.memory_space<vmem>>, vector<1x16xf32>,
        %get3A_830 = vector.shape_cast %get3A_829 : vector<1x16xf32> to vector<16xf32>
        %add3A_831 = arith.addf %add3A_809, %get3A_830 : vector<16xf32>
        %get3A_832 = arith.index_cast %scan3A_821 : i32 to index
        %get3A_833 = arith.constant 32 : index
        %get3A_834 = tpu.vector_load %arg8[%get3A_832, %get3A_833] {strides = array<i32>} : memref<200x64xf32, #tpu.memory_space<vmem>>, vector<1x16xf32>,
        %get3A_835 = vector.shape_cast %get3A_834 : vector<1x16xf32> to vector<16xf32>
        %add3A_836 = arith.addf %add3A_814, %get3A_835 : vector<16xf32>
        %get3A_837 = arith.index_cast %scan3A_821 : i32 to index
        %get3A_838 = arith.constant 48 : index
        %get3A_839 = tpu.vector_load %arg8[%get3A_837, %get3A_838] {strides = array<i32>} : memref<200x64xf32, #tpu.memory_space<vmem>>, vector<1x16xf32>,
        %get3A_840 = vector.shape_cast %get3A_839 : vector<1x16xf32> to vector<16xf32>
        %add3A_841 = arith.addf %add3A_819, %get3A_840 : vector<16xf32>
        %scan3A_842 = arith.constant 5 : i32
        %scan3A_843 = arith.addi %scan3A_729, %scan3A_842 : i32
        %get3A_844 = arith.index_cast %scan3A_843 : i32 to index
        %get3A_845 = arith.constant 0 : index
        %get3A_846 = tpu.vector_load %arg8[%get3A_844, %get3A_845] {strides = array<i32>} : memref<200x64xf32, #tpu.memory_space<vmem>>, vector<1x16xf32>,
        %get3A_847 = vector.shape_cast %get3A_846 : vector<1x16xf32> to vector<16xf32>
        %add3A_848 = arith.addf %add3A_826, %get3A_847 : vector<16xf32>
        %get3A_849 = arith.index_cast %scan3A_843 : i32 to index
        %get3A_850 = arith.constant 16 : index
        %get3A_851 = tpu.vector_load %arg8[%get3A_849, %get3A_850] {strides = array<i32>} : memref<200x64xf32, #tpu.memory_space<vmem>>, vector<1x16xf32>,
        %get3A_852 = vector.shape_cast %get3A_851 : vector<1x16xf32> to vector<16xf32>
        %add3A_853 = arith.addf %add3A_831, %get3A_852 : vector<16xf32>
        %get3A_854 = arith.index_cast %scan3A_843 : i32 to index
        %get3A_855 = arith.constant 32 : index
        %get3A_856 = tpu.vector_load %arg8[%get3A_854, %get3A_855] {strides = array<i32>} : memref<200x64xf32, #tpu.memory_space<vmem>>, vector<1x16xf32>,
        %get3A_857 = vector.shape_cast %get3A_856 : vector<1x16xf32> to vector<16xf32>
        %add3A_858 = arith.addf %add3A_836, %get3A_857 : vector<16xf32>
        %get3A_859 = arith.index_cast %scan3A_843 : i32 to index
        %get3A_860 = arith.constant 48 : index
        %get3A_861 = tpu.vector_load %arg8[%get3A_859, %get3A_860] {strides = array<i32>} : memref<200x64xf32, #tpu.memory_space<vmem>>, vector<1x16xf32>,
        %get3A_862 = vector.shape_cast %get3A_861 : vector<1x16xf32> to vector<16xf32>
        %add3A_863 = arith.addf %add3A_841, %get3A_862 : vector<16xf32>
        %scan3A_864 = arith.constant 6 : i32
        %scan3A_865 = arith.addi %scan3A_729, %scan3A_864 : i32
        %get3A_866 = arith.index_cast %scan3A_865 : i32 to index
        %get3A_867 = arith.constant 0 : index
        %get3A_868 = tpu.vector_load %arg8[%get3A_866, %get3A_867] {strides = array<i32>} : memref<200x64xf32, #tpu.memory_space<vmem>>, vector<1x16xf32>,
        %get3A_869 = vector.shape_cast %get3A_868 : vector<1x16xf32> to vector<16xf32>
        %add3A_870 = arith.addf %add3A_848, %get3A_869 : vector<16xf32>
        %get3A_871 = arith.index_cast %scan3A_865 : i32 to index
        %get3A_872 = arith.constant 16 : index
        %get3A_873 = tpu.vector_load %arg8[%get3A_871, %get3A_872] {strides = array<i32>} : memref<200x64xf32, #tpu.memory_space<vmem>>, vector<1x16xf32>,
        %get3A_874 = vector.shape_cast %get3A_873 : vector<1x16xf32> to vector<16xf32>
        %add3A_875 = arith.addf %add3A_853, %get3A_874 : vector<16xf32>
        %get3A_876 = arith.index_cast %scan3A_865 : i32 to index
        %get3A_877 = arith.constant 32 : index
        %get3A_878 = tpu.vector_load %arg8[%get3A_876, %get3A_877] {strides = array<i32>} : memref<200x64xf32, #tpu.memory_space<vmem>>, vector<1x16xf32>,
        %get3A_879 = vector.shape_cast %get3A_878 : vector<1x16xf32> to vector<16xf32>
        %add3A_880 = arith.addf %add3A_858, %get3A_879 : vector<16xf32>
        %get3A_881 = arith.index_cast %scan3A_865 : i32 to index
        %get3A_882 = arith.constant 48 : index
        %get3A_883 = tpu.vector_load %arg8[%get3A_881, %get3A_882] {strides = array<i32>} : memref<200x64xf32, #tpu.memory_space<vmem>>, vector<1x16xf32>,
        %get3A_884 = vector.shape_cast %get3A_883 : vector<1x16xf32> to vector<16xf32>
        %add3A_885 = arith.addf %add3A_863, %get3A_884 : vector<16xf32>
        %scan3A_886 = arith.constant 7 : i32
        %scan3A_887 = arith.addi %scan3A_729, %scan3A_886 : i32
        %get3A_888 = arith.index_cast %scan3A_887 : i32 to index
        %get3A_889 = arith.constant 0 : index
        %get3A_890 = tpu.vector_load %arg8[%get3A_888, %get3A_889] {strides = array<i32>} : memref<200x64xf32, #tpu.memory_space<vmem>>, vector<1x16xf32>,
        %get3A_891 = vector.shape_cast %get3A_890 : vector<1x16xf32> to vector<16xf32>
        %add3A_892 = arith.addf %add3A_870, %get3A_891 : vector<16xf32>
        %get3A_893 = arith.index_cast %scan3A_887 : i32 to index
        %get3A_894 = arith.constant 16 : index
        %get3A_895 = tpu.vector_load %arg8[%get3A_893, %get3A_894] {strides = array<i32>} : memref<200x64xf32, #tpu.memory_space<vmem>>, vector<1x16xf32>,
        %get3A_896 = vector.shape_cast %get3A_895 : vector<1x16xf32> to vector<16xf32>
        %add3A_897 = arith.addf %add3A_875, %get3A_896 : vector<16xf32>
        %get3A_898 = arith.index_cast %scan3A_887 : i32 to index
        %get3A_899 = arith.constant 32 : index
        %get3A_900 = tpu.vector_load %arg8[%get3A_898, %get3A_899] {strides = array<i32>} : memref<200x64xf32, #tpu.memory_space<vmem>>, vector<1x16xf32>,
        %get3A_901 = vector.shape_cast %get3A_900 : vector<1x16xf32> to vector<16xf32>
        %add3A_902 = arith.addf %add3A_880, %get3A_901 : vector<16xf32>
        %get3A_903 = arith.index_cast %scan3A_887 : i32 to index
        %get3A_904 = arith.constant 48 : index
        %get3A_905 = tpu.vector_load %arg8[%get3A_903, %get3A_904] {strides = array<i32>} : memref<200x64xf32, #tpu.memory_space<vmem>>, vector<1x16xf32>,
        %get3A_906 = vector.shape_cast %get3A_905 : vector<1x16xf32> to vector<16xf32>
        %add3A_907 = arith.addf %add3A_885, %get3A_906 : vector<16xf32>
        %scan3A_908 = arith.constant 8 : i32
        %scan3A_909 = arith.addi %scan3A_729, %scan3A_908 : i32
        %get3A_910 = arith.index_cast %scan3A_909 : i32 to index
        %get3A_911 = arith.constant 0 : index
        %get3A_912 = tpu.vector_load %arg8[%get3A_910, %get3A_911] {strides = array<i32>} : memref<200x64xf32, #tpu.memory_space<vmem>>, vector<1x16xf32>,
        %get3A_913 = vector.shape_cast %get3A_912 : vector<1x16xf32> to vector<16xf32>
        %add3A_914 = arith.addf %add3A_892, %get3A_913 : vector<16xf32>
        %get3A_915 = arith.index_cast %scan3A_909 : i32 to index
        %get3A_916 = arith.constant 16 : index
        %get3A_917 = tpu.vector_load %arg8[%get3A_915, %get3A_916] {strides = array<i32>} : memref<200x64xf32, #tpu.memory_space<vmem>>, vector<1x16xf32>,
        %get3A_918 = vector.shape_cast %get3A_917 : vector<1x16xf32> to vector<16xf32>
        %add3A_919 = arith.addf %add3A_897, %get3A_918 : vector<16xf32>
        %get3A_920 = arith.index_cast %scan3A_909 : i32 to index
        %get3A_921 = arith.constant 32 : index
        %get3A_922 = tpu.vector_load %arg8[%get3A_920, %get3A_921] {strides = array<i32>} : memref<200x64xf32, #tpu.memory_space<vmem>>, vector<1x16xf32>,
        %get3A_923 = vector.shape_cast %get3A_922 : vector<1x16xf32> to vector<16xf32>
        %add3A_924 = arith.addf %add3A_902, %get3A_923 : vector<16xf32>
        %get3A_925 = arith.index_cast %scan3A_909 : i32 to index
        %get3A_926 = arith.constant 48 : index
        %get3A_927 = tpu.vector_load %arg8[%get3A_925, %get3A_926] {strides = array<i32>} : memref<200x64xf32, #tpu.memory_space<vmem>>, vector<1x16xf32>,
        %get3A_928 = vector.shape_cast %get3A_927 : vector<1x16xf32> to vector<16xf32>
        %add3A_929 = arith.addf %add3A_907, %get3A_928 : vector<16xf32>
        %scan3A_930 = arith.constant 9 : i32
        %scan3A_931 = arith.addi %scan3A_729, %scan3A_930 : i32
        %get3A_932 = arith.index_cast %scan3A_931 : i32 to index
        %get3A_933 = arith.constant 0 : index
        %get3A_934 = tpu.vector_load %arg8[%get3A_932, %get3A_933] {strides = array<i32>} : memref<200x64xf32, #tpu.memory_space<vmem>>, vector<1x16xf32>,
        %get3A_935 = vector.shape_cast %get3A_934 : vector<1x16xf32> to vector<16xf32>
        %add3A_936 = arith.addf %add3A_914, %get3A_935 : vector<16xf32>
        %get3A_937 = arith.index_cast %scan3A_931 : i32 to index
        %get3A_938 = arith.constant 16 : index
        %get3A_939 = tpu.vector_load %arg8[%get3A_937, %get3A_938] {strides = array<i32>} : memref<200x64xf32, #tpu.memory_space<vmem>>, vector<1x16xf32>,
        %get3A_940 = vector.shape_cast %get3A_939 : vector<1x16xf32> to vector<16xf32>
        %add3A_941 = arith.addf %add3A_919, %get3A_940 : vector<16xf32>
        %get3A_942 = arith.index_cast %scan3A_931 : i32 to index
        %get3A_943 = arith.constant 32 : index
        %get3A_944 = tpu.vector_load %arg8[%get3A_942, %get3A_943] {strides = array<i32>} : memref<200x64xf32, #tpu.memory_space<vmem>>, vector<1x16xf32>,
        %get3A_945 = vector.shape_cast %get3A_944 : vector<1x16xf32> to vector<16xf32>
        %add3A_946 = arith.addf %add3A_924, %get3A_945 : vector<16xf32>
        %get3A_947 = arith.index_cast %scan3A_931 : i32 to index
        %get3A_948 = arith.constant 48 : index
        %get3A_949 = tpu.vector_load %arg8[%get3A_947, %get3A_948] {strides = array<i32>} : memref<200x64xf32, #tpu.memory_space<vmem>>, vector<1x16xf32>,
        %get3A_950 = vector.shape_cast %get3A_949 : vector<1x16xf32> to vector<16xf32>
        %add3A_951 = arith.addf %add3A_929, %get3A_950 : vector<16xf32>
        scf.yield %add3A_936, %add3A_941, %add3A_946, %add3A_951 : vector<16xf32>, vector<16xf32>, vector<16xf32>, vector<16xf32>
      }
      %scan3A_315 = arith.constant 200 : i32
      %jit3A_316 = arith.constant 32 : i32
      %eq3A_317 = arith.constant 0 : i32
      %eq3A_318 = arith.cmpi eq, %jit3A_316, %eq3A_317 : i32
      %jit3A_319 = arith.constant 1 : i32
      %select_n3A_320 = arith.select %eq3A_318, %jit3A_319, %jit3A_316 : i32
      %rem3A_321 = arith.remsi %add3A_245, %select_n3A_320 : i32
      %ne3A_322 = arith.constant 0 : i32
      %ne3A_323 = arith.cmpi ne, %rem3A_321, %ne3A_322 : i32
      %lt3A_324 = arith.constant 0 : i32
      %lt3A_325 = arith.cmpi slt, %rem3A_321, %lt3A_324 : i32
      %lt3A_326 = arith.constant 0 : i32
      %lt3A_327 = arith.cmpi slt, %select_n3A_320, %lt3A_326 : i32
      %ne3A_328 = arith.xori %lt3A_325, %lt3A_327 : i1
      %and3A_329 = arith.andi %ne3A_328, %ne3A_323 : i1
      %add3A_330 = arith.addi %rem3A_321, %select_n3A_320 : i32
      %select_n3A_331 = arith.select %and3A_329, %add3A_330, %rem3A_321 : i32
      %mul3A_332 = vector.broadcast %squeeze3A : f32 to vector<16xf32>
      %mul3A_333 = arith.mulf %scan3A_314#0, %mul3A_332 : vector<16xf32>
      %swap3A_334 = arith.index_cast %select_n3A_331 : i32 to index
      %swap3A_335 = arith.constant 0 : index
      %swap3A_336 = tpu.vector_load %arg11[%swap3A_334, %swap3A_335] {strides = array<i32>} : memref<32x64xf32, #tpu.memory_space<vmem>>, vector<1x16xf32>,
      %swap3A_337 = vector.shape_cast %swap3A_336 : vector<1x16xf32> to vector<16xf32>
      %swap3A_338 = vector.shape_cast %mul3A_333 : vector<16xf32> to vector<1x16xf32>
      tpu.vector_store %arg11[%swap3A_334, %swap3A_335], %swap3A_338 {strides = array<i32>} : memref<32x64xf32, #tpu.memory_space<vmem>>, vector<1x16xf32>,
      %mul3A_339 = vector.broadcast %squeeze3A : f32 to vector<16xf32>
      %mul3A_340 = arith.mulf %scan3A_314#1, %mul3A_339 : vector<16xf32>
      %swap3A_341 = arith.index_cast %select_n3A_331 : i32 to index
      %swap3A_342 = arith.constant 16 : index
      %swap3A_343 = tpu.vector_load %arg11[%swap3A_341, %swap3A_342] {strides = array<i32>} : memref<32x64xf32, #tpu.memory_space<vmem>>, vector<1x16xf32>,
      %swap3A_344 = vector.shape_cast %swap3A_343 : vector<1x16xf32> to vector<16xf32>
      %swap3A_345 = vector.shape_cast %mul3A_340 : vector<16xf32> to vector<1x16xf32>
      tpu.vector_store %arg11[%swap3A_341, %swap3A_342], %swap3A_345 {strides = array<i32>} : memref<32x64xf32, #tpu.memory_space<vmem>>, vector<1x16xf32>,
      %mul3A_346 = vector.broadcast %squeeze3A : f32 to vector<16xf32>
      %mul3A_347 = arith.mulf %scan3A_314#2, %mul3A_346 : vector<16xf32>
      %swap3A_348 = arith.index_cast %select_n3A_331 : i32 to index
      %swap3A_349 = arith.constant 32 : index
      %swap3A_350 = tpu.vector_load %arg11[%swap3A_348, %swap3A_349] {strides = array<i32>} : memref<32x64xf32, #tpu.memory_space<vmem>>, vector<1x16xf32>,
      %swap3A_351 = vector.shape_cast %swap3A_350 : vector<1x16xf32> to vector<16xf32>
      %swap3A_352 = vector.shape_cast %mul3A_347 : vector<16xf32> to vector<1x16xf32>
      tpu.vector_store %arg11[%swap3A_348, %swap3A_349], %swap3A_352 {strides = array<i32>} : memref<32x64xf32, #tpu.memory_space<vmem>>, vector<1x16xf32>,
      %mul3A_353 = vector.broadcast %squeeze3A : f32 to vector<16xf32>
      %mul3A_354 = arith.mulf %scan3A_314#3, %mul3A_353 : vector<16xf32>
      %swap3A_355 = arith.index_cast %select_n3A_331 : i32 to index
      %swap3A_356 = arith.constant 48 : index
      %swap3A_357 = tpu.vector_load %arg11[%swap3A_355, %swap3A_356] {strides = array<i32>} : memref<32x64xf32, #tpu.memory_space<vmem>>, vector<1x16xf32>,
      %swap3A_358 = vector.shape_cast %swap3A_357 : vector<1x16xf32> to vector<16xf32>
      %swap3A_359 = vector.shape_cast %mul3A_354 : vector<16xf32> to vector<1x16xf32>
      tpu.vector_store %arg11[%swap3A_355, %swap3A_356], %swap3A_359 {strides = array<i32>} : memref<32x64xf32, #tpu.memory_space<vmem>>, vector<1x16xf32>,
      %add3A_360 = arith.constant 1 : i32
      %add3A_361 = arith.addi %mul3A_37, %add3A_360 : i32
      %add3A_362 = arith.constant 4 : i32
      %add3A_363 = arith.addi %add3A_361, %add3A_362 : i32
      %jit3A_364 = arith.constant 32 : i32
      %eq3A_365 = arith.constant 0 : i32
      %eq3A_366 = arith.cmpi eq, %jit3A_364, %eq3A_365 : i32
      %jit3A_367 = arith.constant 1 : i32
      %select_n3A_368 = arith.select %eq3A_366, %jit3A_367, %jit3A_364 : i32
      %rem3A_369 = arith.remsi %add3A_363, %select_n3A_368 : i32
      %ne3A_370 = arith.constant 0 : i32
      %ne3A_371 = arith.cmpi ne, %rem3A_369, %ne3A_370 : i32
      %lt3A_372 = arith.constant 0 : i32
      %lt3A_373 = arith.cmpi slt, %rem3A_369, %lt3A_372 : i32
      %lt3A_374 = arith.constant 0 : i32
      %lt3A_375 = arith.cmpi slt, %select_n3A_368, %lt3A_374 : i32
      %ne3A_376 = arith.xori %lt3A_373, %lt3A_375 : i1
      %and3A_377 = arith.andi %ne3A_376, %ne3A_371 : i1
      %add3A_378 = arith.addi %rem3A_369, %select_n3A_368 : i32
      %select_n3A_379 = arith.select %and3A_377, %add3A_378, %rem3A_369 : i32
      %eq3A_380 = arith.constant 0 : i32
      %eq3A_381 = arith.cmpi eq, %select_n3A_379, %eq3A_380 : i32
      %add3A_382 = arith.constant 1 : i32
      %add3A_383 = arith.addi %mul3A_37, %add3A_382 : i32
      %add3A_384 = arith.constant 4 : i32
      %add3A_385 = arith.addi %add3A_383, %add3A_384 : i32
      %lt3A_386 = arith.constant 512 : i32
      %lt3A_387 = arith.cmpi slt, %add3A_385, %lt3A_386 : i32
      %and3A_388 = arith.andi %eq3A_381, %lt3A_387 : i1
      %convert_element_type3A_389 = arith.extui %and3A_388 : i1 to i32
      %cond3A_390 = arith.constant 0 : i32
      %cond3A_391 = arith.cmpi ne, %convert_element_type3A_389, %cond3A_390 : i32
      scf.if %cond3A_391 {
        %add3A_729 = arith.constant 1 : i32
        %add3A_730 = arith.addi %mul3A_37, %add3A_729 : i32
        %add3A_731 = arith.constant 4 : i32
        %add3A_732 = arith.addi %add3A_730, %add3A_731 : i32
        %jit3A_733 = arith.constant 32 : i32
        %div3A_734 = arith.divsi %add3A_732, %jit3A_733 : i32
        %sign3A_735 = arith.constant 0 : i32
        %sign3A_736 = arith.cmpi sgt, %add3A_732, %sign3A_735 : i32
        %sign3A_737 = arith.extui %sign3A_736 : i1 to i32
        %sign3A_738 = arith.constant 0 : i32
        %sign3A_739 = arith.cmpi slt, %add3A_732, %sign3A_738 : i32
        %sign3A_740 = arith.extui %sign3A_739 : i1 to i32
        %sign3A_741 = arith.subi %sign3A_737, %sign3A_740 : i32
        %sign3A_742 = arith.constant 0 : i32
        %sign3A_743 = arith.cmpi sgt, %jit3A_733, %sign3A_742 : i32
        %sign3A_744 = arith.extui %sign3A_743 : i1 to i32
        %sign3A_745 = arith.constant 0 : i32
        %sign3A_746 = arith.cmpi slt, %jit3A_733, %sign3A_745 : i32
        %sign3A_747 = arith.extui %sign3A_746 : i1 to i32
        %sign3A_748 = arith.subi %sign3A_744, %sign3A_747 : i32
        %ne3A_749 = arith.cmpi ne, %sign3A_741, %sign3A_748 : i32
        %rem3A_750 = arith.remsi %add3A_732, %jit3A_733 : i32
        %ne3A_751 = arith.constant 0 : i32
        %ne3A_752 = arith.cmpi ne, %rem3A_750, %ne3A_751 : i32
        %and3A_753 = arith.andi %ne3A_749, %ne3A_752 : i1
        %sub3A_754 = arith.constant 1 : i32
        %sub3A_755 = arith.subi %div3A_734, %sub3A_754 : i32
        %select_n3A_756 = arith.select %and3A_753, %sub3A_755, %div3A_734 : i32
        %mul3A_757 = arith.constant 32 : i32
        %mul3A_758 = arith.muli %select_n3A_756, %mul3A_757 : i32
        %add3A_759 = arith.addi %mul3A_4, %mul3A_758 : i32
        %jit3A_760 = arith.constant 2 : i32
        %eq3A_761 = arith.constant 0 : i32
        %eq3A_762 = arith.cmpi eq, %jit3A_760, %eq3A_761 : i32
        %jit3A_763 = arith.constant 1 : i32
        %select_n3A_764 = arith.select %eq3A_762, %jit3A_763, %jit3A_760 : i32
        %rem3A_765 = arith.remsi %select_n3A_756, %select_n3A_764 : i32
        %ne3A_766 = arith.constant 0 : i32
        %ne3A_767 = arith.cmpi ne, %rem3A_765, %ne3A_766 : i32
        %lt3A_768 = arith.constant 0 : i32
        %lt3A_769 = arith.cmpi slt, %rem3A_765, %lt3A_768 : i32
        %lt3A_770 = arith.constant 0 : i32
        %lt3A_771 = arith.cmpi slt, %select_n3A_764, %lt3A_770 : i32
        %ne3A_772 = arith.xori %lt3A_769, %lt3A_771 : i1
        %and3A_773 = arith.andi %ne3A_772, %ne3A_767 : i1
        %add3A_774 = arith.addi %rem3A_765, %select_n3A_764 : i32
        %select_n3A_775 = arith.select %and3A_773, %add3A_774, %rem3A_765 : i32
        "tpu.region"() ({
          %run_scoped3A_776 = tpu.sem_alloc : memref<!tpu.dma_semaphore, #tpu.memory_space<semaphore_mem>>
          %dma_start3A_777 = arith.constant 0 : i32
          %dma_start3A_778 = arith.constant 0 : i32
          %dma_start3A_779 = tpu.memref_slice %arg6[%select_n3A_775, %dma_start3A_777, %dma_start3A_778] : memref<2x32x200xi32, #tpu.memory_space<vmem>> -> memref<1x32x200xi32, #tpu.memory_space<vmem>>
          %dma_start3A_780 = tpu.memref_squeeze %dma_start3A_779 : memref<1x32x200xi32, #tpu.memory_space<vmem>> -> memref<32x200xi32, #tpu.memory_space<vmem>>
          %dma_start3A_781 = arith.constant 0 : i32
          %dma_start3A_782 = tpu.memref_slice %arg2[%add3A_759, %dma_start3A_781] : memref<16384x200xi32, #tpu.memory_space<hbm>> -> memref<32x200xi32, #tpu.memory_space<hbm>>
          %dma_start3A_783 = arith.constant 0 : i32
          %dma_start3A_784 = arith.constant 0 : i32
          %dma_start3A_785 = tpu.memref_slice %arg6[%select_n3A_775, %dma_start3A_783, %dma_start3A_784] : memref<2x32x200xi32, #tpu.memory_space<vmem>> -> memref<1x32x200xi32, #tpu.memory_space<vmem>>
          %dma_start3A_786 = tpu.memref_squeeze %dma_start3A_785 : memref<1x32x200xi32, #tpu.memory_space<vmem>> -> memref<32x200xi32, #tpu.memory_space<vmem>>
          %dma_start3A_787 = arith.constant 0 : i32
          %dma_start3A_788 = tpu.memref_slice %arg2[%add3A_759, %dma_start3A_787] : memref<16384x200xi32, #tpu.memory_space<hbm>> -> memref<32x200xi32, #tpu.memory_space<hbm>>
          tpu.enqueue_dma source(%dma_start3A_788 : memref<32x200xi32, #tpu.memory_space<hbm>>) target(%dma_start3A_786 : memref<32x200xi32, #tpu.memory_space<vmem>>) target_semaphore(%run_scoped3A_776 : memref<!tpu.dma_semaphore, #tpu.memory_space<semaphore_mem>>)
          %dma_wait3A_789 = arith.constant 0 : i32
          %dma_wait3A_790 = arith.constant 0 : i32
          %dma_wait3A_791 = tpu.memref_slice %arg6[%select_n3A_775, %dma_wait3A_789, %dma_wait3A_790] : memref<2x32x200xi32, #tpu.memory_space<vmem>> -> memref<1x32x200xi32, #tpu.memory_space<vmem>>
          %dma_wait3A_792 = tpu.memref_squeeze %dma_wait3A_791 : memref<1x32x200xi32, #tpu.memory_space<vmem>> -> memref<32x200xi32, #tpu.memory_space<vmem>>
          %dma_wait3A_793 = arith.constant 0 : i32
          %dma_wait3A_794 = tpu.memref_slice %arg2[%add3A_759, %dma_wait3A_793] : memref<16384x200xi32, #tpu.memory_space<hbm>> -> memref<32x200xi32, #tpu.memory_space<hbm>>
          %dma_wait3A_795 = arith.constant 0 : i32
          %dma_wait3A_796 = arith.constant 0 : i32
          %dma_wait3A_797 = tpu.memref_slice %arg6[%select_n3A_775, %dma_wait3A_795, %dma_wait3A_796] : memref<2x32x200xi32, #tpu.memory_space<vmem>> -> memref<1x32x200xi32, #tpu.memory_space<vmem>>
          %dma_wait3A_798 = tpu.memref_squeeze %dma_wait3A_797 : memref<1x32x200xi32, #tpu.memory_space<vmem>> -> memref<32x200xi32, #tpu.memory_space<vmem>>
          %dma_wait3A_799 = arith.constant 0 : i32
          %dma_wait3A_800 = tpu.memref_slice %arg2[%add3A_759, %dma_wait3A_799] : memref<16384x200xi32, #tpu.memory_space<hbm>> -> memref<32x200xi32, #tpu.memory_space<hbm>>
          tpu.wait_dma2 semaphore(%run_scoped3A_776 : memref<!tpu.dma_semaphore, #tpu.memory_space<semaphore_mem>>) src(%dma_wait3A_800 : memref<32x200xi32, #tpu.memory_space<hbm>>) dst(%dma_wait3A_798 : memref<32x200xi32, #tpu.memory_space<vmem>>)
          tpu.yield
        }) : () -> ()
      } else {
      }
      %add3A_392 = arith.constant 1 : i32
      %add3A_393 = arith.addi %mul3A_37, %add3A_392 : i32
      %add3A_394 = arith.constant 4 : i32
      %add3A_395 = arith.addi %add3A_393, %add3A_394 : i32
      %lt3A_396 = arith.constant 512 : i32
      %lt3A_397 = arith.cmpi slt, %add3A_395, %lt3A_396 : i32
      %convert_element_type3A_398 = arith.extui %lt3A_397 : i1 to i32
      %cond3A_399 = arith.constant 0 : i32
      %cond3A_400 = arith.cmpi ne, %convert_element_type3A_398, %cond3A_399 : i32
      scf.if %cond3A_400 {
        %add3A_729 = arith.constant 1 : i32
        %add3A_730 = arith.addi %mul3A_37, %add3A_729 : i32
        %add3A_731 = arith.constant 4 : i32
        %add3A_732 = arith.addi %add3A_730, %add3A_731 : i32
        %jit3A_733 = arith.constant 32 : i32
        %div3A_734 = arith.divsi %add3A_732, %jit3A_733 : i32
        %sign3A_735 = arith.constant 0 : i32
        %sign3A_736 = arith.cmpi sgt, %add3A_732, %sign3A_735 : i32
        %sign3A_737 = arith.extui %sign3A_736 : i1 to i32
        %sign3A_738 = arith.constant 0 : i32
        %sign3A_739 = arith.cmpi slt, %add3A_732, %sign3A_738 : i32
        %sign3A_740 = arith.extui %sign3A_739 : i1 to i32
        %sign3A_741 = arith.subi %sign3A_737, %sign3A_740 : i32
        %sign3A_742 = arith.constant 0 : i32
        %sign3A_743 = arith.cmpi sgt, %jit3A_733, %sign3A_742 : i32
        %sign3A_744 = arith.extui %sign3A_743 : i1 to i32
        %sign3A_745 = arith.constant 0 : i32
        %sign3A_746 = arith.cmpi slt, %jit3A_733, %sign3A_745 : i32
        %sign3A_747 = arith.extui %sign3A_746 : i1 to i32
        %sign3A_748 = arith.subi %sign3A_744, %sign3A_747 : i32
        %ne3A_749 = arith.cmpi ne, %sign3A_741, %sign3A_748 : i32
        %rem3A_750 = arith.remsi %add3A_732, %jit3A_733 : i32
        %ne3A_751 = arith.constant 0 : i32
        %ne3A_752 = arith.cmpi ne, %rem3A_750, %ne3A_751 : i32
        %and3A_753 = arith.andi %ne3A_749, %ne3A_752 : i1
        %sub3A_754 = arith.constant 1 : i32
        %sub3A_755 = arith.subi %div3A_734, %sub3A_754 : i32
        %select_n3A_756 = arith.select %and3A_753, %sub3A_755, %div3A_734 : i32
        %jit3A_757 = arith.constant 32 : i32
        %eq3A_758 = arith.constant 0 : i32
        %eq3A_759 = arith.cmpi eq, %jit3A_757, %eq3A_758 : i32
        %jit3A_760 = arith.constant 1 : i32
        %select_n3A_761 = arith.select %eq3A_759, %jit3A_760, %jit3A_757 : i32
        %rem3A_762 = arith.remsi %add3A_732, %select_n3A_761 : i32
        %ne3A_763 = arith.constant 0 : i32
        %ne3A_764 = arith.cmpi ne, %rem3A_762, %ne3A_763 : i32
        %lt3A_765 = arith.constant 0 : i32
        %lt3A_766 = arith.cmpi slt, %rem3A_762, %lt3A_765 : i32
        %lt3A_767 = arith.constant 0 : i32
        %lt3A_768 = arith.cmpi slt, %select_n3A_761, %lt3A_767 : i32
        %ne3A_769 = arith.xori %lt3A_766, %lt3A_768 : i1
        %and3A_770 = arith.andi %ne3A_769, %ne3A_764 : i1
        %add3A_771 = arith.addi %rem3A_762, %select_n3A_761 : i32
        %select_n3A_772 = arith.select %and3A_770, %add3A_771, %rem3A_762 : i32
        %jit3A_773 = arith.constant 2 : i32
        %eq3A_774 = arith.constant 0 : i32
        %eq3A_775 = arith.cmpi eq, %jit3A_773, %eq3A_774 : i32
        %jit3A_776 = arith.constant 1 : i32
        %select_n3A_777 = arith.select %eq3A_775, %jit3A_776, %jit3A_773 : i32
        %rem3A_778 = arith.remsi %select_n3A_756, %select_n3A_777 : i32
        %ne3A_779 = arith.constant 0 : i32
        %ne3A_780 = arith.cmpi ne, %rem3A_778, %ne3A_779 : i32
        %lt3A_781 = arith.constant 0 : i32
        %lt3A_782 = arith.cmpi slt, %rem3A_778, %lt3A_781 : i32
        %lt3A_783 = arith.constant 0 : i32
        %lt3A_784 = arith.cmpi slt, %select_n3A_777, %lt3A_783 : i32
        %ne3A_785 = arith.xori %lt3A_782, %lt3A_784 : i1
        %and3A_786 = arith.andi %ne3A_785, %ne3A_780 : i1
        %add3A_787 = arith.addi %rem3A_778, %select_n3A_777 : i32
        %select_n3A_788 = arith.select %and3A_786, %add3A_787, %rem3A_778 : i32
        %dma_start3A_789 = arith.constant 0 : i32
        %dma_start3A_790 = tpu.memref_slice %arg6[%select_n3A_788, %select_n3A_772, %dma_start3A_789] : memref<2x32x200xi32, #tpu.memory_space<vmem>> -> memref<1x1x200xi32, #tpu.memory_space<vmem>>
        %dma_start3A_791 = tpu.memref_squeeze %dma_start3A_790 : memref<1x1x200xi32, #tpu.memory_space<vmem>> -> memref<200xi32, #tpu.memory_space<vmem>>
        %dma_start3A_792 = arith.constant 0 : i32
        %dma_start3A_793 = arith.constant 0 : i32
        %dma_start3A_794 = tpu.memref_slice %arg3[%dma_start3A_792, %dma_start3A_793] : memref<1007616x64xf32, #tpu.memory_space<hbm>> -> memref<1007616x64xf32, #tpu.memory_space<hbm>>
        tpu.enqueue_indirect_dma source(%dma_start3A_794 : memref<1007616x64xf32, #tpu.memory_space<hbm>>) target(%arg8 : memref<200x64xf32, #tpu.memory_space<vmem>>) offsets(%dma_start3A_791 : memref<200xi32, #tpu.memory_space<vmem>>) semaphore(%arg13 : memref<!tpu.dma_semaphore, #tpu.memory_space<semaphore_mem>>)
      } else {
      }
      %add3A_401 = arith.constant 2 : i32
      %add3A_402 = arith.addi %mul3A_37, %add3A_401 : i32
      %jit3A_403 = arith.constant 32 : i32
      %div3A_404 = arith.divsi %add3A_402, %jit3A_403 : i32
      %sign3A_405 = arith.constant 0 : i32
      %sign3A_406 = arith.cmpi sgt, %add3A_402, %sign3A_405 : i32
      %sign3A_407 = arith.extui %sign3A_406 : i1 to i32
      %sign3A_408 = arith.constant 0 : i32
      %sign3A_409 = arith.cmpi slt, %add3A_402, %sign3A_408 : i32
      %sign3A_410 = arith.extui %sign3A_409 : i1 to i32
      %sign3A_411 = arith.subi %sign3A_407, %sign3A_410 : i32
      %sign3A_412 = arith.constant 0 : i32
      %sign3A_413 = arith.cmpi sgt, %jit3A_403, %sign3A_412 : i32
      %sign3A_414 = arith.extui %sign3A_413 : i1 to i32
      %sign3A_415 = arith.constant 0 : i32
      %sign3A_416 = arith.cmpi slt, %jit3A_403, %sign3A_415 : i32
      %sign3A_417 = arith.extui %sign3A_416 : i1 to i32
      %sign3A_418 = arith.subi %sign3A_414, %sign3A_417 : i32
      %ne3A_419 = arith.cmpi ne, %sign3A_411, %sign3A_418 : i32
      %rem3A_420 = arith.remsi %add3A_402, %jit3A_403 : i32
      %ne3A_421 = arith.constant 0 : i32
      %ne3A_422 = arith.cmpi ne, %rem3A_420, %ne3A_421 : i32
      %and3A_423 = arith.andi %ne3A_419, %ne3A_422 : i1
      %sub3A_424 = arith.constant 1 : i32
      %sub3A_425 = arith.subi %div3A_404, %sub3A_424 : i32
      %select_n3A_426 = arith.select %and3A_423, %sub3A_425, %div3A_404 : i32
      %jit3A_427 = arith.constant 32 : i32
      %eq3A_428 = arith.constant 0 : i32
      %eq3A_429 = arith.cmpi eq, %jit3A_427, %eq3A_428 : i32
      %jit3A_430 = arith.constant 1 : i32
      %select_n3A_431 = arith.select %eq3A_429, %jit3A_430, %jit3A_427 : i32
      %rem3A_432 = arith.remsi %add3A_402, %select_n3A_431 : i32
      %ne3A_433 = arith.constant 0 : i32
      %ne3A_434 = arith.cmpi ne, %rem3A_432, %ne3A_433 : i32
      %lt3A_435 = arith.constant 0 : i32
      %lt3A_436 = arith.cmpi slt, %rem3A_432, %lt3A_435 : i32
      %lt3A_437 = arith.constant 0 : i32
      %lt3A_438 = arith.cmpi slt, %select_n3A_431, %lt3A_437 : i32
      %ne3A_439 = arith.xori %lt3A_436, %lt3A_438 : i1
      %and3A_440 = arith.andi %ne3A_439, %ne3A_434 : i1
      %add3A_441 = arith.addi %rem3A_432, %select_n3A_431 : i32
      %select_n3A_442 = arith.select %and3A_440, %add3A_441, %rem3A_432 : i32
      %jit3A_443 = arith.constant 2 : i32
      %eq3A_444 = arith.constant 0 : i32
      %eq3A_445 = arith.cmpi eq, %jit3A_443, %eq3A_444 : i32
      %jit3A_446 = arith.constant 1 : i32
      %select_n3A_447 = arith.select %eq3A_445, %jit3A_446, %jit3A_443 : i32
      %rem3A_448 = arith.remsi %select_n3A_426, %select_n3A_447 : i32
      %ne3A_449 = arith.constant 0 : i32
      %ne3A_450 = arith.cmpi ne, %rem3A_448, %ne3A_449 : i32
      %lt3A_451 = arith.constant 0 : i32
      %lt3A_452 = arith.cmpi slt, %rem3A_448, %lt3A_451 : i32
      %lt3A_453 = arith.constant 0 : i32
      %lt3A_454 = arith.cmpi slt, %select_n3A_447, %lt3A_453 : i32
      %ne3A_455 = arith.xori %lt3A_452, %lt3A_454 : i1
      %and3A_456 = arith.andi %ne3A_455, %ne3A_450 : i1
      %add3A_457 = arith.addi %rem3A_448, %select_n3A_447 : i32
      %select_n3A_458 = arith.select %and3A_456, %add3A_457, %rem3A_448 : i32
      %dma_wait3A_459 = arith.constant 0 : i32
      %dma_wait3A_460 = tpu.memref_slice %arg6[%select_n3A_458, %select_n3A_442, %dma_wait3A_459] : memref<2x32x200xi32, #tpu.memory_space<vmem>> -> memref<1x1x200xi32, #tpu.memory_space<vmem>>
      %dma_wait3A_461 = tpu.memref_squeeze %dma_wait3A_460 : memref<1x1x200xi32, #tpu.memory_space<vmem>> -> memref<200xi32, #tpu.memory_space<vmem>>
      %dma_wait3A_462 = arith.constant 0 : i32
      %dma_wait3A_463 = arith.constant 0 : i32
      %dma_wait3A_464 = tpu.memref_slice %arg3[%dma_wait3A_462, %dma_wait3A_463] : memref<1007616x64xf32, #tpu.memory_space<hbm>> -> memref<1007616x64xf32, #tpu.memory_space<hbm>>
      tpu.wait_indirect_dma semaphore(%arg14 : memref<!tpu.dma_semaphore, #tpu.memory_space<semaphore_mem>>) src(%dma_wait3A_464 : memref<1007616x64xf32, #tpu.memory_space<hbm>>) dst(%arg9 : memref<200x64xf32, #tpu.memory_space<vmem>>)
      %broadcast_in_dim3A_465 = arith.constant 0.000000e+00 : f32
      %broadcast_in_dim3A_466 = vector.broadcast %broadcast_in_dim3A_465 : f32 to vector<16xf32>
      %scan3A_467 = arith.constant 0 : i32
      %scan3A_468 = arith.constant 200 : i32
      %scan3A_469 = arith.addi %scan3A_467, %scan3A_468 : i32
      %scan3A_470 = arith.constant 10 : i32
      %scan3A_471:4 = scf.for %scan3A_729 = %scan3A_467 to %scan3A_469 step %scan3A_470 iter_args(%scan3A_730 = %broadcast_in_dim3A_466, %scan3A_731 = %broadcast_in_dim3A_466, %scan3A_732 = %broadcast_in_dim3A_466, %scan3A_733 = %broadcast_in_dim3A_466) -> (vector<16xf32>, vector<16xf32>, vector<16xf32>, vector<16xf32>)  : i32 {
        %get3A_734 = arith.index_cast %scan3A_729 : i32 to index
        %get3A_735 = arith.constant 0 : index
        %get3A_736 = tpu.vector_load %arg9[%get3A_734, %get3A_735] {strides = array<i32>} : memref<200x64xf32, #tpu.memory_space<vmem>>, vector<1x16xf32>,
        %get3A_737 = vector.shape_cast %get3A_736 : vector<1x16xf32> to vector<16xf32>
        %add3A_738 = arith.addf %scan3A_730, %get3A_737 : vector<16xf32>
        %get3A_739 = arith.index_cast %scan3A_729 : i32 to index
        %get3A_740 = arith.constant 16 : index
        %get3A_741 = tpu.vector_load %arg9[%get3A_739, %get3A_740] {strides = array<i32>} : memref<200x64xf32, #tpu.memory_space<vmem>>, vector<1x16xf32>,
        %get3A_742 = vector.shape_cast %get3A_741 : vector<1x16xf32> to vector<16xf32>
        %add3A_743 = arith.addf %scan3A_731, %get3A_742 : vector<16xf32>
        %get3A_744 = arith.index_cast %scan3A_729 : i32 to index
        %get3A_745 = arith.constant 32 : index
        %get3A_746 = tpu.vector_load %arg9[%get3A_744, %get3A_745] {strides = array<i32>} : memref<200x64xf32, #tpu.memory_space<vmem>>, vector<1x16xf32>,
        %get3A_747 = vector.shape_cast %get3A_746 : vector<1x16xf32> to vector<16xf32>
        %add3A_748 = arith.addf %scan3A_732, %get3A_747 : vector<16xf32>
        %get3A_749 = arith.index_cast %scan3A_729 : i32 to index
        %get3A_750 = arith.constant 48 : index
        %get3A_751 = tpu.vector_load %arg9[%get3A_749, %get3A_750] {strides = array<i32>} : memref<200x64xf32, #tpu.memory_space<vmem>>, vector<1x16xf32>,
        %get3A_752 = vector.shape_cast %get3A_751 : vector<1x16xf32> to vector<16xf32>
        %add3A_753 = arith.addf %scan3A_733, %get3A_752 : vector<16xf32>
        %scan3A_754 = arith.constant 1 : i32
        %scan3A_755 = arith.addi %scan3A_729, %scan3A_754 : i32
        %get3A_756 = arith.index_cast %scan3A_755 : i32 to index
        %get3A_757 = arith.constant 0 : index
        %get3A_758 = tpu.vector_load %arg9[%get3A_756, %get3A_757] {strides = array<i32>} : memref<200x64xf32, #tpu.memory_space<vmem>>, vector<1x16xf32>,
        %get3A_759 = vector.shape_cast %get3A_758 : vector<1x16xf32> to vector<16xf32>
        %add3A_760 = arith.addf %add3A_738, %get3A_759 : vector<16xf32>
        %get3A_761 = arith.index_cast %scan3A_755 : i32 to index
        %get3A_762 = arith.constant 16 : index
        %get3A_763 = tpu.vector_load %arg9[%get3A_761, %get3A_762] {strides = array<i32>} : memref<200x64xf32, #tpu.memory_space<vmem>>, vector<1x16xf32>,
        %get3A_764 = vector.shape_cast %get3A_763 : vector<1x16xf32> to vector<16xf32>
        %add3A_765 = arith.addf %add3A_743, %get3A_764 : vector<16xf32>
        %get3A_766 = arith.index_cast %scan3A_755 : i32 to index
        %get3A_767 = arith.constant 32 : index
        %get3A_768 = tpu.vector_load %arg9[%get3A_766, %get3A_767] {strides = array<i32>} : memref<200x64xf32, #tpu.memory_space<vmem>>, vector<1x16xf32>,
        %get3A_769 = vector.shape_cast %get3A_768 : vector<1x16xf32> to vector<16xf32>
        %add3A_770 = arith.addf %add3A_748, %get3A_769 : vector<16xf32>
        %get3A_771 = arith.index_cast %scan3A_755 : i32 to index
        %get3A_772 = arith.constant 48 : index
        %get3A_773 = tpu.vector_load %arg9[%get3A_771, %get3A_772] {strides = array<i32>} : memref<200x64xf32, #tpu.memory_space<vmem>>, vector<1x16xf32>,
        %get3A_774 = vector.shape_cast %get3A_773 : vector<1x16xf32> to vector<16xf32>
        %add3A_775 = arith.addf %add3A_753, %get3A_774 : vector<16xf32>
        %scan3A_776 = arith.constant 2 : i32
        %scan3A_777 = arith.addi %scan3A_729, %scan3A_776 : i32
        %get3A_778 = arith.index_cast %scan3A_777 : i32 to index
        %get3A_779 = arith.constant 0 : index
        %get3A_780 = tpu.vector_load %arg9[%get3A_778, %get3A_779] {strides = array<i32>} : memref<200x64xf32, #tpu.memory_space<vmem>>, vector<1x16xf32>,
        %get3A_781 = vector.shape_cast %get3A_780 : vector<1x16xf32> to vector<16xf32>
        %add3A_782 = arith.addf %add3A_760, %get3A_781 : vector<16xf32>
        %get3A_783 = arith.index_cast %scan3A_777 : i32 to index
        %get3A_784 = arith.constant 16 : index
        %get3A_785 = tpu.vector_load %arg9[%get3A_783, %get3A_784] {strides = array<i32>} : memref<200x64xf32, #tpu.memory_space<vmem>>, vector<1x16xf32>,
        %get3A_786 = vector.shape_cast %get3A_785 : vector<1x16xf32> to vector<16xf32>
        %add3A_787 = arith.addf %add3A_765, %get3A_786 : vector<16xf32>
        %get3A_788 = arith.index_cast %scan3A_777 : i32 to index
        %get3A_789 = arith.constant 32 : index
        %get3A_790 = tpu.vector_load %arg9[%get3A_788, %get3A_789] {strides = array<i32>} : memref<200x64xf32, #tpu.memory_space<vmem>>, vector<1x16xf32>,
        %get3A_791 = vector.shape_cast %get3A_790 : vector<1x16xf32> to vector<16xf32>
        %add3A_792 = arith.addf %add3A_770, %get3A_791 : vector<16xf32>
        %get3A_793 = arith.index_cast %scan3A_777 : i32 to index
        %get3A_794 = arith.constant 48 : index
        %get3A_795 = tpu.vector_load %arg9[%get3A_793, %get3A_794] {strides = array<i32>} : memref<200x64xf32, #tpu.memory_space<vmem>>, vector<1x16xf32>,
        %get3A_796 = vector.shape_cast %get3A_795 : vector<1x16xf32> to vector<16xf32>
        %add3A_797 = arith.addf %add3A_775, %get3A_796 : vector<16xf32>
        %scan3A_798 = arith.constant 3 : i32
        %scan3A_799 = arith.addi %scan3A_729, %scan3A_798 : i32
        %get3A_800 = arith.index_cast %scan3A_799 : i32 to index
        %get3A_801 = arith.constant 0 : index
        %get3A_802 = tpu.vector_load %arg9[%get3A_800, %get3A_801] {strides = array<i32>} : memref<200x64xf32, #tpu.memory_space<vmem>>, vector<1x16xf32>,
        %get3A_803 = vector.shape_cast %get3A_802 : vector<1x16xf32> to vector<16xf32>
        %add3A_804 = arith.addf %add3A_782, %get3A_803 : vector<16xf32>
        %get3A_805 = arith.index_cast %scan3A_799 : i32 to index
        %get3A_806 = arith.constant 16 : index
        %get3A_807 = tpu.vector_load %arg9[%get3A_805, %get3A_806] {strides = array<i32>} : memref<200x64xf32, #tpu.memory_space<vmem>>, vector<1x16xf32>,
        %get3A_808 = vector.shape_cast %get3A_807 : vector<1x16xf32> to vector<16xf32>
        %add3A_809 = arith.addf %add3A_787, %get3A_808 : vector<16xf32>
        %get3A_810 = arith.index_cast %scan3A_799 : i32 to index
        %get3A_811 = arith.constant 32 : index
        %get3A_812 = tpu.vector_load %arg9[%get3A_810, %get3A_811] {strides = array<i32>} : memref<200x64xf32, #tpu.memory_space<vmem>>, vector<1x16xf32>,
        %get3A_813 = vector.shape_cast %get3A_812 : vector<1x16xf32> to vector<16xf32>
        %add3A_814 = arith.addf %add3A_792, %get3A_813 : vector<16xf32>
        %get3A_815 = arith.index_cast %scan3A_799 : i32 to index
        %get3A_816 = arith.constant 48 : index
        %get3A_817 = tpu.vector_load %arg9[%get3A_815, %get3A_816] {strides = array<i32>} : memref<200x64xf32, #tpu.memory_space<vmem>>, vector<1x16xf32>,
        %get3A_818 = vector.shape_cast %get3A_817 : vector<1x16xf32> to vector<16xf32>
        %add3A_819 = arith.addf %add3A_797, %get3A_818 : vector<16xf32>
        %scan3A_820 = arith.constant 4 : i32
        %scan3A_821 = arith.addi %scan3A_729, %scan3A_820 : i32
        %get3A_822 = arith.index_cast %scan3A_821 : i32 to index
        %get3A_823 = arith.constant 0 : index
        %get3A_824 = tpu.vector_load %arg9[%get3A_822, %get3A_823] {strides = array<i32>} : memref<200x64xf32, #tpu.memory_space<vmem>>, vector<1x16xf32>,
        %get3A_825 = vector.shape_cast %get3A_824 : vector<1x16xf32> to vector<16xf32>
        %add3A_826 = arith.addf %add3A_804, %get3A_825 : vector<16xf32>
        %get3A_827 = arith.index_cast %scan3A_821 : i32 to index
        %get3A_828 = arith.constant 16 : index
        %get3A_829 = tpu.vector_load %arg9[%get3A_827, %get3A_828] {strides = array<i32>} : memref<200x64xf32, #tpu.memory_space<vmem>>, vector<1x16xf32>,
        %get3A_830 = vector.shape_cast %get3A_829 : vector<1x16xf32> to vector<16xf32>
        %add3A_831 = arith.addf %add3A_809, %get3A_830 : vector<16xf32>
        %get3A_832 = arith.index_cast %scan3A_821 : i32 to index
        %get3A_833 = arith.constant 32 : index
        %get3A_834 = tpu.vector_load %arg9[%get3A_832, %get3A_833] {strides = array<i32>} : memref<200x64xf32, #tpu.memory_space<vmem>>, vector<1x16xf32>,
        %get3A_835 = vector.shape_cast %get3A_834 : vector<1x16xf32> to vector<16xf32>
        %add3A_836 = arith.addf %add3A_814, %get3A_835 : vector<16xf32>
        %get3A_837 = arith.index_cast %scan3A_821 : i32 to index
        %get3A_838 = arith.constant 48 : index
        %get3A_839 = tpu.vector_load %arg9[%get3A_837, %get3A_838] {strides = array<i32>} : memref<200x64xf32, #tpu.memory_space<vmem>>, vector<1x16xf32>,
        %get3A_840 = vector.shape_cast %get3A_839 : vector<1x16xf32> to vector<16xf32>
        %add3A_841 = arith.addf %add3A_819, %get3A_840 : vector<16xf32>
        %scan3A_842 = arith.constant 5 : i32
        %scan3A_843 = arith.addi %scan3A_729, %scan3A_842 : i32
        %get3A_844 = arith.index_cast %scan3A_843 : i32 to index
        %get3A_845 = arith.constant 0 : index
        %get3A_846 = tpu.vector_load %arg9[%get3A_844, %get3A_845] {strides = array<i32>} : memref<200x64xf32, #tpu.memory_space<vmem>>, vector<1x16xf32>,
        %get3A_847 = vector.shape_cast %get3A_846 : vector<1x16xf32> to vector<16xf32>
        %add3A_848 = arith.addf %add3A_826, %get3A_847 : vector<16xf32>
        %get3A_849 = arith.index_cast %scan3A_843 : i32 to index
        %get3A_850 = arith.constant 16 : index
        %get3A_851 = tpu.vector_load %arg9[%get3A_849, %get3A_850] {strides = array<i32>} : memref<200x64xf32, #tpu.memory_space<vmem>>, vector<1x16xf32>,
        %get3A_852 = vector.shape_cast %get3A_851 : vector<1x16xf32> to vector<16xf32>
        %add3A_853 = arith.addf %add3A_831, %get3A_852 : vector<16xf32>
        %get3A_854 = arith.index_cast %scan3A_843 : i32 to index
        %get3A_855 = arith.constant 32 : index
        %get3A_856 = tpu.vector_load %arg9[%get3A_854, %get3A_855] {strides = array<i32>} : memref<200x64xf32, #tpu.memory_space<vmem>>, vector<1x16xf32>,
        %get3A_857 = vector.shape_cast %get3A_856 : vector<1x16xf32> to vector<16xf32>
        %add3A_858 = arith.addf %add3A_836, %get3A_857 : vector<16xf32>
        %get3A_859 = arith.index_cast %scan3A_843 : i32 to index
        %get3A_860 = arith.constant 48 : index
        %get3A_861 = tpu.vector_load %arg9[%get3A_859, %get3A_860] {strides = array<i32>} : memref<200x64xf32, #tpu.memory_space<vmem>>, vector<1x16xf32>,
        %get3A_862 = vector.shape_cast %get3A_861 : vector<1x16xf32> to vector<16xf32>
        %add3A_863 = arith.addf %add3A_841, %get3A_862 : vector<16xf32>
        %scan3A_864 = arith.constant 6 : i32
        %scan3A_865 = arith.addi %scan3A_729, %scan3A_864 : i32
        %get3A_866 = arith.index_cast %scan3A_865 : i32 to index
        %get3A_867 = arith.constant 0 : index
        %get3A_868 = tpu.vector_load %arg9[%get3A_866, %get3A_867] {strides = array<i32>} : memref<200x64xf32, #tpu.memory_space<vmem>>, vector<1x16xf32>,
        %get3A_869 = vector.shape_cast %get3A_868 : vector<1x16xf32> to vector<16xf32>
        %add3A_870 = arith.addf %add3A_848, %get3A_869 : vector<16xf32>
        %get3A_871 = arith.index_cast %scan3A_865 : i32 to index
        %get3A_872 = arith.constant 16 : index
        %get3A_873 = tpu.vector_load %arg9[%get3A_871, %get3A_872] {strides = array<i32>} : memref<200x64xf32, #tpu.memory_space<vmem>>, vector<1x16xf32>,
        %get3A_874 = vector.shape_cast %get3A_873 : vector<1x16xf32> to vector<16xf32>
        %add3A_875 = arith.addf %add3A_853, %get3A_874 : vector<16xf32>
        %get3A_876 = arith.index_cast %scan3A_865 : i32 to index
        %get3A_877 = arith.constant 32 : index
        %get3A_878 = tpu.vector_load %arg9[%get3A_876, %get3A_877] {strides = array<i32>} : memref<200x64xf32, #tpu.memory_space<vmem>>, vector<1x16xf32>,
        %get3A_879 = vector.shape_cast %get3A_878 : vector<1x16xf32> to vector<16xf32>
        %add3A_880 = arith.addf %add3A_858, %get3A_879 : vector<16xf32>
        %get3A_881 = arith.index_cast %scan3A_865 : i32 to index
        %get3A_882 = arith.constant 48 : index
        %get3A_883 = tpu.vector_load %arg9[%get3A_881, %get3A_882] {strides = array<i32>} : memref<200x64xf32, #tpu.memory_space<vmem>>, vector<1x16xf32>,
        %get3A_884 = vector.shape_cast %get3A_883 : vector<1x16xf32> to vector<16xf32>
        %add3A_885 = arith.addf %add3A_863, %get3A_884 : vector<16xf32>
        %scan3A_886 = arith.constant 7 : i32
        %scan3A_887 = arith.addi %scan3A_729, %scan3A_886 : i32
        %get3A_888 = arith.index_cast %scan3A_887 : i32 to index
        %get3A_889 = arith.constant 0 : index
        %get3A_890 = tpu.vector_load %arg9[%get3A_888, %get3A_889] {strides = array<i32>} : memref<200x64xf32, #tpu.memory_space<vmem>>, vector<1x16xf32>,
        %get3A_891 = vector.shape_cast %get3A_890 : vector<1x16xf32> to vector<16xf32>
        %add3A_892 = arith.addf %add3A_870, %get3A_891 : vector<16xf32>
        %get3A_893 = arith.index_cast %scan3A_887 : i32 to index
        %get3A_894 = arith.constant 16 : index
        %get3A_895 = tpu.vector_load %arg9[%get3A_893, %get3A_894] {strides = array<i32>} : memref<200x64xf32, #tpu.memory_space<vmem>>, vector<1x16xf32>,
        %get3A_896 = vector.shape_cast %get3A_895 : vector<1x16xf32> to vector<16xf32>
        %add3A_897 = arith.addf %add3A_875, %get3A_896 : vector<16xf32>
        %get3A_898 = arith.index_cast %scan3A_887 : i32 to index
        %get3A_899 = arith.constant 32 : index
        %get3A_900 = tpu.vector_load %arg9[%get3A_898, %get3A_899] {strides = array<i32>} : memref<200x64xf32, #tpu.memory_space<vmem>>, vector<1x16xf32>,
        %get3A_901 = vector.shape_cast %get3A_900 : vector<1x16xf32> to vector<16xf32>
        %add3A_902 = arith.addf %add3A_880, %get3A_901 : vector<16xf32>
        %get3A_903 = arith.index_cast %scan3A_887 : i32 to index
        %get3A_904 = arith.constant 48 : index
        %get3A_905 = tpu.vector_load %arg9[%get3A_903, %get3A_904] {strides = array<i32>} : memref<200x64xf32, #tpu.memory_space<vmem>>, vector<1x16xf32>,
        %get3A_906 = vector.shape_cast %get3A_905 : vector<1x16xf32> to vector<16xf32>
        %add3A_907 = arith.addf %add3A_885, %get3A_906 : vector<16xf32>
        %scan3A_908 = arith.constant 8 : i32
        %scan3A_909 = arith.addi %scan3A_729, %scan3A_908 : i32
        %get3A_910 = arith.index_cast %scan3A_909 : i32 to index
        %get3A_911 = arith.constant 0 : index
        %get3A_912 = tpu.vector_load %arg9[%get3A_910, %get3A_911] {strides = array<i32>} : memref<200x64xf32, #tpu.memory_space<vmem>>, vector<1x16xf32>,
        %get3A_913 = vector.shape_cast %get3A_912 : vector<1x16xf32> to vector<16xf32>
        %add3A_914 = arith.addf %add3A_892, %get3A_913 : vector<16xf32>
        %get3A_915 = arith.index_cast %scan3A_909 : i32 to index
        %get3A_916 = arith.constant 16 : index
        %get3A_917 = tpu.vector_load %arg9[%get3A_915, %get3A_916] {strides = array<i32>} : memref<200x64xf32, #tpu.memory_space<vmem>>, vector<1x16xf32>,
        %get3A_918 = vector.shape_cast %get3A_917 : vector<1x16xf32> to vector<16xf32>
        %add3A_919 = arith.addf %add3A_897, %get3A_918 : vector<16xf32>
        %get3A_920 = arith.index_cast %scan3A_909 : i32 to index
        %get3A_921 = arith.constant 32 : index
        %get3A_922 = tpu.vector_load %arg9[%get3A_920, %get3A_921] {strides = array<i32>} : memref<200x64xf32, #tpu.memory_space<vmem>>, vector<1x16xf32>,
        %get3A_923 = vector.shape_cast %get3A_922 : vector<1x16xf32> to vector<16xf32>
        %add3A_924 = arith.addf %add3A_902, %get3A_923 : vector<16xf32>
        %get3A_925 = arith.index_cast %scan3A_909 : i32 to index
        %get3A_926 = arith.constant 48 : index
        %get3A_927 = tpu.vector_load %arg9[%get3A_925, %get3A_926] {strides = array<i32>} : memref<200x64xf32, #tpu.memory_space<vmem>>, vector<1x16xf32>,
        %get3A_928 = vector.shape_cast %get3A_927 : vector<1x16xf32> to vector<16xf32>
        %add3A_929 = arith.addf %add3A_907, %get3A_928 : vector<16xf32>
        %scan3A_930 = arith.constant 9 : i32
        %scan3A_931 = arith.addi %scan3A_729, %scan3A_930 : i32
        %get3A_932 = arith.index_cast %scan3A_931 : i32 to index
        %get3A_933 = arith.constant 0 : index
        %get3A_934 = tpu.vector_load %arg9[%get3A_932, %get3A_933] {strides = array<i32>} : memref<200x64xf32, #tpu.memory_space<vmem>>, vector<1x16xf32>,
        %get3A_935 = vector.shape_cast %get3A_934 : vector<1x16xf32> to vector<16xf32>
        %add3A_936 = arith.addf %add3A_914, %get3A_935 : vector<16xf32>
        %get3A_937 = arith.index_cast %scan3A_931 : i32 to index
        %get3A_938 = arith.constant 16 : index
        %get3A_939 = tpu.vector_load %arg9[%get3A_937, %get3A_938] {strides = array<i32>} : memref<200x64xf32, #tpu.memory_space<vmem>>, vector<1x16xf32>,
        %get3A_940 = vector.shape_cast %get3A_939 : vector<1x16xf32> to vector<16xf32>
        %add3A_941 = arith.addf %add3A_919, %get3A_940 : vector<16xf32>
        %get3A_942 = arith.index_cast %scan3A_931 : i32 to index
        %get3A_943 = arith.constant 32 : index
        %get3A_944 = tpu.vector_load %arg9[%get3A_942, %get3A_943] {strides = array<i32>} : memref<200x64xf32, #tpu.memory_space<vmem>>, vector<1x16xf32>,
        %get3A_945 = vector.shape_cast %get3A_944 : vector<1x16xf32> to vector<16xf32>
        %add3A_946 = arith.addf %add3A_924, %get3A_945 : vector<16xf32>
        %get3A_947 = arith.index_cast %scan3A_931 : i32 to index
        %get3A_948 = arith.constant 48 : index
        %get3A_949 = tpu.vector_load %arg9[%get3A_947, %get3A_948] {strides = array<i32>} : memref<200x64xf32, #tpu.memory_space<vmem>>, vector<1x16xf32>,
        %get3A_950 = vector.shape_cast %get3A_949 : vector<1x16xf32> to vector<16xf32>
        %add3A_951 = arith.addf %add3A_929, %get3A_950 : vector<16xf32>
        scf.yield %add3A_936, %add3A_941, %add3A_946, %add3A_951 : vector<16xf32>, vector<16xf32>, vector<16xf32>, vector<16xf32>
      }
      %scan3A_472 = arith.constant 200 : i32
      %jit3A_473 = arith.constant 32 : i32
      %eq3A_474 = arith.constant 0 : i32
      %eq3A_475 = arith.cmpi eq, %jit3A_473, %eq3A_474 : i32
      %jit3A_476 = arith.constant 1 : i32
      %select_n3A_477 = arith.select %eq3A_475, %jit3A_476, %jit3A_473 : i32
      %rem3A_478 = arith.remsi %add3A_402, %select_n3A_477 : i32
      %ne3A_479 = arith.constant 0 : i32
      %ne3A_480 = arith.cmpi ne, %rem3A_478, %ne3A_479 : i32
      %lt3A_481 = arith.constant 0 : i32
      %lt3A_482 = arith.cmpi slt, %rem3A_478, %lt3A_481 : i32
      %lt3A_483 = arith.constant 0 : i32
      %lt3A_484 = arith.cmpi slt, %select_n3A_477, %lt3A_483 : i32
      %ne3A_485 = arith.xori %lt3A_482, %lt3A_484 : i1
      %and3A_486 = arith.andi %ne3A_485, %ne3A_480 : i1
      %add3A_487 = arith.addi %rem3A_478, %select_n3A_477 : i32
      %select_n3A_488 = arith.select %and3A_486, %add3A_487, %rem3A_478 : i32
      %mul3A_489 = vector.broadcast %squeeze3A : f32 to vector<16xf32>
      %mul3A_490 = arith.mulf %scan3A_471#0, %mul3A_489 : vector<16xf32>
      %swap3A_491 = arith.index_cast %select_n3A_488 : i32 to index
      %swap3A_492 = arith.constant 0 : index
      %swap3A_493 = tpu.vector_load %arg11[%swap3A_491, %swap3A_492] {strides = array<i32>} : memref<32x64xf32, #tpu.memory_space<vmem>>, vector<1x16xf32>,
      %swap3A_494 = vector.shape_cast %swap3A_493 : vector<1x16xf32> to vector<16xf32>
      %swap3A_495 = vector.shape_cast %mul3A_490 : vector<16xf32> to vector<1x16xf32>
      tpu.vector_store %arg11[%swap3A_491, %swap3A_492], %swap3A_495 {strides = array<i32>} : memref<32x64xf32, #tpu.memory_space<vmem>>, vector<1x16xf32>,
      %mul3A_496 = vector.broadcast %squeeze3A : f32 to vector<16xf32>
      %mul3A_497 = arith.mulf %scan3A_471#1, %mul3A_496 : vector<16xf32>
      %swap3A_498 = arith.index_cast %select_n3A_488 : i32 to index
      %swap3A_499 = arith.constant 16 : index
      %swap3A_500 = tpu.vector_load %arg11[%swap3A_498, %swap3A_499] {strides = array<i32>} : memref<32x64xf32, #tpu.memory_space<vmem>>, vector<1x16xf32>,
      %swap3A_501 = vector.shape_cast %swap3A_500 : vector<1x16xf32> to vector<16xf32>
      %swap3A_502 = vector.shape_cast %mul3A_497 : vector<16xf32> to vector<1x16xf32>
      tpu.vector_store %arg11[%swap3A_498, %swap3A_499], %swap3A_502 {strides = array<i32>} : memref<32x64xf32, #tpu.memory_space<vmem>>, vector<1x16xf32>,
      %mul3A_503 = vector.broadcast %squeeze3A : f32 to vector<16xf32>
      %mul3A_504 = arith.mulf %scan3A_471#2, %mul3A_503 : vector<16xf32>
      %swap3A_505 = arith.index_cast %select_n3A_488 : i32 to index
      %swap3A_506 = arith.constant 32 : index
      %swap3A_507 = tpu.vector_load %arg11[%swap3A_505, %swap3A_506] {strides = array<i32>} : memref<32x64xf32, #tpu.memory_space<vmem>>, vector<1x16xf32>,
      %swap3A_508 = vector.shape_cast %swap3A_507 : vector<1x16xf32> to vector<16xf32>
      %swap3A_509 = vector.shape_cast %mul3A_504 : vector<16xf32> to vector<1x16xf32>
      tpu.vector_store %arg11[%swap3A_505, %swap3A_506], %swap3A_509 {strides = array<i32>} : memref<32x64xf32, #tpu.memory_space<vmem>>, vector<1x16xf32>,
      %mul3A_510 = vector.broadcast %squeeze3A : f32 to vector<16xf32>
      %mul3A_511 = arith.mulf %scan3A_471#3, %mul3A_510 : vector<16xf32>
      %swap3A_512 = arith.index_cast %select_n3A_488 : i32 to index
      %swap3A_513 = arith.constant 48 : index
      %swap3A_514 = tpu.vector_load %arg11[%swap3A_512, %swap3A_513] {strides = array<i32>} : memref<32x64xf32, #tpu.memory_space<vmem>>, vector<1x16xf32>,
      %swap3A_515 = vector.shape_cast %swap3A_514 : vector<1x16xf32> to vector<16xf32>
      %swap3A_516 = vector.shape_cast %mul3A_511 : vector<16xf32> to vector<1x16xf32>
      tpu.vector_store %arg11[%swap3A_512, %swap3A_513], %swap3A_516 {strides = array<i32>} : memref<32x64xf32, #tpu.memory_space<vmem>>, vector<1x16xf32>,
      %add3A_517 = arith.constant 2 : i32
      %add3A_518 = arith.addi %mul3A_37, %add3A_517 : i32
      %add3A_519 = arith.constant 4 : i32
      %add3A_520 = arith.addi %add3A_518, %add3A_519 : i32
      %jit3A_521 = arith.constant 32 : i32
      %eq3A_522 = arith.constant 0 : i32
      %eq3A_523 = arith.cmpi eq, %jit3A_521, %eq3A_522 : i32
      %jit3A_524 = arith.constant 1 : i32
      %select_n3A_525 = arith.select %eq3A_523, %jit3A_524, %jit3A_521 : i32
      %rem3A_526 = arith.remsi %add3A_520, %select_n3A_525 : i32
      %ne3A_527 = arith.constant 0 : i32
      %ne3A_528 = arith.cmpi ne, %rem3A_526, %ne3A_527 : i32
      %lt3A_529 = arith.constant 0 : i32
      %lt3A_530 = arith.cmpi slt, %rem3A_526, %lt3A_529 : i32
      %lt3A_531 = arith.constant 0 : i32
      %lt3A_532 = arith.cmpi slt, %select_n3A_525, %lt3A_531 : i32
      %ne3A_533 = arith.xori %lt3A_530, %lt3A_532 : i1
      %and3A_534 = arith.andi %ne3A_533, %ne3A_528 : i1
      %add3A_535 = arith.addi %rem3A_526, %select_n3A_525 : i32
      %select_n3A_536 = arith.select %and3A_534, %add3A_535, %rem3A_526 : i32
      %eq3A_537 = arith.constant 0 : i32
      %eq3A_538 = arith.cmpi eq, %select_n3A_536, %eq3A_537 : i32
      %add3A_539 = arith.constant 2 : i32
      %add3A_540 = arith.addi %mul3A_37, %add3A_539 : i32
      %add3A_541 = arith.constant 4 : i32
      %add3A_542 = arith.addi %add3A_540, %add3A_541 : i32
      %lt3A_543 = arith.constant 512 : i32
      %lt3A_544 = arith.cmpi slt, %add3A_542, %lt3A_543 : i32
      %and3A_545 = arith.andi %eq3A_538, %lt3A_544 : i1
      %convert_element_type3A_546 = arith.extui %and3A_545 : i1 to i32
      %cond3A_547 = arith.constant 0 : i32
      %cond3A_548 = arith.cmpi ne, %convert_element_type3A_546, %cond3A_547 : i32
      scf.if %cond3A_548 {
        %add3A_729 = arith.constant 2 : i32
        %add3A_730 = arith.addi %mul3A_37, %add3A_729 : i32
        %add3A_731 = arith.constant 4 : i32
        %add3A_732 = arith.addi %add3A_730, %add3A_731 : i32
        %jit3A_733 = arith.constant 32 : i32
        %div3A_734 = arith.divsi %add3A_732, %jit3A_733 : i32
        %sign3A_735 = arith.constant 0 : i32
        %sign3A_736 = arith.cmpi sgt, %add3A_732, %sign3A_735 : i32
        %sign3A_737 = arith.extui %sign3A_736 : i1 to i32
        %sign3A_738 = arith.constant 0 : i32
        %sign3A_739 = arith.cmpi slt, %add3A_732, %sign3A_738 : i32
        %sign3A_740 = arith.extui %sign3A_739 : i1 to i32
        %sign3A_741 = arith.subi %sign3A_737, %sign3A_740 : i32
        %sign3A_742 = arith.constant 0 : i32
        %sign3A_743 = arith.cmpi sgt, %jit3A_733, %sign3A_742 : i32
        %sign3A_744 = arith.extui %sign3A_743 : i1 to i32
        %sign3A_745 = arith.constant 0 : i32
        %sign3A_746 = arith.cmpi slt, %jit3A_733, %sign3A_745 : i32
        %sign3A_747 = arith.extui %sign3A_746 : i1 to i32
        %sign3A_748 = arith.subi %sign3A_744, %sign3A_747 : i32
        %ne3A_749 = arith.cmpi ne, %sign3A_741, %sign3A_748 : i32
        %rem3A_750 = arith.remsi %add3A_732, %jit3A_733 : i32
        %ne3A_751 = arith.constant 0 : i32
        %ne3A_752 = arith.cmpi ne, %rem3A_750, %ne3A_751 : i32
        %and3A_753 = arith.andi %ne3A_749, %ne3A_752 : i1
        %sub3A_754 = arith.constant 1 : i32
        %sub3A_755 = arith.subi %div3A_734, %sub3A_754 : i32
        %select_n3A_756 = arith.select %and3A_753, %sub3A_755, %div3A_734 : i32
        %mul3A_757 = arith.constant 32 : i32
        %mul3A_758 = arith.muli %select_n3A_756, %mul3A_757 : i32
        %add3A_759 = arith.addi %mul3A_4, %mul3A_758 : i32
        %jit3A_760 = arith.constant 2 : i32
        %eq3A_761 = arith.constant 0 : i32
        %eq3A_762 = arith.cmpi eq, %jit3A_760, %eq3A_761 : i32
        %jit3A_763 = arith.constant 1 : i32
        %select_n3A_764 = arith.select %eq3A_762, %jit3A_763, %jit3A_760 : i32
        %rem3A_765 = arith.remsi %select_n3A_756, %select_n3A_764 : i32
        %ne3A_766 = arith.constant 0 : i32
        %ne3A_767 = arith.cmpi ne, %rem3A_765, %ne3A_766 : i32
        %lt3A_768 = arith.constant 0 : i32
        %lt3A_769 = arith.cmpi slt, %rem3A_765, %lt3A_768 : i32
        %lt3A_770 = arith.constant 0 : i32
        %lt3A_771 = arith.cmpi slt, %select_n3A_764, %lt3A_770 : i32
        %ne3A_772 = arith.xori %lt3A_769, %lt3A_771 : i1
        %and3A_773 = arith.andi %ne3A_772, %ne3A_767 : i1
        %add3A_774 = arith.addi %rem3A_765, %select_n3A_764 : i32
        %select_n3A_775 = arith.select %and3A_773, %add3A_774, %rem3A_765 : i32
        "tpu.region"() ({
          %run_scoped3A_776 = tpu.sem_alloc : memref<!tpu.dma_semaphore, #tpu.memory_space<semaphore_mem>>
          %dma_start3A_777 = arith.constant 0 : i32
          %dma_start3A_778 = arith.constant 0 : i32
          %dma_start3A_779 = tpu.memref_slice %arg6[%select_n3A_775, %dma_start3A_777, %dma_start3A_778] : memref<2x32x200xi32, #tpu.memory_space<vmem>> -> memref<1x32x200xi32, #tpu.memory_space<vmem>>
          %dma_start3A_780 = tpu.memref_squeeze %dma_start3A_779 : memref<1x32x200xi32, #tpu.memory_space<vmem>> -> memref<32x200xi32, #tpu.memory_space<vmem>>
          %dma_start3A_781 = arith.constant 0 : i32
          %dma_start3A_782 = tpu.memref_slice %arg2[%add3A_759, %dma_start3A_781] : memref<16384x200xi32, #tpu.memory_space<hbm>> -> memref<32x200xi32, #tpu.memory_space<hbm>>
          %dma_start3A_783 = arith.constant 0 : i32
          %dma_start3A_784 = arith.constant 0 : i32
          %dma_start3A_785 = tpu.memref_slice %arg6[%select_n3A_775, %dma_start3A_783, %dma_start3A_784] : memref<2x32x200xi32, #tpu.memory_space<vmem>> -> memref<1x32x200xi32, #tpu.memory_space<vmem>>
          %dma_start3A_786 = tpu.memref_squeeze %dma_start3A_785 : memref<1x32x200xi32, #tpu.memory_space<vmem>> -> memref<32x200xi32, #tpu.memory_space<vmem>>
          %dma_start3A_787 = arith.constant 0 : i32
          %dma_start3A_788 = tpu.memref_slice %arg2[%add3A_759, %dma_start3A_787] : memref<16384x200xi32, #tpu.memory_space<hbm>> -> memref<32x200xi32, #tpu.memory_space<hbm>>
          tpu.enqueue_dma source(%dma_start3A_788 : memref<32x200xi32, #tpu.memory_space<hbm>>) target(%dma_start3A_786 : memref<32x200xi32, #tpu.memory_space<vmem>>) target_semaphore(%run_scoped3A_776 : memref<!tpu.dma_semaphore, #tpu.memory_space<semaphore_mem>>)
          %dma_wait3A_789 = arith.constant 0 : i32
          %dma_wait3A_790 = arith.constant 0 : i32
          %dma_wait3A_791 = tpu.memref_slice %arg6[%select_n3A_775, %dma_wait3A_789, %dma_wait3A_790] : memref<2x32x200xi32, #tpu.memory_space<vmem>> -> memref<1x32x200xi32, #tpu.memory_space<vmem>>
          %dma_wait3A_792 = tpu.memref_squeeze %dma_wait3A_791 : memref<1x32x200xi32, #tpu.memory_space<vmem>> -> memref<32x200xi32, #tpu.memory_space<vmem>>
          %dma_wait3A_793 = arith.constant 0 : i32
          %dma_wait3A_794 = tpu.memref_slice %arg2[%add3A_759, %dma_wait3A_793] : memref<16384x200xi32, #tpu.memory_space<hbm>> -> memref<32x200xi32, #tpu.memory_space<hbm>>
          %dma_wait3A_795 = arith.constant 0 : i32
          %dma_wait3A_796 = arith.constant 0 : i32
          %dma_wait3A_797 = tpu.memref_slice %arg6[%select_n3A_775, %dma_wait3A_795, %dma_wait3A_796] : memref<2x32x200xi32, #tpu.memory_space<vmem>> -> memref<1x32x200xi32, #tpu.memory_space<vmem>>
          %dma_wait3A_798 = tpu.memref_squeeze %dma_wait3A_797 : memref<1x32x200xi32, #tpu.memory_space<vmem>> -> memref<32x200xi32, #tpu.memory_space<vmem>>
          %dma_wait3A_799 = arith.constant 0 : i32
          %dma_wait3A_800 = tpu.memref_slice %arg2[%add3A_759, %dma_wait3A_799] : memref<16384x200xi32, #tpu.memory_space<hbm>> -> memref<32x200xi32, #tpu.memory_space<hbm>>
          tpu.wait_dma2 semaphore(%run_scoped3A_776 : memref<!tpu.dma_semaphore, #tpu.memory_space<semaphore_mem>>) src(%dma_wait3A_800 : memref<32x200xi32, #tpu.memory_space<hbm>>) dst(%dma_wait3A_798 : memref<32x200xi32, #tpu.memory_space<vmem>>)
          tpu.yield
        }) : () -> ()
      } else {
      }
      %add3A_549 = arith.constant 2 : i32
      %add3A_550 = arith.addi %mul3A_37, %add3A_549 : i32
      %add3A_551 = arith.constant 4 : i32
      %add3A_552 = arith.addi %add3A_550, %add3A_551 : i32
      %lt3A_553 = arith.constant 512 : i32
      %lt3A_554 = arith.cmpi slt, %add3A_552, %lt3A_553 : i32
      %convert_element_type3A_555 = arith.extui %lt3A_554 : i1 to i32
      %cond3A_556 = arith.constant 0 : i32
      %cond3A_557 = arith.cmpi ne, %convert_element_type3A_555, %cond3A_556 : i32
      scf.if %cond3A_557 {
        %add3A_729 = arith.constant 2 : i32
        %add3A_730 = arith.addi %mul3A_37, %add3A_729 : i32
        %add3A_731 = arith.constant 4 : i32
        %add3A_732 = arith.addi %add3A_730, %add3A_731 : i32
        %jit3A_733 = arith.constant 32 : i32
        %div3A_734 = arith.divsi %add3A_732, %jit3A_733 : i32
        %sign3A_735 = arith.constant 0 : i32
        %sign3A_736 = arith.cmpi sgt, %add3A_732, %sign3A_735 : i32
        %sign3A_737 = arith.extui %sign3A_736 : i1 to i32
        %sign3A_738 = arith.constant 0 : i32
        %sign3A_739 = arith.cmpi slt, %add3A_732, %sign3A_738 : i32
        %sign3A_740 = arith.extui %sign3A_739 : i1 to i32
        %sign3A_741 = arith.subi %sign3A_737, %sign3A_740 : i32
        %sign3A_742 = arith.constant 0 : i32
        %sign3A_743 = arith.cmpi sgt, %jit3A_733, %sign3A_742 : i32
        %sign3A_744 = arith.extui %sign3A_743 : i1 to i32
        %sign3A_745 = arith.constant 0 : i32
        %sign3A_746 = arith.cmpi slt, %jit3A_733, %sign3A_745 : i32
        %sign3A_747 = arith.extui %sign3A_746 : i1 to i32
        %sign3A_748 = arith.subi %sign3A_744, %sign3A_747 : i32
        %ne3A_749 = arith.cmpi ne, %sign3A_741, %sign3A_748 : i32
        %rem3A_750 = arith.remsi %add3A_732, %jit3A_733 : i32
        %ne3A_751 = arith.constant 0 : i32
        %ne3A_752 = arith.cmpi ne, %rem3A_750, %ne3A_751 : i32
        %and3A_753 = arith.andi %ne3A_749, %ne3A_752 : i1
        %sub3A_754 = arith.constant 1 : i32
        %sub3A_755 = arith.subi %div3A_734, %sub3A_754 : i32
        %select_n3A_756 = arith.select %and3A_753, %sub3A_755, %div3A_734 : i32
        %jit3A_757 = arith.constant 32 : i32
        %eq3A_758 = arith.constant 0 : i32
        %eq3A_759 = arith.cmpi eq, %jit3A_757, %eq3A_758 : i32
        %jit3A_760 = arith.constant 1 : i32
        %select_n3A_761 = arith.select %eq3A_759, %jit3A_760, %jit3A_757 : i32
        %rem3A_762 = arith.remsi %add3A_732, %select_n3A_761 : i32
        %ne3A_763 = arith.constant 0 : i32
        %ne3A_764 = arith.cmpi ne, %rem3A_762, %ne3A_763 : i32
        %lt3A_765 = arith.constant 0 : i32
        %lt3A_766 = arith.cmpi slt, %rem3A_762, %lt3A_765 : i32
        %lt3A_767 = arith.constant 0 : i32
        %lt3A_768 = arith.cmpi slt, %select_n3A_761, %lt3A_767 : i32
        %ne3A_769 = arith.xori %lt3A_766, %lt3A_768 : i1
        %and3A_770 = arith.andi %ne3A_769, %ne3A_764 : i1
        %add3A_771 = arith.addi %rem3A_762, %select_n3A_761 : i32
        %select_n3A_772 = arith.select %and3A_770, %add3A_771, %rem3A_762 : i32
        %jit3A_773 = arith.constant 2 : i32
        %eq3A_774 = arith.constant 0 : i32
        %eq3A_775 = arith.cmpi eq, %jit3A_773, %eq3A_774 : i32
        %jit3A_776 = arith.constant 1 : i32
        %select_n3A_777 = arith.select %eq3A_775, %jit3A_776, %jit3A_773 : i32
        %rem3A_778 = arith.remsi %select_n3A_756, %select_n3A_777 : i32
        %ne3A_779 = arith.constant 0 : i32
        %ne3A_780 = arith.cmpi ne, %rem3A_778, %ne3A_779 : i32
        %lt3A_781 = arith.constant 0 : i32
        %lt3A_782 = arith.cmpi slt, %rem3A_778, %lt3A_781 : i32
        %lt3A_783 = arith.constant 0 : i32
        %lt3A_784 = arith.cmpi slt, %select_n3A_777, %lt3A_783 : i32
        %ne3A_785 = arith.xori %lt3A_782, %lt3A_784 : i1
        %and3A_786 = arith.andi %ne3A_785, %ne3A_780 : i1
        %add3A_787 = arith.addi %rem3A_778, %select_n3A_777 : i32
        %select_n3A_788 = arith.select %and3A_786, %add3A_787, %rem3A_778 : i32
        %dma_start3A_789 = arith.constant 0 : i32
        %dma_start3A_790 = tpu.memref_slice %arg6[%select_n3A_788, %select_n3A_772, %dma_start3A_789] : memref<2x32x200xi32, #tpu.memory_space<vmem>> -> memref<1x1x200xi32, #tpu.memory_space<vmem>>
        %dma_start3A_791 = tpu.memref_squeeze %dma_start3A_790 : memref<1x1x200xi32, #tpu.memory_space<vmem>> -> memref<200xi32, #tpu.memory_space<vmem>>
        %dma_start3A_792 = arith.constant 0 : i32
        %dma_start3A_793 = arith.constant 0 : i32
        %dma_start3A_794 = tpu.memref_slice %arg3[%dma_start3A_792, %dma_start3A_793] : memref<1007616x64xf32, #tpu.memory_space<hbm>> -> memref<1007616x64xf32, #tpu.memory_space<hbm>>
        tpu.enqueue_indirect_dma source(%dma_start3A_794 : memref<1007616x64xf32, #tpu.memory_space<hbm>>) target(%arg9 : memref<200x64xf32, #tpu.memory_space<vmem>>) offsets(%dma_start3A_791 : memref<200xi32, #tpu.memory_space<vmem>>) semaphore(%arg14 : memref<!tpu.dma_semaphore, #tpu.memory_space<semaphore_mem>>)
      } else {
      }
      %add3A_558 = arith.constant 3 : i32
      %add3A_559 = arith.addi %mul3A_37, %add3A_558 : i32
      %jit3A_560 = arith.constant 32 : i32
      %div3A_561 = arith.divsi %add3A_559, %jit3A_560 : i32
      %sign3A_562 = arith.constant 0 : i32
      %sign3A_563 = arith.cmpi sgt, %add3A_559, %sign3A_562 : i32
      %sign3A_564 = arith.extui %sign3A_563 : i1 to i32
      %sign3A_565 = arith.constant 0 : i32
      %sign3A_566 = arith.cmpi slt, %add3A_559, %sign3A_565 : i32
      %sign3A_567 = arith.extui %sign3A_566 : i1 to i32
      %sign3A_568 = arith.subi %sign3A_564, %sign3A_567 : i32
      %sign3A_569 = arith.constant 0 : i32
      %sign3A_570 = arith.cmpi sgt, %jit3A_560, %sign3A_569 : i32
      %sign3A_571 = arith.extui %sign3A_570 : i1 to i32
      %sign3A_572 = arith.constant 0 : i32
      %sign3A_573 = arith.cmpi slt, %jit3A_560, %sign3A_572 : i32
      %sign3A_574 = arith.extui %sign3A_573 : i1 to i32
      %sign3A_575 = arith.subi %sign3A_571, %sign3A_574 : i32
      %ne3A_576 = arith.cmpi ne, %sign3A_568, %sign3A_575 : i32
      %rem3A_577 = arith.remsi %add3A_559, %jit3A_560 : i32
      %ne3A_578 = arith.constant 0 : i32
      %ne3A_579 = arith.cmpi ne, %rem3A_577, %ne3A_578 : i32
      %and3A_580 = arith.andi %ne3A_576, %ne3A_579 : i1
      %sub3A_581 = arith.constant 1 : i32
      %sub3A_582 = arith.subi %div3A_561, %sub3A_581 : i32
      %select_n3A_583 = arith.select %and3A_580, %sub3A_582, %div3A_561 : i32
      %jit3A_584 = arith.constant 32 : i32
      %eq3A_585 = arith.constant 0 : i32
      %eq3A_586 = arith.cmpi eq, %jit3A_584, %eq3A_585 : i32
      %jit3A_587 = arith.constant 1 : i32
      %select_n3A_588 = arith.select %eq3A_586, %jit3A_587, %jit3A_584 : i32
      %rem3A_589 = arith.remsi %add3A_559, %select_n3A_588 : i32
      %ne3A_590 = arith.constant 0 : i32
      %ne3A_591 = arith.cmpi ne, %rem3A_589, %ne3A_590 : i32
      %lt3A_592 = arith.constant 0 : i32
      %lt3A_593 = arith.cmpi slt, %rem3A_589, %lt3A_592 : i32
      %lt3A_594 = arith.constant 0 : i32
      %lt3A_595 = arith.cmpi slt, %select_n3A_588, %lt3A_594 : i32
      %ne3A_596 = arith.xori %lt3A_593, %lt3A_595 : i1
      %and3A_597 = arith.andi %ne3A_596, %ne3A_591 : i1
      %add3A_598 = arith.addi %rem3A_589, %select_n3A_588 : i32
      %select_n3A_599 = arith.select %and3A_597, %add3A_598, %rem3A_589 : i32
      %jit3A_600 = arith.constant 2 : i32
      %eq3A_601 = arith.constant 0 : i32
      %eq3A_602 = arith.cmpi eq, %jit3A_600, %eq3A_601 : i32
      %jit3A_603 = arith.constant 1 : i32
      %select_n3A_604 = arith.select %eq3A_602, %jit3A_603, %jit3A_600 : i32
      %rem3A_605 = arith.remsi %select_n3A_583, %select_n3A_604 : i32
      %ne3A_606 = arith.constant 0 : i32
      %ne3A_607 = arith.cmpi ne, %rem3A_605, %ne3A_606 : i32
      %lt3A_608 = arith.constant 0 : i32
      %lt3A_609 = arith.cmpi slt, %rem3A_605, %lt3A_608 : i32
      %lt3A_610 = arith.constant 0 : i32
      %lt3A_611 = arith.cmpi slt, %select_n3A_604, %lt3A_610 : i32
      %ne3A_612 = arith.xori %lt3A_609, %lt3A_611 : i1
      %and3A_613 = arith.andi %ne3A_612, %ne3A_607 : i1
      %add3A_614 = arith.addi %rem3A_605, %select_n3A_604 : i32
      %select_n3A_615 = arith.select %and3A_613, %add3A_614, %rem3A_605 : i32
      %dma_wait3A_616 = arith.constant 0 : i32
      %dma_wait3A_617 = tpu.memref_slice %arg6[%select_n3A_615, %select_n3A_599, %dma_wait3A_616] : memref<2x32x200xi32, #tpu.memory_space<vmem>> -> memref<1x1x200xi32, #tpu.memory_space<vmem>>
      %dma_wait3A_618 = tpu.memref_squeeze %dma_wait3A_617 : memref<1x1x200xi32, #tpu.memory_space<vmem>> -> memref<200xi32, #tpu.memory_space<vmem>>
      %dma_wait3A_619 = arith.constant 0 : i32
      %dma_wait3A_620 = arith.constant 0 : i32
      %dma_wait3A_621 = tpu.memref_slice %arg3[%dma_wait3A_619, %dma_wait3A_620] : memref<1007616x64xf32, #tpu.memory_space<hbm>> -> memref<1007616x64xf32, #tpu.memory_space<hbm>>
      tpu.wait_indirect_dma semaphore(%arg15 : memref<!tpu.dma_semaphore, #tpu.memory_space<semaphore_mem>>) src(%dma_wait3A_621 : memref<1007616x64xf32, #tpu.memory_space<hbm>>) dst(%arg10 : memref<200x64xf32, #tpu.memory_space<vmem>>)
      %broadcast_in_dim3A_622 = arith.constant 0.000000e+00 : f32
      %broadcast_in_dim3A_623 = vector.broadcast %broadcast_in_dim3A_622 : f32 to vector<16xf32>
      %scan3A_624 = arith.constant 0 : i32
      %scan3A_625 = arith.constant 200 : i32
      %scan3A_626 = arith.addi %scan3A_624, %scan3A_625 : i32
      %scan3A_627 = arith.constant 10 : i32
      %scan3A_628:4 = scf.for %scan3A_729 = %scan3A_624 to %scan3A_626 step %scan3A_627 iter_args(%scan3A_730 = %broadcast_in_dim3A_623, %scan3A_731 = %broadcast_in_dim3A_623, %scan3A_732 = %broadcast_in_dim3A_623, %scan3A_733 = %broadcast_in_dim3A_623) -> (vector<16xf32>, vector<16xf32>, vector<16xf32>, vector<16xf32>)  : i32 {
        %get3A_734 = arith.index_cast %scan3A_729 : i32 to index
        %get3A_735 = arith.constant 0 : index
        %get3A_736 = tpu.vector_load %arg10[%get3A_734, %get3A_735] {strides = array<i32>} : memref<200x64xf32, #tpu.memory_space<vmem>>, vector<1x16xf32>,
        %get3A_737 = vector.shape_cast %get3A_736 : vector<1x16xf32> to vector<16xf32>
        %add3A_738 = arith.addf %scan3A_730, %get3A_737 : vector<16xf32>
        %get3A_739 = arith.index_cast %scan3A_729 : i32 to index
        %get3A_740 = arith.constant 16 : index
        %get3A_741 = tpu.vector_load %arg10[%get3A_739, %get3A_740] {strides = array<i32>} : memref<200x64xf32, #tpu.memory_space<vmem>>, vector<1x16xf32>,
        %get3A_742 = vector.shape_cast %get3A_741 : vector<1x16xf32> to vector<16xf32>
        %add3A_743 = arith.addf %scan3A_731, %get3A_742 : vector<16xf32>
        %get3A_744 = arith.index_cast %scan3A_729 : i32 to index
        %get3A_745 = arith.constant 32 : index
        %get3A_746 = tpu.vector_load %arg10[%get3A_744, %get3A_745] {strides = array<i32>} : memref<200x64xf32, #tpu.memory_space<vmem>>, vector<1x16xf32>,
        %get3A_747 = vector.shape_cast %get3A_746 : vector<1x16xf32> to vector<16xf32>
        %add3A_748 = arith.addf %scan3A_732, %get3A_747 : vector<16xf32>
        %get3A_749 = arith.index_cast %scan3A_729 : i32 to index
        %get3A_750 = arith.constant 48 : index
        %get3A_751 = tpu.vector_load %arg10[%get3A_749, %get3A_750] {strides = array<i32>} : memref<200x64xf32, #tpu.memory_space<vmem>>, vector<1x16xf32>,
        %get3A_752 = vector.shape_cast %get3A_751 : vector<1x16xf32> to vector<16xf32>
        %add3A_753 = arith.addf %scan3A_733, %get3A_752 : vector<16xf32>
        %scan3A_754 = arith.constant 1 : i32
        %scan3A_755 = arith.addi %scan3A_729, %scan3A_754 : i32
        %get3A_756 = arith.index_cast %scan3A_755 : i32 to index
        %get3A_757 = arith.constant 0 : index
        %get3A_758 = tpu.vector_load %arg10[%get3A_756, %get3A_757] {strides = array<i32>} : memref<200x64xf32, #tpu.memory_space<vmem>>, vector<1x16xf32>,
        %get3A_759 = vector.shape_cast %get3A_758 : vector<1x16xf32> to vector<16xf32>
        %add3A_760 = arith.addf %add3A_738, %get3A_759 : vector<16xf32>
        %get3A_761 = arith.index_cast %scan3A_755 : i32 to index
        %get3A_762 = arith.constant 16 : index
        %get3A_763 = tpu.vector_load %arg10[%get3A_761, %get3A_762] {strides = array<i32>} : memref<200x64xf32, #tpu.memory_space<vmem>>, vector<1x16xf32>,
        %get3A_764 = vector.shape_cast %get3A_763 : vector<1x16xf32> to vector<16xf32>
        %add3A_765 = arith.addf %add3A_743, %get3A_764 : vector<16xf32>
        %get3A_766 = arith.index_cast %scan3A_755 : i32 to index
        %get3A_767 = arith.constant 32 : index
        %get3A_768 = tpu.vector_load %arg10[%get3A_766, %get3A_767] {strides = array<i32>} : memref<200x64xf32, #tpu.memory_space<vmem>>, vector<1x16xf32>,
        %get3A_769 = vector.shape_cast %get3A_768 : vector<1x16xf32> to vector<16xf32>
        %add3A_770 = arith.addf %add3A_748, %get3A_769 : vector<16xf32>
        %get3A_771 = arith.index_cast %scan3A_755 : i32 to index
        %get3A_772 = arith.constant 48 : index
        %get3A_773 = tpu.vector_load %arg10[%get3A_771, %get3A_772] {strides = array<i32>} : memref<200x64xf32, #tpu.memory_space<vmem>>, vector<1x16xf32>,
        %get3A_774 = vector.shape_cast %get3A_773 : vector<1x16xf32> to vector<16xf32>
        %add3A_775 = arith.addf %add3A_753, %get3A_774 : vector<16xf32>
        %scan3A_776 = arith.constant 2 : i32
        %scan3A_777 = arith.addi %scan3A_729, %scan3A_776 : i32
        %get3A_778 = arith.index_cast %scan3A_777 : i32 to index
        %get3A_779 = arith.constant 0 : index
        %get3A_780 = tpu.vector_load %arg10[%get3A_778, %get3A_779] {strides = array<i32>} : memref<200x64xf32, #tpu.memory_space<vmem>>, vector<1x16xf32>,
        %get3A_781 = vector.shape_cast %get3A_780 : vector<1x16xf32> to vector<16xf32>
        %add3A_782 = arith.addf %add3A_760, %get3A_781 : vector<16xf32>
        %get3A_783 = arith.index_cast %scan3A_777 : i32 to index
        %get3A_784 = arith.constant 16 : index
        %get3A_785 = tpu.vector_load %arg10[%get3A_783, %get3A_784] {strides = array<i32>} : memref<200x64xf32, #tpu.memory_space<vmem>>, vector<1x16xf32>,
        %get3A_786 = vector.shape_cast %get3A_785 : vector<1x16xf32> to vector<16xf32>
        %add3A_787 = arith.addf %add3A_765, %get3A_786 : vector<16xf32>
        %get3A_788 = arith.index_cast %scan3A_777 : i32 to index
        %get3A_789 = arith.constant 32 : index
        %get3A_790 = tpu.vector_load %arg10[%get3A_788, %get3A_789] {strides = array<i32>} : memref<200x64xf32, #tpu.memory_space<vmem>>, vector<1x16xf32>,
        %get3A_791 = vector.shape_cast %get3A_790 : vector<1x16xf32> to vector<16xf32>
        %add3A_792 = arith.addf %add3A_770, %get3A_791 : vector<16xf32>
        %get3A_793 = arith.index_cast %scan3A_777 : i32 to index
        %get3A_794 = arith.constant 48 : index
        %get3A_795 = tpu.vector_load %arg10[%get3A_793, %get3A_794] {strides = array<i32>} : memref<200x64xf32, #tpu.memory_space<vmem>>, vector<1x16xf32>,
        %get3A_796 = vector.shape_cast %get3A_795 : vector<1x16xf32> to vector<16xf32>
        %add3A_797 = arith.addf %add3A_775, %get3A_796 : vector<16xf32>
        %scan3A_798 = arith.constant 3 : i32
        %scan3A_799 = arith.addi %scan3A_729, %scan3A_798 : i32
        %get3A_800 = arith.index_cast %scan3A_799 : i32 to index
        %get3A_801 = arith.constant 0 : index
        %get3A_802 = tpu.vector_load %arg10[%get3A_800, %get3A_801] {strides = array<i32>} : memref<200x64xf32, #tpu.memory_space<vmem>>, vector<1x16xf32>,
        %get3A_803 = vector.shape_cast %get3A_802 : vector<1x16xf32> to vector<16xf32>
        %add3A_804 = arith.addf %add3A_782, %get3A_803 : vector<16xf32>
        %get3A_805 = arith.index_cast %scan3A_799 : i32 to index
        %get3A_806 = arith.constant 16 : index
        %get3A_807 = tpu.vector_load %arg10[%get3A_805, %get3A_806] {strides = array<i32>} : memref<200x64xf32, #tpu.memory_space<vmem>>, vector<1x16xf32>,
        %get3A_808 = vector.shape_cast %get3A_807 : vector<1x16xf32> to vector<16xf32>
        %add3A_809 = arith.addf %add3A_787, %get3A_808 : vector<16xf32>
        %get3A_810 = arith.index_cast %scan3A_799 : i32 to index
        %get3A_811 = arith.constant 32 : index
        %get3A_812 = tpu.vector_load %arg10[%get3A_810, %get3A_811] {strides = array<i32>} : memref<200x64xf32, #tpu.memory_space<vmem>>, vector<1x16xf32>,
        %get3A_813 = vector.shape_cast %get3A_812 : vector<1x16xf32> to vector<16xf32>
        %add3A_814 = arith.addf %add3A_792, %get3A_813 : vector<16xf32>
        %get3A_815 = arith.index_cast %scan3A_799 : i32 to index
        %get3A_816 = arith.constant 48 : index
        %get3A_817 = tpu.vector_load %arg10[%get3A_815, %get3A_816] {strides = array<i32>} : memref<200x64xf32, #tpu.memory_space<vmem>>, vector<1x16xf32>,
        %get3A_818 = vector.shape_cast %get3A_817 : vector<1x16xf32> to vector<16xf32>
        %add3A_819 = arith.addf %add3A_797, %get3A_818 : vector<16xf32>
        %scan3A_820 = arith.constant 4 : i32
        %scan3A_821 = arith.addi %scan3A_729, %scan3A_820 : i32
        %get3A_822 = arith.index_cast %scan3A_821 : i32 to index
        %get3A_823 = arith.constant 0 : index
        %get3A_824 = tpu.vector_load %arg10[%get3A_822, %get3A_823] {strides = array<i32>} : memref<200x64xf32, #tpu.memory_space<vmem>>, vector<1x16xf32>,
        %get3A_825 = vector.shape_cast %get3A_824 : vector<1x16xf32> to vector<16xf32>
        %add3A_826 = arith.addf %add3A_804, %get3A_825 : vector<16xf32>
        %get3A_827 = arith.index_cast %scan3A_821 : i32 to index
        %get3A_828 = arith.constant 16 : index
        %get3A_829 = tpu.vector_load %arg10[%get3A_827, %get3A_828] {strides = array<i32>} : memref<200x64xf32, #tpu.memory_space<vmem>>, vector<1x16xf32>,
        %get3A_830 = vector.shape_cast %get3A_829 : vector<1x16xf32> to vector<16xf32>
        %add3A_831 = arith.addf %add3A_809, %get3A_830 : vector<16xf32>
        %get3A_832 = arith.index_cast %scan3A_821 : i32 to index
        %get3A_833 = arith.constant 32 : index
        %get3A_834 = tpu.vector_load %arg10[%get3A_832, %get3A_833] {strides = array<i32>} : memref<200x64xf32, #tpu.memory_space<vmem>>, vector<1x16xf32>,
        %get3A_835 = vector.shape_cast %get3A_834 : vector<1x16xf32> to vector<16xf32>
        %add3A_836 = arith.addf %add3A_814, %get3A_835 : vector<16xf32>
        %get3A_837 = arith.index_cast %scan3A_821 : i32 to index
        %get3A_838 = arith.constant 48 : index
        %get3A_839 = tpu.vector_load %arg10[%get3A_837, %get3A_838] {strides = array<i32>} : memref<200x64xf32, #tpu.memory_space<vmem>>, vector<1x16xf32>,
        %get3A_840 = vector.shape_cast %get3A_839 : vector<1x16xf32> to vector<16xf32>
        %add3A_841 = arith.addf %add3A_819, %get3A_840 : vector<16xf32>
        %scan3A_842 = arith.constant 5 : i32
        %scan3A_843 = arith.addi %scan3A_729, %scan3A_842 : i32
        %get3A_844 = arith.index_cast %scan3A_843 : i32 to index
        %get3A_845 = arith.constant 0 : index
        %get3A_846 = tpu.vector_load %arg10[%get3A_844, %get3A_845] {strides = array<i32>} : memref<200x64xf32, #tpu.memory_space<vmem>>, vector<1x16xf32>,
        %get3A_847 = vector.shape_cast %get3A_846 : vector<1x16xf32> to vector<16xf32>
        %add3A_848 = arith.addf %add3A_826, %get3A_847 : vector<16xf32>
        %get3A_849 = arith.index_cast %scan3A_843 : i32 to index
        %get3A_850 = arith.constant 16 : index
        %get3A_851 = tpu.vector_load %arg10[%get3A_849, %get3A_850] {strides = array<i32>} : memref<200x64xf32, #tpu.memory_space<vmem>>, vector<1x16xf32>,
        %get3A_852 = vector.shape_cast %get3A_851 : vector<1x16xf32> to vector<16xf32>
        %add3A_853 = arith.addf %add3A_831, %get3A_852 : vector<16xf32>
        %get3A_854 = arith.index_cast %scan3A_843 : i32 to index
        %get3A_855 = arith.constant 32 : index
        %get3A_856 = tpu.vector_load %arg10[%get3A_854, %get3A_855] {strides = array<i32>} : memref<200x64xf32, #tpu.memory_space<vmem>>, vector<1x16xf32>,
        %get3A_857 = vector.shape_cast %get3A_856 : vector<1x16xf32> to vector<16xf32>
        %add3A_858 = arith.addf %add3A_836, %get3A_857 : vector<16xf32>
        %get3A_859 = arith.index_cast %scan3A_843 : i32 to index
        %get3A_860 = arith.constant 48 : index
        %get3A_861 = tpu.vector_load %arg10[%get3A_859, %get3A_860] {strides = array<i32>} : memref<200x64xf32, #tpu.memory_space<vmem>>, vector<1x16xf32>,
        %get3A_862 = vector.shape_cast %get3A_861 : vector<1x16xf32> to vector<16xf32>
        %add3A_863 = arith.addf %add3A_841, %get3A_862 : vector<16xf32>
        %scan3A_864 = arith.constant 6 : i32
        %scan3A_865 = arith.addi %scan3A_729, %scan3A_864 : i32
        %get3A_866 = arith.index_cast %scan3A_865 : i32 to index
        %get3A_867 = arith.constant 0 : index
        %get3A_868 = tpu.vector_load %arg10[%get3A_866, %get3A_867] {strides = array<i32>} : memref<200x64xf32, #tpu.memory_space<vmem>>, vector<1x16xf32>,
        %get3A_869 = vector.shape_cast %get3A_868 : vector<1x16xf32> to vector<16xf32>
        %add3A_870 = arith.addf %add3A_848, %get3A_869 : vector<16xf32>
        %get3A_871 = arith.index_cast %scan3A_865 : i32 to index
        %get3A_872 = arith.constant 16 : index
        %get3A_873 = tpu.vector_load %arg10[%get3A_871, %get3A_872] {strides = array<i32>} : memref<200x64xf32, #tpu.memory_space<vmem>>, vector<1x16xf32>,
        %get3A_874 = vector.shape_cast %get3A_873 : vector<1x16xf32> to vector<16xf32>
        %add3A_875 = arith.addf %add3A_853, %get3A_874 : vector<16xf32>
        %get3A_876 = arith.index_cast %scan3A_865 : i32 to index
        %get3A_877 = arith.constant 32 : index
        %get3A_878 = tpu.vector_load %arg10[%get3A_876, %get3A_877] {strides = array<i32>} : memref<200x64xf32, #tpu.memory_space<vmem>>, vector<1x16xf32>,
        %get3A_879 = vector.shape_cast %get3A_878 : vector<1x16xf32> to vector<16xf32>
        %add3A_880 = arith.addf %add3A_858, %get3A_879 : vector<16xf32>
        %get3A_881 = arith.index_cast %scan3A_865 : i32 to index
        %get3A_882 = arith.constant 48 : index
        %get3A_883 = tpu.vector_load %arg10[%get3A_881, %get3A_882] {strides = array<i32>} : memref<200x64xf32, #tpu.memory_space<vmem>>, vector<1x16xf32>,
        %get3A_884 = vector.shape_cast %get3A_883 : vector<1x16xf32> to vector<16xf32>
        %add3A_885 = arith.addf %add3A_863, %get3A_884 : vector<16xf32>
        %scan3A_886 = arith.constant 7 : i32
        %scan3A_887 = arith.addi %scan3A_729, %scan3A_886 : i32
        %get3A_888 = arith.index_cast %scan3A_887 : i32 to index
        %get3A_889 = arith.constant 0 : index
        %get3A_890 = tpu.vector_load %arg10[%get3A_888, %get3A_889] {strides = array<i32>} : memref<200x64xf32, #tpu.memory_space<vmem>>, vector<1x16xf32>,
        %get3A_891 = vector.shape_cast %get3A_890 : vector<1x16xf32> to vector<16xf32>
        %add3A_892 = arith.addf %add3A_870, %get3A_891 : vector<16xf32>
        %get3A_893 = arith.index_cast %scan3A_887 : i32 to index
        %get3A_894 = arith.constant 16 : index
        %get3A_895 = tpu.vector_load %arg10[%get3A_893, %get3A_894] {strides = array<i32>} : memref<200x64xf32, #tpu.memory_space<vmem>>, vector<1x16xf32>,
        %get3A_896 = vector.shape_cast %get3A_895 : vector<1x16xf32> to vector<16xf32>
        %add3A_897 = arith.addf %add3A_875, %get3A_896 : vector<16xf32>
        %get3A_898 = arith.index_cast %scan3A_887 : i32 to index
        %get3A_899 = arith.constant 32 : index
        %get3A_900 = tpu.vector_load %arg10[%get3A_898, %get3A_899] {strides = array<i32>} : memref<200x64xf32, #tpu.memory_space<vmem>>, vector<1x16xf32>,
        %get3A_901 = vector.shape_cast %get3A_900 : vector<1x16xf32> to vector<16xf32>
        %add3A_902 = arith.addf %add3A_880, %get3A_901 : vector<16xf32>
        %get3A_903 = arith.index_cast %scan3A_887 : i32 to index
        %get3A_904 = arith.constant 48 : index
        %get3A_905 = tpu.vector_load %arg10[%get3A_903, %get3A_904] {strides = array<i32>} : memref<200x64xf32, #tpu.memory_space<vmem>>, vector<1x16xf32>,
        %get3A_906 = vector.shape_cast %get3A_905 : vector<1x16xf32> to vector<16xf32>
        %add3A_907 = arith.addf %add3A_885, %get3A_906 : vector<16xf32>
        %scan3A_908 = arith.constant 8 : i32
        %scan3A_909 = arith.addi %scan3A_729, %scan3A_908 : i32
        %get3A_910 = arith.index_cast %scan3A_909 : i32 to index
        %get3A_911 = arith.constant 0 : index
        %get3A_912 = tpu.vector_load %arg10[%get3A_910, %get3A_911] {strides = array<i32>} : memref<200x64xf32, #tpu.memory_space<vmem>>, vector<1x16xf32>,
        %get3A_913 = vector.shape_cast %get3A_912 : vector<1x16xf32> to vector<16xf32>
        %add3A_914 = arith.addf %add3A_892, %get3A_913 : vector<16xf32>
        %get3A_915 = arith.index_cast %scan3A_909 : i32 to index
        %get3A_916 = arith.constant 16 : index
        %get3A_917 = tpu.vector_load %arg10[%get3A_915, %get3A_916] {strides = array<i32>} : memref<200x64xf32, #tpu.memory_space<vmem>>, vector<1x16xf32>,
        %get3A_918 = vector.shape_cast %get3A_917 : vector<1x16xf32> to vector<16xf32>
        %add3A_919 = arith.addf %add3A_897, %get3A_918 : vector<16xf32>
        %get3A_920 = arith.index_cast %scan3A_909 : i32 to index
        %get3A_921 = arith.constant 32 : index
        %get3A_922 = tpu.vector_load %arg10[%get3A_920, %get3A_921] {strides = array<i32>} : memref<200x64xf32, #tpu.memory_space<vmem>>, vector<1x16xf32>,
        %get3A_923 = vector.shape_cast %get3A_922 : vector<1x16xf32> to vector<16xf32>
        %add3A_924 = arith.addf %add3A_902, %get3A_923 : vector<16xf32>
        %get3A_925 = arith.index_cast %scan3A_909 : i32 to index
        %get3A_926 = arith.constant 48 : index
        %get3A_927 = tpu.vector_load %arg10[%get3A_925, %get3A_926] {strides = array<i32>} : memref<200x64xf32, #tpu.memory_space<vmem>>, vector<1x16xf32>,
        %get3A_928 = vector.shape_cast %get3A_927 : vector<1x16xf32> to vector<16xf32>
        %add3A_929 = arith.addf %add3A_907, %get3A_928 : vector<16xf32>
        %scan3A_930 = arith.constant 9 : i32
        %scan3A_931 = arith.addi %scan3A_729, %scan3A_930 : i32
        %get3A_932 = arith.index_cast %scan3A_931 : i32 to index
        %get3A_933 = arith.constant 0 : index
        %get3A_934 = tpu.vector_load %arg10[%get3A_932, %get3A_933] {strides = array<i32>} : memref<200x64xf32, #tpu.memory_space<vmem>>, vector<1x16xf32>,
        %get3A_935 = vector.shape_cast %get3A_934 : vector<1x16xf32> to vector<16xf32>
        %add3A_936 = arith.addf %add3A_914, %get3A_935 : vector<16xf32>
        %get3A_937 = arith.index_cast %scan3A_931 : i32 to index
        %get3A_938 = arith.constant 16 : index
        %get3A_939 = tpu.vector_load %arg10[%get3A_937, %get3A_938] {strides = array<i32>} : memref<200x64xf32, #tpu.memory_space<vmem>>, vector<1x16xf32>,
        %get3A_940 = vector.shape_cast %get3A_939 : vector<1x16xf32> to vector<16xf32>
        %add3A_941 = arith.addf %add3A_919, %get3A_940 : vector<16xf32>
        %get3A_942 = arith.index_cast %scan3A_931 : i32 to index
        %get3A_943 = arith.constant 32 : index
        %get3A_944 = tpu.vector_load %arg10[%get3A_942, %get3A_943] {strides = array<i32>} : memref<200x64xf32, #tpu.memory_space<vmem>>, vector<1x16xf32>,
        %get3A_945 = vector.shape_cast %get3A_944 : vector<1x16xf32> to vector<16xf32>
        %add3A_946 = arith.addf %add3A_924, %get3A_945 : vector<16xf32>
        %get3A_947 = arith.index_cast %scan3A_931 : i32 to index
        %get3A_948 = arith.constant 48 : index
        %get3A_949 = tpu.vector_load %arg10[%get3A_947, %get3A_948] {strides = array<i32>} : memref<200x64xf32, #tpu.memory_space<vmem>>, vector<1x16xf32>,
        %get3A_950 = vector.shape_cast %get3A_949 : vector<1x16xf32> to vector<16xf32>
        %add3A_951 = arith.addf %add3A_929, %get3A_950 : vector<16xf32>
        scf.yield %add3A_936, %add3A_941, %add3A_946, %add3A_951 : vector<16xf32>, vector<16xf32>, vector<16xf32>, vector<16xf32>
      }
      %scan3A_629 = arith.constant 200 : i32
      %jit3A_630 = arith.constant 32 : i32
      %eq3A_631 = arith.constant 0 : i32
      %eq3A_632 = arith.cmpi eq, %jit3A_630, %eq3A_631 : i32
      %jit3A_633 = arith.constant 1 : i32
      %select_n3A_634 = arith.select %eq3A_632, %jit3A_633, %jit3A_630 : i32
      %rem3A_635 = arith.remsi %add3A_559, %select_n3A_634 : i32
      %ne3A_636 = arith.constant 0 : i32
      %ne3A_637 = arith.cmpi ne, %rem3A_635, %ne3A_636 : i32
      %lt3A_638 = arith.constant 0 : i32
      %lt3A_639 = arith.cmpi slt, %rem3A_635, %lt3A_638 : i32
      %lt3A_640 = arith.constant 0 : i32
      %lt3A_641 = arith.cmpi slt, %select_n3A_634, %lt3A_640 : i32
      %ne3A_642 = arith.xori %lt3A_639, %lt3A_641 : i1
      %and3A_643 = arith.andi %ne3A_642, %ne3A_637 : i1
      %add3A_644 = arith.addi %rem3A_635, %select_n3A_634 : i32
      %select_n3A_645 = arith.select %and3A_643, %add3A_644, %rem3A_635 : i32
      %mul3A_646 = vector.broadcast %squeeze3A : f32 to vector<16xf32>
      %mul3A_647 = arith.mulf %scan3A_628#0, %mul3A_646 : vector<16xf32>
      %swap3A_648 = arith.index_cast %select_n3A_645 : i32 to index
      %swap3A_649 = arith.constant 0 : index
      %swap3A_650 = tpu.vector_load %arg11[%swap3A_648, %swap3A_649] {strides = array<i32>} : memref<32x64xf32, #tpu.memory_space<vmem>>, vector<1x16xf32>,
      %swap3A_651 = vector.shape_cast %swap3A_650 : vector<1x16xf32> to vector<16xf32>
      %swap3A_652 = vector.shape_cast %mul3A_647 : vector<16xf32> to vector<1x16xf32>
      tpu.vector_store %arg11[%swap3A_648, %swap3A_649], %swap3A_652 {strides = array<i32>} : memref<32x64xf32, #tpu.memory_space<vmem>>, vector<1x16xf32>,
      %mul3A_653 = vector.broadcast %squeeze3A : f32 to vector<16xf32>
      %mul3A_654 = arith.mulf %scan3A_628#1, %mul3A_653 : vector<16xf32>
      %swap3A_655 = arith.index_cast %select_n3A_645 : i32 to index
      %swap3A_656 = arith.constant 16 : index
      %swap3A_657 = tpu.vector_load %arg11[%swap3A_655, %swap3A_656] {strides = array<i32>} : memref<32x64xf32, #tpu.memory_space<vmem>>, vector<1x16xf32>,
      %swap3A_658 = vector.shape_cast %swap3A_657 : vector<1x16xf32> to vector<16xf32>
      %swap3A_659 = vector.shape_cast %mul3A_654 : vector<16xf32> to vector<1x16xf32>
      tpu.vector_store %arg11[%swap3A_655, %swap3A_656], %swap3A_659 {strides = array<i32>} : memref<32x64xf32, #tpu.memory_space<vmem>>, vector<1x16xf32>,
      %mul3A_660 = vector.broadcast %squeeze3A : f32 to vector<16xf32>
      %mul3A_661 = arith.mulf %scan3A_628#2, %mul3A_660 : vector<16xf32>
      %swap3A_662 = arith.index_cast %select_n3A_645 : i32 to index
      %swap3A_663 = arith.constant 32 : index
      %swap3A_664 = tpu.vector_load %arg11[%swap3A_662, %swap3A_663] {strides = array<i32>} : memref<32x64xf32, #tpu.memory_space<vmem>>, vector<1x16xf32>,
      %swap3A_665 = vector.shape_cast %swap3A_664 : vector<1x16xf32> to vector<16xf32>
      %swap3A_666 = vector.shape_cast %mul3A_661 : vector<16xf32> to vector<1x16xf32>
      tpu.vector_store %arg11[%swap3A_662, %swap3A_663], %swap3A_666 {strides = array<i32>} : memref<32x64xf32, #tpu.memory_space<vmem>>, vector<1x16xf32>,
      %mul3A_667 = vector.broadcast %squeeze3A : f32 to vector<16xf32>
      %mul3A_668 = arith.mulf %scan3A_628#3, %mul3A_667 : vector<16xf32>
      %swap3A_669 = arith.index_cast %select_n3A_645 : i32 to index
      %swap3A_670 = arith.constant 48 : index
      %swap3A_671 = tpu.vector_load %arg11[%swap3A_669, %swap3A_670] {strides = array<i32>} : memref<32x64xf32, #tpu.memory_space<vmem>>, vector<1x16xf32>,
      %swap3A_672 = vector.shape_cast %swap3A_671 : vector<1x16xf32> to vector<16xf32>
      %swap3A_673 = vector.shape_cast %mul3A_668 : vector<16xf32> to vector<1x16xf32>
      tpu.vector_store %arg11[%swap3A_669, %swap3A_670], %swap3A_673 {strides = array<i32>} : memref<32x64xf32, #tpu.memory_space<vmem>>, vector<1x16xf32>,
      %add3A_674 = arith.constant 3 : i32
      %add3A_675 = arith.addi %mul3A_37, %add3A_674 : i32
      %add3A_676 = arith.constant 4 : i32
      %add3A_677 = arith.addi %add3A_675, %add3A_676 : i32
      %jit3A_678 = arith.constant 32 : i32
      %eq3A_679 = arith.constant 0 : i32
      %eq3A_680 = arith.cmpi eq, %jit3A_678, %eq3A_679 : i32
      %jit3A_681 = arith.constant 1 : i32
      %select_n3A_682 = arith.select %eq3A_680, %jit3A_681, %jit3A_678 : i32
      %rem3A_683 = arith.remsi %add3A_677, %select_n3A_682 : i32
      %ne3A_684 = arith.constant 0 : i32
      %ne3A_685 = arith.cmpi ne, %rem3A_683, %ne3A_684 : i32
      %lt3A_686 = arith.constant 0 : i32
      %lt3A_687 = arith.cmpi slt, %rem3A_683, %lt3A_686 : i32
      %lt3A_688 = arith.constant 0 : i32
      %lt3A_689 = arith.cmpi slt, %select_n3A_682, %lt3A_688 : i32
      %ne3A_690 = arith.xori %lt3A_687, %lt3A_689 : i1
      %and3A_691 = arith.andi %ne3A_690, %ne3A_685 : i1
      %add3A_692 = arith.addi %rem3A_683, %select_n3A_682 : i32
      %select_n3A_693 = arith.select %and3A_691, %add3A_692, %rem3A_683 : i32
      %eq3A_694 = arith.constant 0 : i32
      %eq3A_695 = arith.cmpi eq, %select_n3A_693, %eq3A_694 : i32
      %add3A_696 = arith.constant 3 : i32
      %add3A_697 = arith.addi %mul3A_37, %add3A_696 : i32
      %add3A_698 = arith.constant 4 : i32
      %add3A_699 = arith.addi %add3A_697, %add3A_698 : i32
      %lt3A_700 = arith.constant 512 : i32
      %lt3A_701 = arith.cmpi slt, %add3A_699, %lt3A_700 : i32
      %and3A_702 = arith.andi %eq3A_695, %lt3A_701 : i1
      %convert_element_type3A_703 = arith.extui %and3A_702 : i1 to i32
      %cond3A_704 = arith.constant 0 : i32
      %cond3A_705 = arith.cmpi ne, %convert_element_type3A_703, %cond3A_704 : i32
      scf.if %cond3A_705 {
        %add3A_729 = arith.constant 3 : i32
        %add3A_730 = arith.addi %mul3A_37, %add3A_729 : i32
        %add3A_731 = arith.constant 4 : i32
        %add3A_732 = arith.addi %add3A_730, %add3A_731 : i32
        %jit3A_733 = arith.constant 32 : i32
        %div3A_734 = arith.divsi %add3A_732, %jit3A_733 : i32
        %sign3A_735 = arith.constant 0 : i32
        %sign3A_736 = arith.cmpi sgt, %add3A_732, %sign3A_735 : i32
        %sign3A_737 = arith.extui %sign3A_736 : i1 to i32
        %sign3A_738 = arith.constant 0 : i32
        %sign3A_739 = arith.cmpi slt, %add3A_732, %sign3A_738 : i32
        %sign3A_740 = arith.extui %sign3A_739 : i1 to i32
        %sign3A_741 = arith.subi %sign3A_737, %sign3A_740 : i32
        %sign3A_742 = arith.constant 0 : i32
        %sign3A_743 = arith.cmpi sgt, %jit3A_733, %sign3A_742 : i32
        %sign3A_744 = arith.extui %sign3A_743 : i1 to i32
        %sign3A_745 = arith.constant 0 : i32
        %sign3A_746 = arith.cmpi slt, %jit3A_733, %sign3A_745 : i32
        %sign3A_747 = arith.extui %sign3A_746 : i1 to i32
        %sign3A_748 = arith.subi %sign3A_744, %sign3A_747 : i32
        %ne3A_749 = arith.cmpi ne, %sign3A_741, %sign3A_748 : i32
        %rem3A_750 = arith.remsi %add3A_732, %jit3A_733 : i32
        %ne3A_751 = arith.constant 0 : i32
        %ne3A_752 = arith.cmpi ne, %rem3A_750, %ne3A_751 : i32
        %and3A_753 = arith.andi %ne3A_749, %ne3A_752 : i1
        %sub3A_754 = arith.constant 1 : i32
        %sub3A_755 = arith.subi %div3A_734, %sub3A_754 : i32
        %select_n3A_756 = arith.select %and3A_753, %sub3A_755, %div3A_734 : i32
        %mul3A_757 = arith.constant 32 : i32
        %mul3A_758 = arith.muli %select_n3A_756, %mul3A_757 : i32
        %add3A_759 = arith.addi %mul3A_4, %mul3A_758 : i32
        %jit3A_760 = arith.constant 2 : i32
        %eq3A_761 = arith.constant 0 : i32
        %eq3A_762 = arith.cmpi eq, %jit3A_760, %eq3A_761 : i32
        %jit3A_763 = arith.constant 1 : i32
        %select_n3A_764 = arith.select %eq3A_762, %jit3A_763, %jit3A_760 : i32
        %rem3A_765 = arith.remsi %select_n3A_756, %select_n3A_764 : i32
        %ne3A_766 = arith.constant 0 : i32
        %ne3A_767 = arith.cmpi ne, %rem3A_765, %ne3A_766 : i32
        %lt3A_768 = arith.constant 0 : i32
        %lt3A_769 = arith.cmpi slt, %rem3A_765, %lt3A_768 : i32
        %lt3A_770 = arith.constant 0 : i32
        %lt3A_771 = arith.cmpi slt, %select_n3A_764, %lt3A_770 : i32
        %ne3A_772 = arith.xori %lt3A_769, %lt3A_771 : i1
        %and3A_773 = arith.andi %ne3A_772, %ne3A_767 : i1
        %add3A_774 = arith.addi %rem3A_765, %select_n3A_764 : i32
        %select_n3A_775 = arith.select %and3A_773, %add3A_774, %rem3A_765 : i32
        "tpu.region"() ({
          %run_scoped3A_776 = tpu.sem_alloc : memref<!tpu.dma_semaphore, #tpu.memory_space<semaphore_mem>>
          %dma_start3A_777 = arith.constant 0 : i32
          %dma_start3A_778 = arith.constant 0 : i32
          %dma_start3A_779 = tpu.memref_slice %arg6[%select_n3A_775, %dma_start3A_777, %dma_start3A_778] : memref<2x32x200xi32, #tpu.memory_space<vmem>> -> memref<1x32x200xi32, #tpu.memory_space<vmem>>
          %dma_start3A_780 = tpu.memref_squeeze %dma_start3A_779 : memref<1x32x200xi32, #tpu.memory_space<vmem>> -> memref<32x200xi32, #tpu.memory_space<vmem>>
          %dma_start3A_781 = arith.constant 0 : i32
          %dma_start3A_782 = tpu.memref_slice %arg2[%add3A_759, %dma_start3A_781] : memref<16384x200xi32, #tpu.memory_space<hbm>> -> memref<32x200xi32, #tpu.memory_space<hbm>>
          %dma_start3A_783 = arith.constant 0 : i32
          %dma_start3A_784 = arith.constant 0 : i32
          %dma_start3A_785 = tpu.memref_slice %arg6[%select_n3A_775, %dma_start3A_783, %dma_start3A_784] : memref<2x32x200xi32, #tpu.memory_space<vmem>> -> memref<1x32x200xi32, #tpu.memory_space<vmem>>
          %dma_start3A_786 = tpu.memref_squeeze %dma_start3A_785 : memref<1x32x200xi32, #tpu.memory_space<vmem>> -> memref<32x200xi32, #tpu.memory_space<vmem>>
          %dma_start3A_787 = arith.constant 0 : i32
          %dma_start3A_788 = tpu.memref_slice %arg2[%add3A_759, %dma_start3A_787] : memref<16384x200xi32, #tpu.memory_space<hbm>> -> memref<32x200xi32, #tpu.memory_space<hbm>>
          tpu.enqueue_dma source(%dma_start3A_788 : memref<32x200xi32, #tpu.memory_space<hbm>>) target(%dma_start3A_786 : memref<32x200xi32, #tpu.memory_space<vmem>>) target_semaphore(%run_scoped3A_776 : memref<!tpu.dma_semaphore, #tpu.memory_space<semaphore_mem>>)
          %dma_wait3A_789 = arith.constant 0 : i32
          %dma_wait3A_790 = arith.constant 0 : i32
          %dma_wait3A_791 = tpu.memref_slice %arg6[%select_n3A_775, %dma_wait3A_789, %dma_wait3A_790] : memref<2x32x200xi32, #tpu.memory_space<vmem>> -> memref<1x32x200xi32, #tpu.memory_space<vmem>>
          %dma_wait3A_792 = tpu.memref_squeeze %dma_wait3A_791 : memref<1x32x200xi32, #tpu.memory_space<vmem>> -> memref<32x200xi32, #tpu.memory_space<vmem>>
          %dma_wait3A_793 = arith.constant 0 : i32
          %dma_wait3A_794 = tpu.memref_slice %arg2[%add3A_759, %dma_wait3A_793] : memref<16384x200xi32, #tpu.memory_space<hbm>> -> memref<32x200xi32, #tpu.memory_space<hbm>>
          %dma_wait3A_795 = arith.constant 0 : i32
          %dma_wait3A_796 = arith.constant 0 : i32
          %dma_wait3A_797 = tpu.memref_slice %arg6[%select_n3A_775, %dma_wait3A_795, %dma_wait3A_796] : memref<2x32x200xi32, #tpu.memory_space<vmem>> -> memref<1x32x200xi32, #tpu.memory_space<vmem>>
          %dma_wait3A_798 = tpu.memref_squeeze %dma_wait3A_797 : memref<1x32x200xi32, #tpu.memory_space<vmem>> -> memref<32x200xi32, #tpu.memory_space<vmem>>
          %dma_wait3A_799 = arith.constant 0 : i32
          %dma_wait3A_800 = tpu.memref_slice %arg2[%add3A_759, %dma_wait3A_799] : memref<16384x200xi32, #tpu.memory_space<hbm>> -> memref<32x200xi32, #tpu.memory_space<hbm>>
          tpu.wait_dma2 semaphore(%run_scoped3A_776 : memref<!tpu.dma_semaphore, #tpu.memory_space<semaphore_mem>>) src(%dma_wait3A_800 : memref<32x200xi32, #tpu.memory_space<hbm>>) dst(%dma_wait3A_798 : memref<32x200xi32, #tpu.memory_space<vmem>>)
          tpu.yield
        }) : () -> ()
      } else {
      }
      %add3A_706 = arith.constant 3 : i32
      %add3A_707 = arith.addi %mul3A_37, %add3A_706 : i32
      %jit3A_708 = arith.constant 32 : i32
      %eq3A_709 = arith.constant 0 : i32
      %eq3A_710 = arith.cmpi eq, %jit3A_708, %eq3A_709 : i32
      %jit3A_711 = arith.constant 1 : i32
      %select_n3A_712 = arith.select %eq3A_710, %jit3A_711, %jit3A_708 : i32
      %rem3A_713 = arith.remsi %add3A_707, %select_n3A_712 : i32
      %ne3A_714 = arith.constant 0 : i32
      %ne3A_715 = arith.cmpi ne, %rem3A_713, %ne3A_714 : i32
      %lt3A_716 = arith.constant 0 : i32
      %lt3A_717 = arith.cmpi slt, %rem3A_713, %lt3A_716 : i32
      %lt3A_718 = arith.constant 0 : i32
      %lt3A_719 = arith.cmpi slt, %select_n3A_712, %lt3A_718 : i32
      %ne3A_720 = arith.xori %lt3A_717, %lt3A_719 : i1
      %and3A_721 = arith.andi %ne3A_720, %ne3A_715 : i1
      %add3A_722 = arith.addi %rem3A_713, %select_n3A_712 : i32
      %select_n3A_723 = arith.select %and3A_721, %add3A_722, %rem3A_713 : i32
      %eq3A_724 = arith.constant 31 : i32
      %eq3A_725 = arith.cmpi eq, %select_n3A_723, %eq3A_724 : i32
      %convert_element_type3A_726 = arith.extui %eq3A_725 : i1 to i32
      %cond3A_727 = arith.constant 0 : i32
      %cond3A_728 = arith.cmpi ne, %convert_element_type3A_726, %cond3A_727 : i32
      scf.if %cond3A_728 {
        %add3A_729 = arith.constant 3 : i32
        %add3A_730 = arith.addi %mul3A_37, %add3A_729 : i32
        %jit3A_731 = arith.constant 32 : i32
        %div3A_732 = arith.divsi %add3A_730, %jit3A_731 : i32
        %sign3A_733 = arith.constant 0 : i32
        %sign3A_734 = arith.cmpi sgt, %add3A_730, %sign3A_733 : i32
        %sign3A_735 = arith.extui %sign3A_734 : i1 to i32
        %sign3A_736 = arith.constant 0 : i32
        %sign3A_737 = arith.cmpi slt, %add3A_730, %sign3A_736 : i32
        %sign3A_738 = arith.extui %sign3A_737 : i1 to i32
        %sign3A_739 = arith.subi %sign3A_735, %sign3A_738 : i32
        %sign3A_740 = arith.constant 0 : i32
        %sign3A_741 = arith.cmpi sgt, %jit3A_731, %sign3A_740 : i32
        %sign3A_742 = arith.extui %sign3A_741 : i1 to i32
        %sign3A_743 = arith.constant 0 : i32
        %sign3A_744 = arith.cmpi slt, %jit3A_731, %sign3A_743 : i32
        %sign3A_745 = arith.extui %sign3A_744 : i1 to i32
        %sign3A_746 = arith.subi %sign3A_742, %sign3A_745 : i32
        %ne3A_747 = arith.cmpi ne, %sign3A_739, %sign3A_746 : i32
        %rem3A_748 = arith.remsi %add3A_730, %jit3A_731 : i32
        %ne3A_749 = arith.constant 0 : i32
        %ne3A_750 = arith.cmpi ne, %rem3A_748, %ne3A_749 : i32
        %and3A_751 = arith.andi %ne3A_747, %ne3A_750 : i1
        %sub3A_752 = arith.constant 1 : i32
        %sub3A_753 = arith.subi %div3A_732, %sub3A_752 : i32
        %select_n3A_754 = arith.select %and3A_751, %sub3A_753, %div3A_732 : i32
        %mul3A_755 = arith.constant 32 : i32
        %mul3A_756 = arith.muli %select_n3A_754, %mul3A_755 : i32
        %add3A_757 = arith.addi %mul3A_4, %mul3A_756 : i32
        "tpu.region"() ({
          %run_scoped3A_758 = tpu.sem_alloc : memref<!tpu.dma_semaphore, #tpu.memory_space<semaphore_mem>>
          %dma_start3A_759 = arith.constant 0 : i32
          %dma_start3A_760 = tpu.memref_slice %arg5[%add3A_757, %dma_start3A_759] : memref<16384x64xf32, #tpu.memory_space<hbm>> -> memref<32x64xf32, #tpu.memory_space<hbm>>
          %dma_start3A_761 = arith.constant 0 : i32
          %dma_start3A_762 = tpu.memref_slice %arg5[%add3A_757, %dma_start3A_761] : memref<16384x64xf32, #tpu.memory_space<hbm>> -> memref<32x64xf32, #tpu.memory_space<hbm>>
          tpu.enqueue_dma source(%arg11 : memref<32x64xf32, #tpu.memory_space<vmem>>) target(%dma_start3A_762 : memref<32x64xf32, #tpu.memory_space<hbm>>) target_semaphore(%run_scoped3A_758 : memref<!tpu.dma_semaphore, #tpu.memory_space<semaphore_mem>>)
          %dma_wait3A_763 = arith.constant 0 : i32
          %dma_wait3A_764 = tpu.memref_slice %arg5[%add3A_757, %dma_wait3A_763] : memref<16384x64xf32, #tpu.memory_space<hbm>> -> memref<32x64xf32, #tpu.memory_space<hbm>>
          %dma_wait3A_765 = arith.constant 0 : i32
          %dma_wait3A_766 = tpu.memref_slice %arg5[%add3A_757, %dma_wait3A_765] : memref<16384x64xf32, #tpu.memory_space<hbm>> -> memref<32x64xf32, #tpu.memory_space<hbm>>
          tpu.wait_dma2 semaphore(%run_scoped3A_758 : memref<!tpu.dma_semaphore, #tpu.memory_space<semaphore_mem>>) src(%arg11 : memref<32x64xf32, #tpu.memory_space<vmem>>) dst(%dma_wait3A_766 : memref<32x64xf32, #tpu.memory_space<hbm>>)
          tpu.yield
        }) : () -> ()
      } else {
      }
    }
    %scan3A_34 = arith.constant 128 : i32
    return
  }
}

module attributes {stable_mosaic.version = 14 : i64} {
  func.func @body(%arg0: i32, %arg1: memref<64x8192xf32, #tpu.memory_space<vmem>>, %arg2: memref<4096x128xf32, #tpu.memory_space<vmem>>) attributes {dimension_semantics = [#tpu.dimension_semantics<arbitrary>], iteration_bounds = array<i64: 123>, scalar_prefetch = 0 : i64, scratch_operands = 0 : i64, tpu.core_type = #tpu.core_type<tc>, window_params = [{transform_indices = @transform_0, window_bounds = array<i64: 64, 8192>}, {transform_indices = @transform_1, window_bounds = array<i64: 4096, 128>}]} {
    %get3A = arith.constant 0 : index
    %get3A_0 = arith.constant 0 : index
    %get3A_1 = vector.load %arg1[%get3A, %get3A_0] : memref<64x8192xf32, #tpu.memory_space<vmem>>, vector<64x8192xf32>
    %slice3A = vector.extract_strided_slice %get3A_1 {offsets = [0, 0], sizes = [64, 4096], strides = [1, 1]} : vector<64x8192xf32> to vector<64x4096xf32>
    %transpose3A = tpu.transpose %slice3A, [1, 0] : vector<64x4096xf32> -> vector<4096x64xf32>
    %swap3A = arith.constant 0 : index
    %swap3A_2 = arith.constant 0 : index
    %swap3A_3 = vector.load %arg2[%swap3A, %swap3A_2] : memref<4096x128xf32, #tpu.memory_space<vmem>>, vector<4096x64xf32>
    tpu.vector_store %arg2[%swap3A, %swap3A_2], %transpose3A {strides = array<i32>} : memref<4096x128xf32, #tpu.memory_space<vmem>>, vector<4096x64xf32>,
    %slice3A_4 = vector.extract_strided_slice %get3A_1 {offsets = [0, 4096], sizes = [64, 4096], strides = [1, 1]} : vector<64x8192xf32> to vector<64x4096xf32>
    %transpose3A_5 = tpu.transpose %slice3A_4, [1, 0] : vector<64x4096xf32> -> vector<4096x64xf32>
    %swap3A_6 = arith.constant 0 : index
    %swap3A_7 = arith.constant 64 : index
    %swap3A_8 = vector.load %arg2[%swap3A_6, %swap3A_7] : memref<4096x128xf32, #tpu.memory_space<vmem>>, vector<4096x64xf32>
    tpu.vector_store %arg2[%swap3A_6, %swap3A_7], %transpose3A_5 {strides = array<i32>} : memref<4096x128xf32, #tpu.memory_space<vmem>>, vector<4096x64xf32>,
    return
  }
  func.func @transform_0(%arg0: i32) -> (i32, i32) {
    %c0_i32 = arith.constant 0 : i32
    %c0_i32_0 = arith.constant 0 : i32
    return %c0_i32, %arg0 : i32, i32
  }
  func.func @transform_1(%arg0: i32) -> (i32, i32) {
    %c0_i32 = arith.constant 0 : i32
    %c0_i32_0 = arith.constant 0 : i32
    return %arg0, %c0_i32 : i32, i32
  }
}

module attributes {stable_mosaic.version = 14 : i64} {
  func.func @body(%arg0: i32, %arg1: memref<512x64xf32, #tpu.memory_space<vmem>>, %arg2: memref<64x64xf32, #tpu.memory_space<vmem>>, %arg3: memref<1x64xf32, #tpu.memory_space<vmem>>, %arg4: memref<512x64xf32, #tpu.memory_space<vmem>>) attributes {dimension_semantics = [#tpu.dimension_semantics<arbitrary>], iteration_bounds = array<i64: 32>, scalar_prefetch = 0 : i64, scratch_operands = 0 : i64, tpu.core_type = #tpu.core_type<tc>, window_params = [{transform_indices = @transform_0, window_bounds = array<i64: 512, 64>}, {pipeline_mode = #tpu.pipeline_mode<synchronous>, transform_indices = @transform_1, window_bounds = array<i64: 64, 64>}, {pipeline_mode = #tpu.pipeline_mode<synchronous>, transform_indices = @transform_2, window_bounds = array<i64: 1, 64>}, {transform_indices = @transform_3, window_bounds = array<i64: 512, 64>}]} {
    %get3A = arith.constant 0 : index
    %get3A_0 = arith.constant 0 : index
    %get3A_1 = vector.load %arg1[%get3A, %get3A_0] : memref<512x64xf32, #tpu.memory_space<vmem>>, vector<512x64xf32>
    %get3A_2 = arith.constant 0 : index
    %get3A_3 = arith.constant 0 : index
    %get3A_4 = vector.load %arg2[%get3A_2, %get3A_3] : memref<64x64xf32, #tpu.memory_space<vmem>>, vector<64x64xf32>
    %dot_general3A = arith.constant dense<0.000000e+00> : vector<512x64xf32>
    %dot_general3A_5 = tpu.matmul %get3A_1, %get3A_4, %dot_general3A {dimension_numbers = #tpu.dot_dimension_numbers<[1], [1], [0], [0], [0, 0, 1, 0], [], []>, transpose_lhs_hint = false} : vector<512x64xf32>, vector<64x64xf32>, vector<512x64xf32> -> vector<512x64xf32>
    %get3A_6 = arith.constant 0 : index
    %get3A_7 = arith.constant 0 : index
    %get3A_8 = vector.load %arg3[%get3A_6, %get3A_7] : memref<1x64xf32, #tpu.memory_space<vmem>>, vector<1x64xf32>
    %add3A = vector.broadcast %get3A_8 : vector<1x64xf32> to vector<512x64xf32>
    %add3A_9 = arith.addf %dot_general3A_5, %add3A : vector<512x64xf32>
    %mul3A = arith.mulf %add3A_9, %add3A_9 : vector<512x64xf32>
    %reduce_sum3A = arith.constant dense<0.000000e+00> : vector<512xf32>
    %reduce_sum3A_10 = vector.multi_reduction <add>, %mul3A, %reduce_sum3A [1] : vector<512x64xf32> to vector<512xf32>
    %broadcast_in_dim3A = vector.shape_cast %reduce_sum3A_10 : vector<512xf32> to vector<512x1xf32>
    %sqrt3A = math.sqrt %broadcast_in_dim3A : vector<512x1xf32>
    %max3A = arith.constant 9.99999996E-13 : f32
    %max3A_11 = vector.broadcast %max3A : f32 to vector<512x1xf32>
    %max3A_12 = arith.maximumf %sqrt3A, %max3A_11 : vector<512x1xf32>
    %div3A = vector.broadcast %max3A_12 : vector<512x1xf32> to vector<512x64xf32>
    %div3A_13 = arith.divf %add3A_9, %div3A : vector<512x64xf32>
    %swap3A = arith.constant 0 : index
    %swap3A_14 = arith.constant 0 : index
    %swap3A_15 = vector.load %arg4[%swap3A, %swap3A_14] : memref<512x64xf32, #tpu.memory_space<vmem>>, vector<512x64xf32>
    tpu.vector_store %arg4[%swap3A, %swap3A_14], %div3A_13 {strides = array<i32>} : memref<512x64xf32, #tpu.memory_space<vmem>>, vector<512x64xf32>,
    return
  }
  func.func @transform_0(%arg0: i32) -> (i32, i32) {
    %c0_i32 = arith.constant 0 : i32
    %c0_i32_0 = arith.constant 0 : i32
    return %arg0, %c0_i32 : i32, i32
  }
  func.func @transform_1(%arg0: i32) -> (i32, i32) {
    %c0_i32 = arith.constant 0 : i32
    %c0_i32_0 = arith.constant 0 : i32
    %c0_i32_1 = arith.constant 0 : i32
    return %c0_i32, %c0_i32_0 : i32, i32
  }
  func.func @transform_2(%arg0: i32) -> (i32, i32) {
    %c0_i32 = arith.constant 0 : i32
    %c0_i32_0 = arith.constant 0 : i32
    %c0_i32_1 = arith.constant 0 : i32
    return %c0_i32, %c0_i32_0 : i32, i32
  }
  func.func @transform_3(%arg0: i32) -> (i32, i32) {
    %c0_i32 = arith.constant 0 : i32
    %c0_i32_0 = arith.constant 0 : i32
    return %arg0, %c0_i32 : i32, i32
  }
}

</mosaic_0001>

<sc_bundles>
// kernel: kernel.5.cloned.1.call-start
scs
__scs_entry_jumppad:
0x0: {  	(pc) =	sbr.rel $0x88, $3  }
0x1: {  	(tag) =	ssettag $0x0;
	lr =	simm.s32 $0x1  }
0x2: {  	[smem:$0x3F9D] =	sst lr;
	_ =	strace $0xD0000000  }
0x3: {  	_ = 	snop  }
0x4: {  	_ = 	snop  }
0x5: {  	_ = 	snop  }
0x6: {  	_ = 	snop  }
0x7: {  	_ = 	snop  }
__scs_overlays_trampoline_lowered:
0x8: {  	[smem:$0x3FAC] =	sst s0  }
0x9: {  	[smem:$0x3FAD] =	sst s1  }
0xa: {  	[smem:$0x3FAE] =	sst s2  }
0xb: {  	[smem:$0x3FAF] =	sst s3  }
0xc: {  	[smem:$0x3FB0] =	sst s4  }
0xd: {  	[smem:$0x3FB1] =	sst s5  }
0xe: {  	[smem:$0x3FB2] =	sst s6  }
0xf: {  	[smem:$0x3FB3] =	sst s7  }
0x10: {  	[smem:$0x3FB4] =	sst s8  }
0x11: {  	[smem:$0x3FB5] =	sst s9;
	s0 =	simm.s32 @!p0 $0x0  }
0x12: {  	s1 =	sld [smem:$0x3F9B];
	s0 =	simm.s32 @p0 $0x1  }
0x13: {  	[smem:$0x3FB6] =	sst s0;
	s0 =	simm.s32 @!p1 $0x0  }
0x14: {  	s2 =	sld [smem:$0x3F9A];
	s0 =	simm.s32 @p1 $0x1  }
0x15: {  	[smem:$0x3FB7] =	sst s0;
	s0 =	simm.s32 @!p2 $0x0  }
0x16: {  	s3 =	sld [smem:$0x3FDB];
	s0 =	simm.s32 @p2 $0x1  }
0x17: {  	s4 =	simm.s32 $0x1BF5;
	[smem:$0x3FB9] =	sst s0  }
0x18: {  	s0 =	sld [smem:$0x3F9C];
	_ =	swait.ge [sflag:s4], $0x0  }
0x19: {  	s7 =	sld [smem:$0x3F9D]  }
0x1a: {  	s8 =	sadd.s32 $0xFFFFE003, lr  }
0x1b: {  	s9 =	sadd.s32 $0xFFFFFEF7, lr;
	s5 =	simm.s32 $0xFFFFFFFF;
	p2 =	slt.u32 s8, $0xFFFFF086  }
0x1c: {  	p1 =	slt.u32 s9, $0xF7A;
	s5 =	simm.s32 @!p2 $0x0  }
0x1d: {  	s5 =	simm.s32 @p1 $0x1;
	p0 =	seq.s32 s7, s2  }
0x1e: {  	s7 =	smul.u32 @!p0 $0xF7A, s2;
	p2 =	seq.s32 @!p0 s5, $0x0  }
0x1f: {  	s9 =	smul.u32 $0xF7A, s1;
	s8 =	simm.s32 @!p0 $0x1BF5;
	p2 =	por !p2, p0  }
0x20: {  	[sflag:s8] =	ssyncset.s32 @!p0 $0xFFFFF086;
	s6 =	sadd.s32 @!p0 s3, s7;
	s7 =	simm.s32 @!p0 $0x108  }
0x21: {  	s3 =	sadd.s32 s3, s9;
	s6 =	sadd.s32 @!p0 $0x88, s6;
	s7 =	simm.s32 @p2 $0x1082  }
0x22: {  	[simem:s7], [sflag:s8] =	dma.local @!p0 [hbm:s6], $0xF7A  }
0x23: {  	s9 =	sor.u32 $0xD0000000, s2;
	s6 =	simm.s32 $0x108;
	_ =	swait.ge @!p0 [sflag:s8], $0x0  }
0x24: {  	s3 =	sadd.s32 $0x88, s3;
	s6 =	simm.s32 @!p1 $0x1082;
	[sflag:s4] =	ssyncset.s32 $0xFFFFF086  }
0x25: {  	[simem:s6], [sflag:s4] =	dma.local [hbm:s3], $0xF7A  }
0x26: {  	[smem:$0x3F9D] =	sst s1;
	(tag) =	ssettag s2;
	_ =	strace s9  }
0x27: {  	s1 =	sld [smem:$0x3FAD]  }
0x28: {  	s2 =	sld [smem:$0x3FAE]  }
0x29: {  	s4 =	sld [smem:$0x3FB0]  }
0x2a: {  	p0 =	seq.s32 s5, $0x0;
	s5 =	sld [smem:$0x3FB1]  }
0x2b: {  	s6 =	sld [smem:$0x3FB2]  }
0x2c: {  	s7 =	sld [smem:$0x3FB3]  }
0x2d: {  	s3 =	simm.s32 $0x108;
	s8 =	sld [smem:$0x3FB4]  }
0x2e: {  	s3 =	simm.s32 @!p0 $0x1082;
	s9 =	sld [smem:$0x3FB5]  }
0x2f: {  	lr =	sadd.s32 s0, s3;
	s0 =	sld [smem:$0x3FAC]  }
0x30: {  	s3 =	sld [smem:$0x3FAF]  }
0x31: {  	[smem:$0x3FB8] =	sst s10  }
0x32: {  	s10 =	sld [smem:$0x3FB6];
	_ =	sdelay $0x3  }
0x33: {  	p0 =	seq.s32 s10, $0x1;
	s10 =	sld [smem:$0x3FB8];
	_ =	sdelay $0x3  }
0x34: {  	[smem:$0x3FB8] =	sst s10  }
0x35: {  	s10 =	sld [smem:$0x3FB7];
	_ =	sdelay $0x3  }
0x36: {  	p1 =	seq.s32 s10, $0x1;
	s10 =	sld [smem:$0x3FB8];
	_ =	sdelay $0x3  }
0x37: {  	[smem:$0x3FB8] =	sst s10  }
0x38: {  	s10 =	sld [smem:$0x3FB9]  }
0x39: {  	_ = 	snop;
	(pc) =	sbr.ind lr, $3  }
0x3a: {  	_ = 	snop  }
0x3b: {  	_ = 	snop  }
0x3c: {  	p2 =	seq.s32 s10, $0x1;
	s10 =	sld [smem:$0x3FB8]  }
0x3d: {  	_ =	shalt  }
0x3e: {  	_ =	shalt  }
0x3f: {  	_ =	shalt  }
0x40: {  	_ =	shalt  }
0x41: {  	_ =	shalt  }
0x42: {  	_ =	shalt  }
0x43: {  	_ =	shalt  }
0x44: {  	_ =	shalt  }
0x45: {  	_ =	shalt  }
0x46: {  	_ =	shalt  }
0x47: {  	_ =	shalt  }
0x48: {  	_ =	shalt  }
0x49: {  	_ =	shalt  }
0x4a: {  	_ =	shalt  }
0x4b: {  	_ =	shalt  }
0x4c: {  	_ =	shalt  }
0x4d: {  	_ =	shalt  }
0x4e: {  	_ =	shalt  }
0x4f: {  	_ =	shalt  }
0x50: {  	_ =	shalt  }
0x51: {  	_ =	shalt  }
0x52: {  	_ =	shalt  }
0x53: {  	_ =	shalt  }
0x54: {  	_ =	shalt  }
0x55: {  	_ =	shalt  }
0x56: {  	_ =	shalt  }
0x57: {  	_ =	shalt  }
0x58: {  	_ =	shalt  }
0x59: {  	_ =	shalt  }
0x5a: {  	_ =	shalt  }
0x5b: {  	_ =	shalt  }
0x5c: {  	_ =	shalt  }
0x5d: {  	_ =	shalt  }
0x5e: {  	_ =	shalt  }
0x5f: {  	_ =	shalt  }
0x60: {  	_ =	shalt  }
0x61: {  	_ =	shalt  }
0x62: {  	_ =	shalt  }
0x63: {  	_ =	shalt  }
0x64: {  	_ =	shalt  }
0x65: {  	_ =	shalt  }
0x66: {  	_ =	shalt  }
0x67: {  	_ =	shalt  }
0x68: {  	_ =	shalt  }
0x69: {  	_ =	shalt  }
0x6a: {  	_ =	shalt  }
0x6b: {  	_ =	shalt  }
0x6c: {  	_ =	shalt  }
0x6d: {  	_ =	shalt  }
0x6e: {  	_ =	shalt  }
0x6f: {  	_ =	shalt  }
0x70: {  	_ =	shalt  }
0x71: {  	_ =	shalt  }
0x72: {  	_ =	shalt  }
0x73: {  	_ =	shalt  }
0x74: {  	_ =	shalt  }
0x75: {  	_ =	shalt  }
0x76: {  	_ =	shalt  }
0x77: {  	_ =	shalt  }
0x78: {  	_ =	shalt  }
0x79: {  	_ =	shalt  }
0x7a: {  	_ =	shalt  }
0x7b: {  	_ =	shalt  }
0x7c: {  	_ =	shalt  }
0x7d: {  	_ =	shalt  }
0x7e: {  	_ =	shalt  }
0x7f: {  	_ =	shalt  }
0x80: {  	_ =	shalt  }
0x81: {  	_ =	shalt  }
0x82: {  	_ =	shalt  }
0x83: {  	_ =	shalt  }
0x84: {  	_ =	shalt  }
0x85: {  	_ =	shalt  }
0x86: {  	_ =	shalt  }
0x87: {  	_ =	shalt  }
.Lfunc_end0:
.L_simem_size_0:
called_computation_lowered:
.L_overlay_start_0:
0x88: {  	s2 =	sld [smem:$0x3FD9]  }
0x89: {  	s3 =	sld [smem:$0x3FFE];
	_ =	sdelay $0x1  }
0x8a: {  	s1 =	srdreg.scid  }
0x8b: {  	s0 =	sand.u32 $0x1, s1  }
0x8c: {  	s17 =	sshll.u32 s0, $0xA;
	s2 =	sadd.s32 s3, s2  }
0x8d: {  	s2 =	sadd.s32 s2, s17  }
0x8e: {  	[smem:$0x3FC4] =	sst s2  }
0x8f: {  	_ = 	snop  }
0x90: {  	s2 =	sld [smem:$0x3FD0];
	(tm) =	ssettm $0x1  }
0x91: {  	s18 =	sld [smem:$0x3FFB];
	_ =	sdelay $0x3  }
0x92: {  	_ =	strace s18  }
0x93: {  	s3 =	sld [smem:$0x3FFC];
	_ =	sdelay $0x3  }
0x94: {  	_ =	strace s3  }
0x95: {  	s3 =	sld [smem:$0x3FFD];
	_ =	sdelay $0x3  }
0x96: {  	_ =	strace s3  }
0x97: {  	_ =	strace $0x8FFFFFFF  }
0x98: {  	s19 =	sld [smem:$0x3FDB];
	_ =	sdelay $0x1  }
0x99: {  	s4 =	simm.s32 $_scs_section_size  }
0x9a: {  	s5 =	simm.s32 $_size__tile_overlayer_lowered;
	s6 =	simm.s32 $_tile_overlayer_lowered  }
0x9b: {  	s22 =	simm.s32 $0x1BFF;
	s21 =	sshll.u32 s6, $0x1;
	s3 =	sadd.s32 s4, s19  }
0x9c: {  	s7 =	simm.s32 $0x0;
	s20 =	sshll.u32 s5, $0x1;
	s5 =	sadd.s32 s21, s3  }
0x9d: {  	[timem:s7], [sflag:s22] =	dma.local [hbm:s5], s20  }
0x9e: {  	_ =	swait.ge [sflag:s22], s20  }
0x9f: {  	s4 =	ssub.s32 $0x0, s20;
	[sflag:s22] =	ssyncset.done $0x0  }
0xa0: {  	[sflag:s22] =	ssyncadd.s32 s4;
	_ =	sdelay $0x1  }
0xa1: {  	s23 =	simm.s32 $0x1B8B  }
0xa2: {  	_ =	swait.ge [sflag:s23], $0x1  }
0xa3: {  	[sflag:s23] =	ssyncset.done $0x0  }
0xa4: {  	s25 =	simm.s32 $0x1B8E;
	s24 =	sld [smem:$0x3FFE];
	[sflag:s23] =	ssyncadd.s32 $0xFFFFFFFF  }
0xa5: {  	s26 =	simm.s32 $execute0_lowered;
	[smem:$0x3FD2] =	sst s25  }
0xa6: {  	s5 =	sshll.u32 s26, $0x1;
	_ =	strace $0x80000046;
	[dreg:$0x1] =	wrdreg $0xFFFFFFFF  }
0xa7: {  	s28 =	simm.s32 $_size_execute0_lowered;
	s3 =	sadd.s32 s3, s5;
	[dreg:$0x0] =	wrdreg $0x0  }
0xa8: {  	s5 =	sshll.u32 s28, $0x1;
	[dreg:$0x2] =	wrdreg s3  }
0xa9: {  	[dreg:$0x3] =	wrdreg s5  }
0xaa: {  	[dreg:$0x4] =	wrdreg $0xC0  }
0xab: {  	_ =	task [dreg:s7], $0x5FFFF  }
0xac: {  	[dreg:$0x1] =	wrdreg $0xFFFFFFFF  }
0xad: {  	[dreg:$0x0] =	wrdreg $0x60  }
0xae: {  	[dreg:$0x2] =	wrdreg s24  }
0xaf: {  	[dreg:$0x3] =	wrdreg s2  }
0xb0: {  	[dreg:$0x4] =	wrdreg $0x9  }
0xb1: {  	_ =	task.clear_ibuf [dreg:s7], $0x5FFFF;
	_ =	strace $0x90000046  }
0xb2: {  	s29 =	simm.s32 $0x9;
	_ =	strace $0x80000048  }
0xb3: {  	_ =	swait.ge [sflag:s29], $0x1  }
0xb4: {  	[sflag:s29] =	ssyncadd.s32 $0xFFFFFFFF  }
0xb5: {  	_ =	strace $0x90000048  }
0xb6: {  	_ =	sfence  }
0xb7: {  	s30 =	sld [smem:$0x0];
	_ =	sdelay $0x2  }
0xb8: {  	s31 =	sshll.u32 s1, $0xD;
	s1 =	sshrl.u32 s1, $0x2  }
0xb9: {  	s3 =	sand.u32 $0x4000, s31;
	s1 =	sadd.s32 s1, s30  }
0xba: {  	s0 =	sor.u32 s3, s0;
	s1 =	sshll.u32 s1, $0x11  }
0xbb: {  	s0 =	sor.u32 s1, s0  }
0xbc: {  	s0 =	sadd.s32 $0x8F2B, s0  }
0xbd: {  	[sflag:s0] =	ssyncadd.remote.s32 $0x1  }
0xbe: {  	_ =	sfence.sel $0xFFFF  }
0xbf: {  	[dreg:$0x0] =	wrdreg $0xFFFFFFFF;
	(pc) =	sbr.abs _section_cstart, $3  }
0xc0: {  	[dreg:$0x1] =	wrdreg $0xFFFFFFFF  }
0xc1: {  	_ =	task.clear_ibuf [dreg:s7], $0x2FFFF;
	_ =	strace $0x9FFFFFFF  }
0xc2: {  	(tm) =	ssettm $0x7FFFFFFF  }
0xc3: {  	_ =	shalt  }
tec
execute0_lowered:
.L_overlay_start_1:
0x0: {  	(tag) =	ssettag $0x1  }
0x1: {  	s0 =	rddreg [dreg:$0x0]  }
0x2: {  	s8 =	rddreg [dreg:$0x1];
	s3 =	srdreg.scid  }
0x3: {  	s2 =	simm.s32 $0x0;
	s1 =	stileid.u32;
	s11 =	simm.s32 $0x5  }
0x4: {  	s12 =	simm.s32 $0xC8;
	s13 =	simm.s32 $0x3200;
	s14 =	simm.s32 $0x6400  }
0x5: {  	s15 =	simm.s32 $0x190;
	s16 =	simm.s32 $0x9600;
	s17 =	simm.s32 $0xC800  }
0x6: {  	s18 =	simm.s32 $0x1;
	s19 =	simm.s32 $0x6;
	s20 =	simm.s32 $0x2  }
0x7: {  	s21 =	simm.s32 $0x3;
	s22 =	simm.s32 $0x4;
	s23 =	simm.s32 $0x0  }
0x8: {  	s6 =	sand.u32 $0x1, s3;
	[smem:$0x7FF] =	sst s2;
	s4 =	sshll.u32 s1, $0xA  }
.Ltmp0:
0x9: {  	s3 =	sadd.s32 $0x800, s0;
	s5 =	sshll.u32 s6, $0x9;
	(pc) =	sbr.rel .LBB2_1-.Ltmp0, $4  }
0xa: {  	_ =	strace $0x80000047;
	s7 =	ssub.s32 $0x2, s6;
	s4 =	sor.u32 s5, s4  }
0xb: {  	s6 =	sadd.s32 $0x814800, s0;
	s31 =	sshrl.u32 s7, $0x1;
	s9 =	smul.u32 $0x19, s4  }
0xc: {  	s5 =	sadd.s32 $0x64800, s0;
	s10 =	sshll.u32 s4, $0x3;
	s0 =	ssub.s32 s7, s31  }
0xd: {  	s8 =	sadd.s32 s8, s10;
	s7 =	sadd.s32 s3, s9;
	s9 =	smax.u32 s0, $0x1  }
.LBB2_16:
0xe: {  	s23 =	sadd.s32 $0x1, s23  }
0xf: {  	p0 =	sne.s32 s23, s9  }
.Ltmp1:
0x10: {  	_ = 	snop;
	(pc) =	sbr.rel @!p0 .LBB2_17-.Ltmp1, $1  }
0x11: {  	_ =	sdelay $0x3  }
.LBB2_1:
0x12: {  	s0 =	simm.s32 $0x10200  }
0x13: {  	[tilespmem:s0], [sflag:$0x5] =	stream.linear.gather [hbm4b:s6+s2], $0x1, $0x38;
	[tilespmem:$0x10210] =	vst v63  }
0x14: {  	_ =	swait.ge [sflag:s11], $0x1  }
0x15: {  	[sflag:s11] =	ssyncset.done $0x0  }
0x16: {  	[sflag:s11] =	ssyncadd.s32 $0xFFFFFFFF  }
0x17: {  	v0 =	vld.msk [tilespmem:$0x10200 ss:$0x0], $0xffff;
	[tilespmem:s2], [sflag:$0x5] =	stream.linear.gather [hbm4b:s7+s2], $0x1900, $0x38  }
0x18: {  	_ =	swait.ge [sflag:s11], $0x1900  }
0x19: {  	[sflag:s11] =	ssyncset.done $0x0  }
0x1a: {  	[sflag:s11] =	ssyncadd.s32 $0xFFFFE700  }
0x1b: {  	[tilespmem:s13], [sflag:$0x1] =	stream.indirect.gather [hbm4b:s5+s12], $0x40, s2, s12, $0xb8;
	[tilespmem:$0x10210] =	vst v63  }
0x1c: {  	_ = 	snop  }
0x1d: {  	[tilespmem:s14], [sflag:$0x2] =	stream.indirect.gather [hbm4b:s5+s12], $0x40, s12, s12, $0xb8;
	[tilespmem:$0x10210] =	vst v63  }
0x1e: {  	s24 =	simm.s32 $0x0  }
0x1f: {  	[tilespmem:s16], [sflag:$0x3] =	stream.indirect.gather [hbm4b:s5+s12], $0x40, s15, s12, $0xb8;
	[tilespmem:$0x10210] =	vst v63  }
.LBB2_2:
0x20: {  	s29 =	sshll.u32 s24, $0x2  }
0x21: {  	s26 =	sand.u32 $0x1C, s29  }
0x22: {  	s25 =	sshrl.u32 s24, $0x3;
	s28 =	sor.u32 $0x3, s26  }
0x23: {  	s0 =	sand.u32 $0x1, s25;
	s30 =	smul.u32 $0x320, s28  }
0x24: {  	p0 =	seq.s32 s0, $0x1;
	s0 =	simm.s32 $0x1900  }
0x25: {  	s0 =	simm.s32 @!p0 $0x0;
	s30 =	sshrl.u32 s30, $0x2  }
0x26: {  	s0 =	sadd.s32 s30, s0  }
0x27: {  	[tilespmem:s17], [sflag:$0x4] =	stream.indirect.gather [hbm4b:s5+s12], $0x40, s0, s12, $0xb8;
	[tilespmem:$0x10210] =	vst v63  }
0x28: {  	_ =	swait.ge [sflag:s18], $0x3200  }
0x29: {  	[sflag:s18] =	ssyncset.done $0x0  }
0x2a: {  	s10 =	simm.s32 $0x3340;
	[sflag:s18] =	ssyncadd.s32 $0xFFFFCE00  }
0x2b: {  	v1 =	vld [tilespmem:s10+$0x100]  }
0x2c: {  	v2 =	vld [tilespmem:s10+$0x110]  }
0x2d: {  	v3 =	vld [tilespmem:s10+$0xC0]  }
0x2e: {  	v4 =	vld [tilespmem:s10+$0xD0]  }
0x2f: {  	v10 =	vld [tilespmem:s10+$0x80]  }
0x30: {  	v13 =	vld [tilespmem:s10+$0x90]  }
0x31: {  	v8 =	vld [tilespmem:s10+$0x40]  }
0x32: {  	v9 =	vld [tilespmem:s10+$0x50]  }
0x33: {  	v6 =	vld [tilespmem:s10+$0x0]  }
0x34: {  	v7 =	vld [tilespmem:s10+$0x10]  }
0x35: {  	v5 =	vld [tilespmem:s10+$0xFFFFFFC0]  }
0x36: {  	v11 =	vld [tilespmem:s10+$0xFFFFFFD0]  }
0x37: {  	v12 =	vld [tilespmem:s10+$0xFFFFFF80]  }
0x38: {  	v14 =	vld [tilespmem:s10+$0xFFFFFF90]  }
0x39: {  	v15 =	vld [tilespmem:s10+$0xFFFFFF40]  }
0x3a: {  	v16 =	vld [tilespmem:s10+$0xFFFFFF50]  }
0x3b: {  	v17 =	vld [tilespmem:s10+$0xFFFFFF00]  }
0x3c: {  	v18 =	vld [tilespmem:s10+$0xFFFFFF10]  }
0x3d: {  	v19 =	vld [tilespmem:s10+$0xFFFFFEC0]  }
0x3e: {  	v20 =	vld [tilespmem:s10+$0xFFFFFED0]  }
0x3f: {  	v21 =	vld [tilespmem:s10+$0xFFFFFEE0]  }
0x40: {  	v22 =	vld [tilespmem:s10+$0xFFFFFEF0]  }
0x41: {  	v23 =	vld [tilespmem:s10+$0xFFFFFF20]  }
0x42: {  	v24 =	vld [tilespmem:s10+$0xFFFFFF30]  }
0x43: {  	v25 =	vimm.f32 $0.0e+00;
	v26 =	vld [tilespmem:s10+$0xFFFFFF60]  }
0x44: {  	v27 =	vld [tilespmem:s10+$0xFFFFFF70];
	v19 =	vadd.f32 v19, v25;
	v20 =	vadd.f32 v20, v25  }
0x45: {  	v50 =	vld [tilespmem:s10+$0xFFFFFFA0];
	v21 =	vadd.f32 v21, v25;
	v22 =	vadd.f32 v22, v25  }
0x46: {  	v51 =	vld [tilespmem:s10+$0xFFFFFFB0];
	v17 =	vadd.f32 v17, v19;
	v18 =	vadd.f32 v18, v20  }
0x47: {  	v54 =	vld [tilespmem:s10+$0xFFFFFFE0];
	v52 =	vadd.f32 v23, v21;
	v53 =	vadd.f32 v24, v22  }
0x48: {  	v55 =	vld [tilespmem:s10+$0xFFFFFFF0];
	v15 =	vadd.f32 v15, v17;
	v16 =	vadd.f32 v16, v18  }
0x49: {  	v58 =	vld [tilespmem:s10+$0x20];
	v56 =	vadd.f32 v26, v52;
	v57 =	vadd.f32 v27, v53  }
0x4a: {  	v12 =	vadd.f32 v12, v15;
	v14 =	vadd.f32 v14, v16;
	v15 =	vld [tilespmem:s10+$0x30]  }
0x4b: {  	v61 =	vld [tilespmem:s10+$0x60];
	v59 =	vadd.f32 v50, v56;
	v60 =	vadd.f32 v51, v57  }
0x4c: {  	v12 =	vadd.f32 v5, v12;
	v11 =	vadd.f32 v11, v14;
	v14 =	vld [tilespmem:s10+$0x70]  }
0x4d: {  	v16 =	vadd.f32 v54, v59;
	v17 =	vadd.f32 v55, v60;
	v5 =	vld [tilespmem:s10+$0xA0]  }
0x4e: {  	v12 =	vadd.f32 v6, v12;
	v11 =	vadd.f32 v7, v11;
	v7 =	vld [tilespmem:s10+$0xB0]  }
0x4f: {  	v16 =	vadd.f32 v58, v16;
	v6 =	vld [tilespmem:s10+$0xE0];
	v15 =	vadd.f32 v15, v17  }
0x50: {  	v62 =	vadd.f32 v8, v12;
	v63 =	vadd.f32 v9, v11;
	v9 =	vld [tilespmem:s10+$0xF0]  }
0x51: {  	v12 =	vadd.f32 v61, v16;
	v8 =	vld [tilespmem:s10+$0x120];
	v11 =	vadd.f32 v14, v15  }
0x52: {  	s31 =	simm.s32 $0x35C0;
	s30 =	simm.s32 $0x0;
	v14 =	vadd.f32 v10, v62;
	v13 =	vadd.f32 v13, v63;
	v10 =	vld [tilespmem:s10+$0x130]  }
.LBB2_3:
0x53: {  	v15 =	vld [tilespmem:s31+$0x100];
	v5 =	vadd.f32 v5, v12;
	v7 =	vadd.f32 v7, v11  }
0x54: {  	v11 =	vld [tilespmem:s31+$0x110];
	v12 =	vadd.f32 v3, v14;
	v13 =	vadd.f32 v4, v13  }
0x55: {  	v3 =	vld [tilespmem:s31+$0xC0];
	v5 =	vadd.f32 v6, v5;
	v6 =	vadd.f32 v9, v7  }
0x56: {  	v4 =	vld [tilespmem:s31+$0xD0];
	v7 =	vadd.f32 v1, v12;
	v9 =	vadd.f32 v2, v13  }
0x57: {  	v13 =	vld [tilespmem:s31+$0x80];
	v5 =	vadd.f32 v8, v5;
	v6 =	vadd.f32 v10, v6  }
0x58: {  	v10 =	vld [tilespmem:s31+$0x90];
	v1 =	vmov v15  }
0x59: {  	v8 =	vld [tilespmem:s31+$0x40];
	v2 =	vmov v11  }
0x5a: {  	v11 =	vld [tilespmem:s31+$0x50]  }
0x5b: {  	v12 =	vld [tilespmem:s31+$0x0]  }
0x5c: {  	v14 =	vld [tilespmem:s31+$0x10]  }
0x5d: {  	v15 =	vld [tilespmem:s31+$0xFFFFFFC0]  }
0x5e: {  	v16 =	vld [tilespmem:s31+$0xFFFFFFD0]  }
0x5f: {  	v17 =	vld [tilespmem:s31+$0xFFFFFF80]  }
0x60: {  	v18 =	vld [tilespmem:s31+$0xFFFFFF90]  }
0x61: {  	v19 =	vld [tilespmem:s31+$0xFFFFFF40]  }
0x62: {  	v20 =	vld [tilespmem:s31+$0xFFFFFF50]  }
0x63: {  	v21 =	vld [tilespmem:s31+$0xFFFFFF00]  }
0x64: {  	v22 =	vld [tilespmem:s31+$0xFFFFFF10]  }
0x65: {  	v23 =	vld [tilespmem:s31+$0xFFFFFEC0]  }
0x66: {  	v24 =	vld [tilespmem:s31+$0xFFFFFED0]  }
0x67: {  	v25 =	vld [tilespmem:s31+$0xFFFFFEE0]  }
0x68: {  	s30 =	sadd.s32 $0xA, s30;
	v26 =	vld [tilespmem:s31+$0xFFFFFEF0]  }
0x69: {  	p0 =	slt.u32 s30, $0xBE;
	v27 =	vld [tilespmem:s31+$0xFFFFFF20]  }
0x6a: {  	v28 =	vld [tilespmem:s31+$0xFFFFFF30]  }
0x6b: {  	v29 =	vld [tilespmem:s31+$0xFFFFFF60]  }
0x6c: {  	v7 =	vadd.f32 v23, v7;
	v9 =	vadd.f32 v24, v9;
	v23 =	vld [tilespmem:s31+$0xFFFFFF70]  }
0x6d: {  	v5 =	vadd.f32 v25, v5;
	v6 =	vadd.f32 v26, v6;
	v24 =	vld [tilespmem:s31+$0xFFFFFFA0]  }
0x6e: {  	v7 =	vadd.f32 v21, v7;
	v9 =	vadd.f32 v22, v9;
	v21 =	vld [tilespmem:s31+$0xFFFFFFB0]  }
0x6f: {  	v5 =	vadd.f32 v27, v5;
	v6 =	vadd.f32 v28, v6;
	v22 =	vld [tilespmem:s31+$0xFFFFFFE0]  }
0x70: {  	v7 =	vadd.f32 v19, v7;
	v9 =	vadd.f32 v20, v9;
	v19 =	vld [tilespmem:s31+$0xFFFFFFF0]  }
0x71: {  	v5 =	vadd.f32 v29, v5;
	v6 =	vadd.f32 v23, v6;
	v20 =	vld [tilespmem:s31+$0x20]  }
0x72: {  	v7 =	vadd.f32 v17, v7;
	v9 =	vadd.f32 v18, v9;
	v17 =	vld [tilespmem:s31+$0x30]  }
0x73: {  	v5 =	vadd.f32 v24, v5;
	v6 =	vadd.f32 v21, v6;
	v18 =	vld [tilespmem:s31+$0x60]  }
0x74: {  	v7 =	vadd.f32 v15, v7;
	v9 =	vadd.f32 v16, v9;
	v15 =	vld [tilespmem:s31+$0x70]  }
0x75: {  	v16 =	vadd.f32 v22, v5;
	v6 =	vadd.f32 v19, v6;
	v5 =	vld [tilespmem:s31+$0xA0]  }
.Ltmp2:
0x76: {  	v12 =	vadd.f32 v12, v7;
	v9 =	vadd.f32 v14, v9;
	v7 =	vld [tilespmem:s31+$0xB0];
	(pc) =	sbr.rel @p0 .LBB2_3-.Ltmp2, $4  }
0x77: {  	v14 =	vadd.f32 v20, v16;
	v16 =	vadd.f32 v17, v6;
	v6 =	vld [tilespmem:s31+$0xE0]  }
0x78: {  	v17 =	vadd.f32 v8, v12;
	v19 =	vadd.f32 v11, v9;
	v9 =	vld [tilespmem:s31+$0xF0]  }
0x79: {  	v12 =	vadd.f32 v18, v14;
	v11 =	vadd.f32 v15, v16;
	v8 =	vld [tilespmem:s31+$0x120]  }
0x7a: {  	v14 =	vadd.f32 v13, v17;
	v13 =	vadd.f32 v10, v19;
	v10 =	vld [tilespmem:s31+$0x130];
	s31 =	sadd.s32 $0x280, s31  }
0x7b: {  	_ = 	snop  }
0x7c: {  	v5 =	vadd.f32 v5, v12;
	v3 =	vadd.f32 v3, v14  }
0x7d: {  	v7 =	vadd.f32 v7, v11;
	s0 =	sshll.u32 s24, $0x8;
	s31 =	sadd.s32 $0x4, s29;
	v4 =	vadd.f32 v4, v13  }
0x7e: {  	p0 =	seq.s32 s24, $0x7F;
	s30 =	sand.u32 $0x700, s0;
	s0 =	sand.u32 $0x1C, s31;
	v5 =	vadd.f32 v6, v5;
	v1 =	vadd.f32 v1, v3  }
0x7f: {  	p1 =	sne.s32 @!p0 s0, $0x0;
	v3 =	vadd.f32 v9, v7;
	v2 =	vadd.f32 v2, v4  }
0x80: {  	p1 =	por p0, p1;
	v63 =	vadd.f32 v8, v5;
	v1 =	vmul.f32 v1, v0  }
.Ltmp3:
0x81: {  	v3 =	vadd.f32 v10, v3;
	v2 =	vmul.f32 v2, v0;
	(pc) =	sbr.rel @p1 .LBB2_6-.Ltmp3, $4  }
0x82: {  	[tilespmem:s30+$0xFA00] =	vst v1;
	v1 =	vmul.f32 v63, v0  }
0x83: {  	[tilespmem:s30+$0xFA10] =	vst v2;
	v2 =	vmul.f32 v3, v0  }
0x84: {  	[tilespmem:s30+$0xFA20] =	vst v1  }
0x85: {  	[tilespmem:s30+$0xFA30] =	vst v2  }
0x86: {  	s1 =	sadd.s32 s4, s31  }
0x87: {  	s10 =	sshll.u32 s31, $0x1A;
	s1 =	smul.u32 $0x19, s1  }
0x88: {  	s10 =	sshra.s32 s10, $0x1F  }
0x89: {  	s10 =	sand.u32 $0x1900, s10;
	s1 =	sadd.s32 s3, s1  }
0x8a: {  	[tilespmem:s10], [sflag:$0x6] =	stream.linear.gather [hbm4b:s1+s2], $0x1900, $0x38;
	[tilespmem:$0x10210] =	vst v63  }
0x8b: {  	_ =	swait.ge [sflag:s19], $0x1900  }
0x8c: {  	[sflag:s19] =	ssyncset.done $0x0  }
0x8d: {  	s31 =	sand.u32 $0x20, s31;
	[sflag:s19] =	ssyncadd.s32 $0xFFFFE700  }
.LBB2_8:
0x8e: {  	s0 =	smul.u32 $0x320, s0  }
0x8f: {  	p1 =	seq.s32 s31, $0x0;
	s1 =	simm.s32 $0x0  }
0x90: {  	s1 =	simm.s32 @!p1 $0x1900;
	s0 =	sshrl.u32 s0, $0x2  }
0x91: {  	s0 =	sadd.s32 s0, s1  }
0x92: {  	[tilespmem:s13], [sflag:$0x1] =	stream.indirect.gather [hbm4b:s5+s12], $0x40, s0, s12, $0xb8;
	[tilespmem:$0x10210] =	vst v63  }
.LBB2_9:
0x93: {  	_ =	swait.ge [sflag:s20], $0x3200  }
0x94: {  	[sflag:s20] =	ssyncset.done $0x0  }
0x95: {  	s0 =	simm.s32 $0x6540;
	[sflag:s20] =	ssyncadd.s32 $0xFFFFCE00  }
0x96: {  	v1 =	vld [tilespmem:s0+$0x100]  }
0x97: {  	v2 =	vld [tilespmem:s0+$0x110]  }
0x98: {  	v3 =	vld [tilespmem:s0+$0xC0]  }
0x99: {  	v4 =	vld [tilespmem:s0+$0xD0]  }
0x9a: {  	v10 =	vld [tilespmem:s0+$0x80]  }
0x9b: {  	v13 =	vld [tilespmem:s0+$0x90]  }
0x9c: {  	v8 =	vld [tilespmem:s0+$0x40]  }
0x9d: {  	v9 =	vld [tilespmem:s0+$0x50]  }
0x9e: {  	v6 =	vld [tilespmem:s0+$0x0]  }
0x9f: {  	v7 =	vld [tilespmem:s0+$0x10]  }
0xa0: {  	v5 =	vld [tilespmem:s0+$0xFFFFFFC0]  }
0xa1: {  	v11 =	vld [tilespmem:s0+$0xFFFFFFD0]  }
0xa2: {  	v12 =	vld [tilespmem:s0+$0xFFFFFF80]  }
0xa3: {  	v14 =	vld [tilespmem:s0+$0xFFFFFF90]  }
0xa4: {  	v15 =	vld [tilespmem:s0+$0xFFFFFF40]  }
0xa5: {  	v16 =	vld [tilespmem:s0+$0xFFFFFF50]  }
0xa6: {  	v17 =	vld [tilespmem:s0+$0xFFFFFF00]  }
0xa7: {  	v18 =	vld [tilespmem:s0+$0xFFFFFF10]  }
0xa8: {  	v19 =	vld [tilespmem:s0+$0xFFFFFEC0]  }
0xa9: {  	v20 =	vld [tilespmem:s0+$0xFFFFFED0]  }
0xaa: {  	v21 =	vld [tilespmem:s0+$0xFFFFFEE0]  }
0xab: {  	v22 =	vld [tilespmem:s0+$0xFFFFFEF0]  }
0xac: {  	v23 =	vld [tilespmem:s0+$0xFFFFFF20]  }
0xad: {  	v24 =	vld [tilespmem:s0+$0xFFFFFF30]  }
0xae: {  	v25 =	vimm.f32 $0.0e+00;
	v26 =	vld [tilespmem:s0+$0xFFFFFF60]  }
0xaf: {  	v27 =	vld [tilespmem:s0+$0xFFFFFF70];
	v19 =	vadd.f32 v19, v25;
	v20 =	vadd.f32 v20, v25  }
0xb0: {  	v50 =	vld [tilespmem:s0+$0xFFFFFFA0];
	v21 =	vadd.f32 v21, v25;
	v22 =	vadd.f32 v22, v25  }
0xb1: {  	v51 =	vld [tilespmem:s0+$0xFFFFFFB0];
	v17 =	vadd.f32 v17, v19;
	v18 =	vadd.f32 v18, v20  }
0xb2: {  	v54 =	vld [tilespmem:s0+$0xFFFFFFE0];
	v52 =	vadd.f32 v23, v21;
	v53 =	vadd.f32 v24, v22  }
0xb3: {  	v55 =	vld [tilespmem:s0+$0xFFFFFFF0];
	v15 =	vadd.f32 v15, v17;
	v16 =	vadd.f32 v16, v18  }
0xb4: {  	v58 =	vld [tilespmem:s0+$0x20];
	v56 =	vadd.f32 v26, v52;
	v57 =	vadd.f32 v27, v53  }
0xb5: {  	v12 =	vadd.f32 v12, v15;
	v14 =	vadd.f32 v14, v16;
	v15 =	vld [tilespmem:s0+$0x30]  }
0xb6: {  	v61 =	vld [tilespmem:s0+$0x60];
	v59 =	vadd.f32 v50, v56;
	v60 =	vadd.f32 v51, v57  }
0xb7: {  	v12 =	vadd.f32 v5, v12;
	v11 =	vadd.f32 v11, v14;
	v14 =	vld [tilespmem:s0+$0x70]  }
0xb8: {  	v16 =	vadd.f32 v54, v59;
	v17 =	vadd.f32 v55, v60;
	v5 =	vld [tilespmem:s0+$0xA0]  }
0xb9: {  	v12 =	vadd.f32 v6, v12;
	v11 =	vadd.f32 v7, v11;
	v7 =	vld [tilespmem:s0+$0xB0]  }
0xba: {  	v16 =	vadd.f32 v58, v16;
	v6 =	vld [tilespmem:s0+$0xE0];
	v15 =	vadd.f32 v15, v17  }
0xbb: {  	v62 =	vadd.f32 v8, v12;
	v63 =	vadd.f32 v9, v11;
	v9 =	vld [tilespmem:s0+$0xF0]  }
0xbc: {  	v12 =	vadd.f32 v61, v16;
	v8 =	vld [tilespmem:s0+$0x120];
	v11 =	vadd.f32 v14, v15  }
0xbd: {  	s31 =	simm.s32 $0x0;
	v14 =	vadd.f32 v10, v62;
	v13 =	vadd.f32 v13, v63;
	v10 =	vld [tilespmem:s0+$0x130];
	s0 =	simm.s32 $0x67C0  }
.LBB2_10:
0xbe: {  	v15 =	vld [tilespmem:s0+$0x100];
	v5 =	vadd.f32 v5, v12;
	v7 =	vadd.f32 v7, v11  }
0xbf: {  	v11 =	vld [tilespmem:s0+$0x110];
	v12 =	vadd.f32 v3, v14;
	v13 =	vadd.f32 v4, v13  }
0xc0: {  	v3 =	vld [tilespmem:s0+$0xC0];
	v5 =	vadd.f32 v6, v5;
	v6 =	vadd.f32 v9, v7  }
0xc1: {  	v4 =	vld [tilespmem:s0+$0xD0];
	v7 =	vadd.f32 v1, v12;
	v9 =	vadd.f32 v2, v13  }
0xc2: {  	v13 =	vld [tilespmem:s0+$0x80];
	v5 =	vadd.f32 v8, v5;
	v6 =	vadd.f32 v10, v6  }
0xc3: {  	v10 =	vld [tilespmem:s0+$0x90];
	v1 =	vmov v15  }
0xc4: {  	v8 =	vld [tilespmem:s0+$0x40];
	v2 =	vmov v11  }
0xc5: {  	v11 =	vld [tilespmem:s0+$0x50]  }
0xc6: {  	v12 =	vld [tilespmem:s0+$0x0]  }
0xc7: {  	v14 =	vld [tilespmem:s0+$0x10]  }
0xc8: {  	v15 =	vld [tilespmem:s0+$0xFFFFFFC0]  }
0xc9: {  	v16 =	vld [tilespmem:s0+$0xFFFFFFD0]  }
0xca: {  	v17 =	vld [tilespmem:s0+$0xFFFFFF80]  }
0xcb: {  	v18 =	vld [tilespmem:s0+$0xFFFFFF90]  }
0xcc: {  	v19 =	vld [tilespmem:s0+$0xFFFFFF40]  }
0xcd: {  	v20 =	vld [tilespmem:s0+$0xFFFFFF50]  }
0xce: {  	v21 =	vld [tilespmem:s0+$0xFFFFFF00]  }
0xcf: {  	v22 =	vld [tilespmem:s0+$0xFFFFFF10]  }
0xd0: {  	v23 =	vld [tilespmem:s0+$0xFFFFFEC0]  }
0xd1: {  	v24 =	vld [tilespmem:s0+$0xFFFFFED0]  }
0xd2: {  	v25 =	vld [tilespmem:s0+$0xFFFFFEE0]  }
0xd3: {  	s31 =	sadd.s32 $0xA, s31;
	v26 =	vld [tilespmem:s0+$0xFFFFFEF0]  }
0xd4: {  	p1 =	slt.u32 s31, $0xBE;
	v27 =	vld [tilespmem:s0+$0xFFFFFF20]  }
0xd5: {  	v28 =	vld [tilespmem:s0+$0xFFFFFF30]  }
0xd6: {  	v29 =	vld [tilespmem:s0+$0xFFFFFF60]  }
0xd7: {  	v7 =	vadd.f32 v23, v7;
	v9 =	vadd.f32 v24, v9;
	v23 =	vld [tilespmem:s0+$0xFFFFFF70]  }
0xd8: {  	v5 =	vadd.f32 v25, v5;
	v6 =	vadd.f32 v26, v6;
	v24 =	vld [tilespmem:s0+$0xFFFFFFA0]  }
0xd9: {  	v7 =	vadd.f32 v21, v7;
	v9 =	vadd.f32 v22, v9;
	v21 =	vld [tilespmem:s0+$0xFFFFFFB0]  }
0xda: {  	v5 =	vadd.f32 v27, v5;
	v6 =	vadd.f32 v28, v6;
	v22 =	vld [tilespmem:s0+$0xFFFFFFE0]  }
0xdb: {  	v7 =	vadd.f32 v19, v7;
	v9 =	vadd.f32 v20, v9;
	v19 =	vld [tilespmem:s0+$0xFFFFFFF0]  }
0xdc: {  	v5 =	vadd.f32 v29, v5;
	v6 =	vadd.f32 v23, v6;
	v20 =	vld [tilespmem:s0+$0x20]  }
0xdd: {  	v7 =	vadd.f32 v17, v7;
	v9 =	vadd.f32 v18, v9;
	v17 =	vld [tilespmem:s0+$0x30]  }
0xde: {  	v5 =	vadd.f32 v24, v5;
	v6 =	vadd.f32 v21, v6;
	v18 =	vld [tilespmem:s0+$0x60]  }
0xdf: {  	v7 =	vadd.f32 v15, v7;
	v9 =	vadd.f32 v16, v9;
	v15 =	vld [tilespmem:s0+$0x70]  }
0xe0: {  	v16 =	vadd.f32 v22, v5;
	v6 =	vadd.f32 v19, v6;
	v5 =	vld [tilespmem:s0+$0xA0]  }
.Ltmp4:
0xe1: {  	v12 =	vadd.f32 v12, v7;
	v9 =	vadd.f32 v14, v9;
	v7 =	vld [tilespmem:s0+$0xB0];
	(pc) =	sbr.rel @p1 .LBB2_10-.Ltmp4, $4  }
0xe2: {  	v14 =	vadd.f32 v20, v16;
	v16 =	vadd.f32 v17, v6;
	v6 =	vld [tilespmem:s0+$0xE0]  }
0xe3: {  	v17 =	vadd.f32 v8, v12;
	v19 =	vadd.f32 v11, v9;
	v9 =	vld [tilespmem:s0+$0xF0]  }
0xe4: {  	v12 =	vadd.f32 v18, v14;
	v11 =	vadd.f32 v15, v16;
	v8 =	vld [tilespmem:s0+$0x120]  }
0xe5: {  	v14 =	vadd.f32 v13, v17;
	v13 =	vadd.f32 v10, v19;
	v10 =	vld [tilespmem:s0+$0x130];
	s0 =	sadd.s32 $0x280, s0  }
0xe6: {  	_ = 	snop  }
0xe7: {  	v5 =	vadd.f32 v5, v12;
	v3 =	vadd.f32 v3, v14  }
0xe8: {  	v7 =	vadd.f32 v7, v11;
	v4 =	vadd.f32 v4, v13  }
0xe9: {  	v5 =	vadd.f32 v6, v5;
	v1 =	vadd.f32 v1, v3  }
0xea: {  	v3 =	vadd.f32 v9, v7;
	v2 =	vadd.f32 v2, v4  }
0xeb: {  	s0 =	sadd.s32 @!p0 $0x5, s29;
	v4 =	vadd.f32 v8, v5;
	v1 =	vmul.f32 v1, v0  }
0xec: {  	s1 =	sand.u32 @!p0 $0x1D, s0;
	v3 =	vadd.f32 v10, v3;
	v2 =	vmul.f32 v2, v0  }
0xed: {  	s0 =	sshll.u32 @!p0 s0, $0x1A;
	s1 =	smul.u32 @!p0 $0x320, s1;
	[tilespmem:s30+$0xFA40] =	vst v1;
	v1 =	vmul.f32 v4, v0  }
0xee: {  	s0 =	sshra.s32 @!p0 s0, $0x1F;
	[tilespmem:s30+$0xFA50] =	vst v2;
	v2 =	vmul.f32 v3, v0  }
0xef: {  	s0 =	sand.u32 @!p0 $0x1900, s0;
	s1 =	sshrl.u32 @!p0 s1, $0x2;
	[tilespmem:s30+$0xFA60] =	vst v1  }
0xf0: {  	s10 =	simm.s32 @!p0 $0x6400;
	s0 =	sadd.s32 @!p0 s1, s0;
	s1 =	simm.s32 @!p0 $0xC8;
	[tilespmem:s30+$0xFA70] =	vst v2  }
0xf1: {  	[tilespmem:s10], [sflag:$0x2] =	stream.indirect.gather @!p0 [hbm4b:s5+s1], $0x40, s0, s1, $0xb8;
	[tilespmem:$0x10210] =	vst v63  }
0xf2: {  	_ =	swait.ge [sflag:s21], $0x3200  }
0xf3: {  	[sflag:s21] =	ssyncset.done $0x0  }
0xf4: {  	s10 =	simm.s32 $0x9740;
	[sflag:s21] =	ssyncadd.s32 $0xFFFFCE00  }
0xf5: {  	v1 =	vld [tilespmem:s10+$0x100]  }
0xf6: {  	v2 =	vld [tilespmem:s10+$0x110]  }
0xf7: {  	v3 =	vld [tilespmem:s10+$0xC0]  }
0xf8: {  	v4 =	vld [tilespmem:s10+$0xD0]  }
0xf9: {  	v10 =	vld [tilespmem:s10+$0x80]  }
0xfa: {  	v13 =	vld [tilespmem:s10+$0x90]  }
0xfb: {  	v8 =	vld [tilespmem:s10+$0x40]  }
0xfc: {  	v9 =	vld [tilespmem:s10+$0x50]  }
0xfd: {  	v6 =	vld [tilespmem:s10+$0x0]  }
0xfe: {  	v7 =	vld [tilespmem:s10+$0x10]  }
0xff: {  	v5 =	vld [tilespmem:s10+$0xFFFFFFC0]  }
0x100: {  	v11 =	vld [tilespmem:s10+$0xFFFFFFD0]  }
0x101: {  	v12 =	vld [tilespmem:s10+$0xFFFFFF80]  }
0x102: {  	v14 =	vld [tilespmem:s10+$0xFFFFFF90]  }
0x103: {  	v15 =	vld [tilespmem:s10+$0xFFFFFF40]  }
0x104: {  	v16 =	vld [tilespmem:s10+$0xFFFFFF50]  }
0x105: {  	v17 =	vld [tilespmem:s10+$0xFFFFFF00]  }
0x106: {  	v18 =	vld [tilespmem:s10+$0xFFFFFF10]  }
0x107: {  	v19 =	vld [tilespmem:s10+$0xFFFFFEC0]  }
0x108: {  	v20 =	vld [tilespmem:s10+$0xFFFFFED0]  }
0x109: {  	v21 =	vld [tilespmem:s10+$0xFFFFFEE0]  }
0x10a: {  	v22 =	vld [tilespmem:s10+$0xFFFFFEF0]  }
0x10b: {  	v23 =	vld [tilespmem:s10+$0xFFFFFF20]  }
0x10c: {  	v24 =	vld [tilespmem:s10+$0xFFFFFF30]  }
0x10d: {  	v25 =	vimm.f32 $0.0e+00;
	v26 =	vld [tilespmem:s10+$0xFFFFFF60]  }
0x10e: {  	v27 =	vld [tilespmem:s10+$0xFFFFFF70];
	v19 =	vadd.f32 v19, v25;
	v20 =	vadd.f32 v20, v25  }
0x10f: {  	v50 =	vld [tilespmem:s10+$0xFFFFFFA0];
	v21 =	vadd.f32 v21, v25;
	v22 =	vadd.f32 v22, v25  }
0x110: {  	v51 =	vld [tilespmem:s10+$0xFFFFFFB0];
	v17 =	vadd.f32 v17, v19;
	v18 =	vadd.f32 v18, v20  }
0x111: {  	v54 =	vld [tilespmem:s10+$0xFFFFFFE0];
	v52 =	vadd.f32 v23, v21;
	v53 =	vadd.f32 v24, v22  }
0x112: {  	v55 =	vld [tilespmem:s10+$0xFFFFFFF0];
	v15 =	vadd.f32 v15, v17;
	v16 =	vadd.f32 v16, v18  }
0x113: {  	v58 =	vld [tilespmem:s10+$0x20];
	v56 =	vadd.f32 v26, v52;
	v57 =	vadd.f32 v27, v53  }
0x114: {  	v12 =	vadd.f32 v12, v15;
	v14 =	vadd.f32 v14, v16;
	v15 =	vld [tilespmem:s10+$0x30]  }
0x115: {  	v61 =	vld [tilespmem:s10+$0x60];
	v59 =	vadd.f32 v50, v56;
	v60 =	vadd.f32 v51, v57  }
0x116: {  	v12 =	vadd.f32 v5, v12;
	v11 =	vadd.f32 v11, v14;
	v14 =	vld [tilespmem:s10+$0x70]  }
0x117: {  	v16 =	vadd.f32 v54, v59;
	v17 =	vadd.f32 v55, v60;
	v5 =	vld [tilespmem:s10+$0xA0]  }
0x118: {  	v12 =	vadd.f32 v6, v12;
	v11 =	vadd.f32 v7, v11;
	v7 =	vld [tilespmem:s10+$0xB0]  }
0x119: {  	v16 =	vadd.f32 v58, v16;
	v6 =	vld [tilespmem:s10+$0xE0];
	v15 =	vadd.f32 v15, v17  }
0x11a: {  	v62 =	vadd.f32 v8, v12;
	v63 =	vadd.f32 v9, v11;
	v9 =	vld [tilespmem:s10+$0xF0]  }
0x11b: {  	v12 =	vadd.f32 v61, v16;
	v8 =	vld [tilespmem:s10+$0x120];
	v11 =	vadd.f32 v14, v15  }
0x11c: {  	s31 =	simm.s32 $0x0;
	s0 =	simm.s32 $0x99C0;
	v14 =	vadd.f32 v10, v62;
	v13 =	vadd.f32 v13, v63;
	v10 =	vld [tilespmem:s10+$0x130]  }
.LBB2_12:
0x11d: {  	v15 =	vld [tilespmem:s0+$0x100];
	v5 =	vadd.f32 v5, v12;
	v7 =	vadd.f32 v7, v11  }
0x11e: {  	v11 =	vld [tilespmem:s0+$0x110];
	v12 =	vadd.f32 v3, v14;
	v13 =	vadd.f32 v4, v13  }
0x11f: {  	v3 =	vld [tilespmem:s0+$0xC0];
	v5 =	vadd.f32 v6, v5;
	v6 =	vadd.f32 v9, v7  }
0x120: {  	v4 =	vld [tilespmem:s0+$0xD0];
	v7 =	vadd.f32 v1, v12;
	v9 =	vadd.f32 v2, v13  }
0x121: {  	v13 =	vld [tilespmem:s0+$0x80];
	v5 =	vadd.f32 v8, v5;
	v6 =	vadd.f32 v10, v6  }
0x122: {  	v10 =	vld [tilespmem:s0+$0x90];
	v1 =	vmov v15  }
0x123: {  	v8 =	vld [tilespmem:s0+$0x40];
	v2 =	vmov v11  }
0x124: {  	v11 =	vld [tilespmem:s0+$0x50]  }
0x125: {  	v12 =	vld [tilespmem:s0+$0x0]  }
0x126: {  	v14 =	vld [tilespmem:s0+$0x10]  }
0x127: {  	v15 =	vld [tilespmem:s0+$0xFFFFFFC0]  }
0x128: {  	v16 =	vld [tilespmem:s0+$0xFFFFFFD0]  }
0x129: {  	v17 =	vld [tilespmem:s0+$0xFFFFFF80]  }
0x12a: {  	v18 =	vld [tilespmem:s0+$0xFFFFFF90]  }
0x12b: {  	v19 =	vld [tilespmem:s0+$0xFFFFFF40]  }
0x12c: {  	v20 =	vld [tilespmem:s0+$0xFFFFFF50]  }
0x12d: {  	v21 =	vld [tilespmem:s0+$0xFFFFFF00]  }
0x12e: {  	v22 =	vld [tilespmem:s0+$0xFFFFFF10]  }
0x12f: {  	v23 =	vld [tilespmem:s0+$0xFFFFFEC0]  }
0x130: {  	v24 =	vld [tilespmem:s0+$0xFFFFFED0]  }
0x131: {  	v25 =	vld [tilespmem:s0+$0xFFFFFEE0]  }
0x132: {  	s31 =	sadd.s32 $0xA, s31;
	v26 =	vld [tilespmem:s0+$0xFFFFFEF0]  }
0x133: {  	p1 =	slt.u32 s31, $0xBE;
	v27 =	vld [tilespmem:s0+$0xFFFFFF20]  }
0x134: {  	v28 =	vld [tilespmem:s0+$0xFFFFFF30]  }
0x135: {  	v29 =	vld [tilespmem:s0+$0xFFFFFF60]  }
0x136: {  	v7 =	vadd.f32 v23, v7;
	v9 =	vadd.f32 v24, v9;
	v23 =	vld [tilespmem:s0+$0xFFFFFF70]  }
0x137: {  	v5 =	vadd.f32 v25, v5;
	v6 =	vadd.f32 v26, v6;
	v24 =	vld [tilespmem:s0+$0xFFFFFFA0]  }
0x138: {  	v7 =	vadd.f32 v21, v7;
	v9 =	vadd.f32 v22, v9;
	v21 =	vld [tilespmem:s0+$0xFFFFFFB0]  }
0x139: {  	v5 =	vadd.f32 v27, v5;
	v6 =	vadd.f32 v28, v6;
	v22 =	vld [tilespmem:s0+$0xFFFFFFE0]  }
0x13a: {  	v7 =	vadd.f32 v19, v7;
	v9 =	vadd.f32 v20, v9;
	v19 =	vld [tilespmem:s0+$0xFFFFFFF0]  }
0x13b: {  	v5 =	vadd.f32 v29, v5;
	v6 =	vadd.f32 v23, v6;
	v20 =	vld [tilespmem:s0+$0x20]  }
0x13c: {  	v7 =	vadd.f32 v17, v7;
	v9 =	vadd.f32 v18, v9;
	v17 =	vld [tilespmem:s0+$0x30]  }
0x13d: {  	v5 =	vadd.f32 v24, v5;
	v6 =	vadd.f32 v21, v6;
	v18 =	vld [tilespmem:s0+$0x60]  }
0x13e: {  	v7 =	vadd.f32 v15, v7;
	v9 =	vadd.f32 v16, v9;
	v15 =	vld [tilespmem:s0+$0x70]  }
0x13f: {  	v16 =	vadd.f32 v22, v5;
	v6 =	vadd.f32 v19, v6;
	v5 =	vld [tilespmem:s0+$0xA0]  }
.Ltmp5:
0x140: {  	v12 =	vadd.f32 v12, v7;
	v9 =	vadd.f32 v14, v9;
	v7 =	vld [tilespmem:s0+$0xB0];
	(pc) =	sbr.rel @p1 .LBB2_12-.Ltmp5, $4  }
0x141: {  	v14 =	vadd.f32 v20, v16;
	v16 =	vadd.f32 v17, v6;
	v6 =	vld [tilespmem:s0+$0xE0]  }
0x142: {  	v17 =	vadd.f32 v8, v12;
	v19 =	vadd.f32 v11, v9;
	v9 =	vld [tilespmem:s0+$0xF0]  }
0x143: {  	v12 =	vadd.f32 v18, v14;
	v11 =	vadd.f32 v15, v16;
	v8 =	vld [tilespmem:s0+$0x120]  }
0x144: {  	v14 =	vadd.f32 v13, v17;
	v13 =	vadd.f32 v10, v19;
	v10 =	vld [tilespmem:s0+$0x130];
	s0 =	sadd.s32 $0x280, s0  }
0x145: {  	_ = 	snop  }
0x146: {  	v5 =	vadd.f32 v5, v12;
	v3 =	vadd.f32 v3, v14  }
0x147: {  	v7 =	vadd.f32 v7, v11;
	v4 =	vadd.f32 v4, v13  }
0x148: {  	v5 =	vadd.f32 v6, v5;
	v1 =	vadd.f32 v1, v3  }
0x149: {  	v3 =	vadd.f32 v9, v7;
	v2 =	vadd.f32 v2, v4  }
0x14a: {  	s0 =	sadd.s32 @!p0 $0x6, s29;
	v4 =	vadd.f32 v8, v5;
	v1 =	vmul.f32 v1, v0  }
0x14b: {  	s1 =	sand.u32 @!p0 $0x1E, s0;
	v3 =	vadd.f32 v10, v3;
	v2 =	vmul.f32 v2, v0  }
0x14c: {  	s0 =	sshll.u32 @!p0 s0, $0x1A;
	s1 =	smul.u32 @!p0 $0x320, s1;
	[tilespmem:s30+$0xFA80] =	vst v1;
	v1 =	vmul.f32 v4, v0  }
0x14d: {  	s0 =	sshra.s32 @!p0 s0, $0x1F;
	[tilespmem:s30+$0xFA90] =	vst v2;
	v2 =	vmul.f32 v3, v0  }
0x14e: {  	s0 =	sand.u32 @!p0 $0x1900, s0;
	s1 =	sshrl.u32 @!p0 s1, $0x2;
	[tilespmem:s30+$0xFAA0] =	vst v1  }
0x14f: {  	s10 =	simm.s32 @!p0 $0x9600;
	s0 =	sadd.s32 @!p0 s1, s0;
	s1 =	simm.s32 @!p0 $0xC8;
	[tilespmem:s30+$0xFAB0] =	vst v2  }
0x150: {  	[tilespmem:s10], [sflag:$0x3] =	stream.indirect.gather @!p0 [hbm4b:s5+s1], $0x40, s0, s1, $0xb8;
	[tilespmem:$0x10210] =	vst v63  }
0x151: {  	_ =	swait.ge [sflag:s22], $0x3200  }
0x152: {  	[sflag:s22] =	ssyncset.done $0x0  }
0x153: {  	s31 =	simm.s32 $0xC940;
	[sflag:s22] =	ssyncadd.s32 $0xFFFFCE00  }
0x154: {  	v1 =	vld [tilespmem:s31+$0x100]  }
0x155: {  	v2 =	vld [tilespmem:s31+$0x110]  }
0x156: {  	v3 =	vld [tilespmem:s31+$0xC0]  }
0x157: {  	v4 =	vld [tilespmem:s31+$0xD0]  }
0x158: {  	v10 =	vld [tilespmem:s31+$0x80]  }
0x159: {  	v13 =	vld [tilespmem:s31+$0x90]  }
0x15a: {  	v8 =	vld [tilespmem:s31+$0x40]  }
0x15b: {  	v9 =	vld [tilespmem:s31+$0x50]  }
0x15c: {  	v6 =	vld [tilespmem:s31+$0x0]  }
0x15d: {  	v7 =	vld [tilespmem:s31+$0x10]  }
0x15e: {  	v5 =	vld [tilespmem:s31+$0xFFFFFFC0]  }
0x15f: {  	v11 =	vld [tilespmem:s31+$0xFFFFFFD0]  }
0x160: {  	v12 =	vld [tilespmem:s31+$0xFFFFFF80]  }
0x161: {  	v14 =	vld [tilespmem:s31+$0xFFFFFF90]  }
0x162: {  	v15 =	vld [tilespmem:s31+$0xFFFFFF40]  }
0x163: {  	v16 =	vld [tilespmem:s31+$0xFFFFFF50]  }
0x164: {  	v17 =	vld [tilespmem:s31+$0xFFFFFF00]  }
0x165: {  	v18 =	vld [tilespmem:s31+$0xFFFFFF10]  }
0x166: {  	v19 =	vld [tilespmem:s31+$0xFFFFFEC0]  }
0x167: {  	v20 =	vld [tilespmem:s31+$0xFFFFFED0]  }
0x168: {  	v21 =	vld [tilespmem:s31+$0xFFFFFEE0]  }
0x169: {  	v22 =	vld [tilespmem:s31+$0xFFFFFEF0]  }
0x16a: {  	v23 =	vld [tilespmem:s31+$0xFFFFFF20]  }
0x16b: {  	v24 =	vld [tilespmem:s31+$0xFFFFFF30]  }
0x16c: {  	v25 =	vimm.f32 $0.0e+00;
	v26 =	vld [tilespmem:s31+$0xFFFFFF60]  }
0x16d: {  	v27 =	vld [tilespmem:s31+$0xFFFFFF70];
	v19 =	vadd.f32 v19, v25;
	v20 =	vadd.f32 v20, v25  }
0x16e: {  	v50 =	vld [tilespmem:s31+$0xFFFFFFA0];
	v21 =	vadd.f32 v21, v25;
	v22 =	vadd.f32 v22, v25  }
0x16f: {  	v51 =	vld [tilespmem:s31+$0xFFFFFFB0];
	v17 =	vadd.f32 v17, v19;
	v18 =	vadd.f32 v18, v20  }
0x170: {  	v54 =	vld [tilespmem:s31+$0xFFFFFFE0];
	v52 =	vadd.f32 v23, v21;
	v53 =	vadd.f32 v24, v22  }
0x171: {  	v55 =	vld [tilespmem:s31+$0xFFFFFFF0];
	v15 =	vadd.f32 v15, v17;
	v16 =	vadd.f32 v16, v18  }
0x172: {  	v58 =	vld [tilespmem:s31+$0x20];
	v56 =	vadd.f32 v26, v52;
	v57 =	vadd.f32 v27, v53  }
0x173: {  	v12 =	vadd.f32 v12, v15;
	v14 =	vadd.f32 v14, v16;
	v15 =	vld [tilespmem:s31+$0x30]  }
0x174: {  	v61 =	vld [tilespmem:s31+$0x60];
	v59 =	vadd.f32 v50, v56;
	v60 =	vadd.f32 v51, v57  }
0x175: {  	v12 =	vadd.f32 v5, v12;
	v11 =	vadd.f32 v11, v14;
	v14 =	vld [tilespmem:s31+$0x70]  }
0x176: {  	v16 =	vadd.f32 v54, v59;
	v17 =	vadd.f32 v55, v60;
	v5 =	vld [tilespmem:s31+$0xA0]  }
0x177: {  	v12 =	vadd.f32 v6, v12;
	v11 =	vadd.f32 v7, v11;
	v7 =	vld [tilespmem:s31+$0xB0]  }
0x178: {  	v16 =	vadd.f32 v58, v16;
	v6 =	vld [tilespmem:s31+$0xE0];
	v15 =	vadd.f32 v15, v17  }
0x179: {  	v62 =	vadd.f32 v8, v12;
	v63 =	vadd.f32 v9, v11;
	v9 =	vld [tilespmem:s31+$0xF0]  }
0x17a: {  	v12 =	vadd.f32 v61, v16;
	v8 =	vld [tilespmem:s31+$0x120];
	v11 =	vadd.f32 v14, v15  }
0x17b: {  	s29 =	simm.s32 $0x0;
	s0 =	simm.s32 $0xCBC0;
	v14 =	vadd.f32 v10, v62;
	v13 =	vadd.f32 v13, v63;
	v10 =	vld [tilespmem:s31+$0x130]  }
.LBB2_14:
0x17c: {  	v15 =	vld [tilespmem:s0+$0x100];
	v5 =	vadd.f32 v5, v12;
	v7 =	vadd.f32 v7, v11  }
0x17d: {  	v11 =	vld [tilespmem:s0+$0x110];
	v12 =	vadd.f32 v3, v14;
	v13 =	vadd.f32 v4, v13  }
0x17e: {  	v3 =	vld [tilespmem:s0+$0xC0];
	v5 =	vadd.f32 v6, v5;
	v6 =	vadd.f32 v9, v7  }
0x17f: {  	v4 =	vld [tilespmem:s0+$0xD0];
	v7 =	vadd.f32 v1, v12;
	v9 =	vadd.f32 v2, v13  }
0x180: {  	v13 =	vld [tilespmem:s0+$0x80];
	v5 =	vadd.f32 v8, v5;
	v6 =	vadd.f32 v10, v6  }
0x181: {  	v10 =	vld [tilespmem:s0+$0x90];
	v1 =	vmov v15  }
0x182: {  	v8 =	vld [tilespmem:s0+$0x40];
	v2 =	vmov v11  }
0x183: {  	v11 =	vld [tilespmem:s0+$0x50]  }
0x184: {  	v12 =	vld [tilespmem:s0+$0x0]  }
0x185: {  	v14 =	vld [tilespmem:s0+$0x10]  }
0x186: {  	v15 =	vld [tilespmem:s0+$0xFFFFFFC0]  }
0x187: {  	v16 =	vld [tilespmem:s0+$0xFFFFFFD0]  }
0x188: {  	v17 =	vld [tilespmem:s0+$0xFFFFFF80]  }
0x189: {  	v18 =	vld [tilespmem:s0+$0xFFFFFF90]  }
0x18a: {  	v19 =	vld [tilespmem:s0+$0xFFFFFF40]  }
0x18b: {  	v20 =	vld [tilespmem:s0+$0xFFFFFF50]  }
0x18c: {  	v21 =	vld [tilespmem:s0+$0xFFFFFF00]  }
0x18d: {  	v22 =	vld [tilespmem:s0+$0xFFFFFF10]  }
0x18e: {  	v23 =	vld [tilespmem:s0+$0xFFFFFEC0]  }
0x18f: {  	v24 =	vld [tilespmem:s0+$0xFFFFFED0]  }
0x190: {  	v25 =	vld [tilespmem:s0+$0xFFFFFEE0]  }
0x191: {  	s29 =	sadd.s32 $0xA, s29;
	v26 =	vld [tilespmem:s0+$0xFFFFFEF0]  }
0x192: {  	p0 =	slt.u32 s29, $0xBE;
	v27 =	vld [tilespmem:s0+$0xFFFFFF20]  }
0x193: {  	v28 =	vld [tilespmem:s0+$0xFFFFFF30]  }
0x194: {  	v29 =	vld [tilespmem:s0+$0xFFFFFF60]  }
0x195: {  	v7 =	vadd.f32 v23, v7;
	v9 =	vadd.f32 v24, v9;
	v23 =	vld [tilespmem:s0+$0xFFFFFF70]  }
0x196: {  	v5 =	vadd.f32 v25, v5;
	v6 =	vadd.f32 v26, v6;
	v24 =	vld [tilespmem:s0+$0xFFFFFFA0]  }
0x197: {  	v7 =	vadd.f32 v21, v7;
	v9 =	vadd.f32 v22, v9;
	v21 =	vld [tilespmem:s0+$0xFFFFFFB0]  }
0x198: {  	v5 =	vadd.f32 v27, v5;
	v6 =	vadd.f32 v28, v6;
	v22 =	vld [tilespmem:s0+$0xFFFFFFE0]  }
0x199: {  	v7 =	vadd.f32 v19, v7;
	v9 =	vadd.f32 v20, v9;
	v19 =	vld [tilespmem:s0+$0xFFFFFFF0]  }
0x19a: {  	v5 =	vadd.f32 v29, v5;
	v6 =	vadd.f32 v23, v6;
	v20 =	vld [tilespmem:s0+$0x20]  }
0x19b: {  	v7 =	vadd.f32 v17, v7;
	v9 =	vadd.f32 v18, v9;
	v17 =	vld [tilespmem:s0+$0x30]  }
0x19c: {  	v5 =	vadd.f32 v24, v5;
	v6 =	vadd.f32 v21, v6;
	v18 =	vld [tilespmem:s0+$0x60]  }
0x19d: {  	v7 =	vadd.f32 v15, v7;
	v9 =	vadd.f32 v16, v9;
	v15 =	vld [tilespmem:s0+$0x70]  }
0x19e: {  	v16 =	vadd.f32 v22, v5;
	v6 =	vadd.f32 v19, v6;
	v5 =	vld [tilespmem:s0+$0xA0]  }
.Ltmp6:
0x19f: {  	v12 =	vadd.f32 v12, v7;
	v9 =	vadd.f32 v14, v9;
	v7 =	vld [tilespmem:s0+$0xB0];
	(pc) =	sbr.rel @p0 .LBB2_14-.Ltmp6, $4  }
0x1a0: {  	v14 =	vadd.f32 v20, v16;
	v16 =	vadd.f32 v17, v6;
	v6 =	vld [tilespmem:s0+$0xE0]  }
0x1a1: {  	v17 =	vadd.f32 v8, v12;
	v19 =	vadd.f32 v11, v9;
	v9 =	vld [tilespmem:s0+$0xF0]  }
0x1a2: {  	v12 =	vadd.f32 v18, v14;
	v11 =	vadd.f32 v15, v16;
	v8 =	vld [tilespmem:s0+$0x120]  }
0x1a3: {  	v14 =	vadd.f32 v13, v17;
	v13 =	vadd.f32 v10, v19;
	v10 =	vld [tilespmem:s0+$0x130];
	s0 =	sadd.s32 $0x280, s0  }
0x1a4: {  	_ = 	snop  }
0x1a5: {  	v5 =	vadd.f32 v5, v12;
	v3 =	vadd.f32 v3, v14  }
0x1a6: {  	v7 =	vadd.f32 v7, v11;
	v4 =	vadd.f32 v4, v13  }
0x1a7: {  	v5 =	vadd.f32 v6, v5;
	v1 =	vadd.f32 v1, v3  }
0x1a8: {  	v3 =	vadd.f32 v9, v7;
	v2 =	vadd.f32 v2, v4  }
0x1a9: {  	v63 =	vadd.f32 v8, v5;
	v1 =	vmul.f32 v1, v0  }
0x1aa: {  	s0 =	sshll.u32 s28, $0x6;
	v3 =	vadd.f32 v10, v3;
	v2 =	vmul.f32 v2, v0  }
0x1ab: {  	[tilespmem:s0+$0xFA00] =	vst v1;
	v1 =	vmul.f32 v63, v0  }
0x1ac: {  	p0 =	sne.s32 s26, $0x1C;
	[tilespmem:s0+$0xFA10] =	vst v2;
	v2 =	vmul.f32 v3, v0  }
0x1ad: {  	s24 =	sadd.s32 $0x1, s24;
	s1 =	sshll.u32 @!p0 s25, $0x8;
	s10 =	simm.s32 @!p0 $0xFA00;
	[tilespmem:s0+$0xFA20] =	vst v1  }
0x1ae: {  	p1 =	sne.s32 s24, $0x80;
	[tilespmem:s0+$0xFA30] =	vst v2;
	s0 =	sadd.s32 @!p0 s1, s8;
	s1 =	simm.s32 @!p0 $0x0  }
0x1af: {  	[hbm4b:s0+s1] =	stream.linear.scatter @!p0 [tilespmem:s10], [sflag:$0x5], $0x800, $0x38;
	[tilespmem:$0x10210] =	vst v63  }
.Ltmp7:
0x1b0: {  	_ = 	snop;
	(pc) =	sbr.rel @p1 .LBB2_2-.Ltmp7, $4  }
.Ltmp8:
0x1b1: {  	s0 =	simm.s32 @!p0 $0x5;
	(pc) =	sbr.rel @!p1 .LBB2_16-.Ltmp8, $4  }
0x1b2: {  	_ =	swait.ge @!p0 [sflag:s0], $0x800  }
0x1b3: {  	[sflag:s0] =	ssyncset.done @!p0 $0x0  }
0x1b4: {  	[sflag:s0] =	ssyncadd.s32 @!p0 $0xFFFFF800  }
0x1b5: {  	_ = 	snop  }
.LBB2_6:
.Ltmp9:
0x1b6: {  	(pc) =	sbr.rel @p0 .LBB2_9-.Ltmp9, $1  }
0x1b7: {  	_ =	sdelay $0x3  }
.Ltmp10:
0x1b8: {  	(pc) =	sbr.rel .LBB2_8-.Ltmp10, $2  }
0x1b9: {  	_ =	sdelay $0x2  }
0x1ba: {  	s31 =	sand.u32 $0x20, s31  }
.LBB2_17:
0x1bb: {  	_ =	sfence.sel $0x180000  }
0x1bc: {  	[bflag:$0x0] =	sbarrier.arrive $0xFFFF  }
0x1bd: {  	_ =	strace $0x90000047  }
0x1be: {  	s0 =	stileid.u32;
	[bflag:$0x2] =	sbarrier.arrive $0xFFFF  }
0x1bf: {  	p0 =	sne.s32 s0, $0x0;
	s0 =	rddreg [dreg:$0x2]  }
0x1c0: {  	s0 =	sadd.s32 @!p0 $0x100000, s0  }
0x1c1: {  	[sflag:s0] =	ssyncadd.tile.s32 @!p0 $0x1;
	_ =	shalt  }
.Lfunc_end2:
_tile_overlayer_lowered:
.L_overlay_start_2:
0x1c2: {  	(tag) =	ssettag $0x2  }
0x1c3: {  	s0 =	rddreg [dreg:$0x0];
	s2 =	stileid.u32  }
0x1c4: {  	s1 =	rddreg [dreg:$0x1];
	p0 =	sne.s32 s2, $0x0  }
0x1c5: {  	s3 =	rddreg [dreg:$0x2];
	[bflag:$0x3] =	sbarrier.arrive $0xFFFF;
	s2 =	simm.s32 @!p0 $0x1C05  }
0x1c6: {  	[timem:s3], [sflag:s2] =	dma.local @!p0 [hbm:s0], s1  }
0x1c7: {  	s0 =	simm.s32 @!p0 $0x5  }
0x1c8: {  	_ =	swait.ge @!p0 [sflag:s0], s1  }
0x1c9: {  	s1 =	ssub.s32 @!p0 $0x0, s1;
	[sflag:s0] =	ssyncset.done @!p0 $0x0  }
0x1ca: {  	[sflag:s0] =	ssyncadd.s32 @!p0 s1  }
0x1cb: {  	[bflag:$0x3] =	sbarrier.arrive $0xFFFF  }
0x1cc: {  	_ =	shalt  }

</sc_bundles>
